<compile_context>
chip_gen: v7x
topology: tpu7x:2x2x1
jax: 0.10.2.dev20260603
libtpu: 0.0.44.dev20260713+nightly
codegen_flags: <defaults>
</compile_context>

<pallas_src>
import functools

import jax
import jax.numpy as jnp
from jax import lax
from jax.experimental import pallas as pl
from jax.experimental.pallas import tpu as pltpu
from jax.experimental.pallas import tpu_sc as plsc

N = 10000
E = 320000
D = 128
OUT = 2
OUTP = 16

NC = 2
NS = 16
NW = NC * NS
NP = 10240
RPS = NP // NS
JUNK = N
C = 64
K = 160
EP = NW * K * C
TBLK = NP // 4


def _sc_agg(with_deg):
    out_type = [jax.ShapeDtypeStruct((NC, NP, D), jnp.float32)]
    scratch = [
        pltpu.VMEM((4, 2, C), jnp.int32),
        pltpu.VMEM((2, C, D), jnp.float32),
        pltpu.VMEM_SHARED((NP, D), jnp.float32),
    ]
    scratch += [pltpu.SemaphoreType.DMA] * 4
    scratch += [pltpu.SemaphoreType.DMA] * 2
    scratch += [pltpu.SemaphoreType.DMA] * 2
    if with_deg:
        out_type.append(jax.ShapeDtypeStruct((NC, NP), jnp.float32))
        scratch += [
            pltpu.VMEM((C,), jnp.float32),
            pltpu.VMEM((RPS,), jnp.float32),
            pltpu.VMEM_SHARED((NP,), jnp.float32),
        ]
        scratch += [pltpu.SemaphoreType.DMA] * 2

    mesh = plsc.VectorSubcoreMesh(core_axis_name="c", subcore_axis_name="s")

    @functools.partial(pl.kernel, out_type=out_type, mesh=mesh,
                       scratch_types=scratch)
    def body(tab_hbm, idx_hbm, *rest):
        if with_deg:
            agg_hbm, deg_hbm = rest[:2]
            rest = rest[2:]
        else:
            agg_hbm = rest[0]
            rest = rest[1:]
        idx_v, rows_v, acc_sh = rest[:3]
        isem = rest[3:7]
        rsem = rest[7:9]
        ssem = rest[9:11]
        if with_deg:
            ones_v, zdeg_v, deg_sh = rest[11:14]
            dsem = rest[14:16]
        cid = lax.axis_index("c")
        sid = lax.axis_index("s")
        w = sid * NC + cid
        sl = pl.ds(sid * RPS, RPS)

        z16 = jnp.zeros((16,), jnp.float32)

        @pl.loop(0, C)
        def _zrow(r):
            for co in range(D // 16):
                rows_v[0, r, pl.ds(co * 16, 16)] = z16

        for t in range(RPS // C):
            pltpu.sync_copy(rows_v.at[0], acc_sh.at[pl.ds(sid * RPS + t * C, C)])
        if with_deg:
            for co in range(C // 16):
                ones_v[pl.ds(co * 16, 16)] = jnp.ones((16,), jnp.float32)

            @pl.loop(0, RPS // 16)
            def _zdeg(i):
                zdeg_v[pl.ds(i * 16, 16)] = z16

            pltpu.sync_copy(zdeg_v, deg_sh.at[sl])
        plsc.subcore_barrier()

        for s in range(4):
            pltpu.async_copy(idx_hbm.at[w, s], idx_v.at[s], isem[s])
        for g in range(1):
            pltpu.make_async_copy(idx_hbm.at[w, g], idx_v.at[g],
                                  isem[g]).wait()
            pltpu.async_copy(tab_hbm.at[idx_v.at[g, 0]], rows_v.at[g],
                             rsem[g])

        def step(j):
            for b in range(4):
                jj = j + b
                r = b % 2
                rp = 1 - r
                sp = (b + 3) % 4
                sn = (b + 1) % 4
                pltpu.make_async_copy(
                    tab_hbm.at[idx_v.at[b, 0]], rows_v.at[r],
                    rsem[r]).wait()
                pltpu.async_copy(rows_v.at[r], acc_sh.at[idx_v.at[b, 1]],
                                 ssem[r], add=True)
                if with_deg:
                    pltpu.async_copy(ones_v, deg_sh.at[idx_v.at[b, 1]],
                                     dsem[r], add=True)

                @pl.when(jj >= 1)
                def _():
                    pltpu.make_async_copy(
                        rows_v.at[rp], acc_sh.at[idx_v.at[sp, 1]],
                        ssem[rp]).wait()
                    if with_deg:
                        pltpu.make_async_copy(
                            ones_v, deg_sh.at[idx_v.at[sp, 1]],
                            dsem[rp]).wait()

                    @pl.when(jj + 3 < K)
                    def _():
                        pltpu.async_copy(idx_hbm.at[w, jj + 3],
                                         idx_v.at[sp], isem[sp])

                @pl.when(jj + 1 < K)
                def _():
                    pltpu.make_async_copy(
                        idx_hbm.at[w, jj + 1], idx_v.at[sn],
                        isem[sn]).wait()
                    pltpu.async_copy(tab_hbm.at[idx_v.at[sn, 0]],
                                     rows_v.at[rp], rsem[rp])

        pl.loop(0, K, step=4)(step)
        rl = (K - 1) % 2
        pltpu.make_async_copy(
            rows_v.at[rl], acc_sh.at[idx_v.at[(K - 1) % 4, 1]],
            ssem[rl]).wait()
        if with_deg:
            pltpu.make_async_copy(
                ones_v, deg_sh.at[idx_v.at[(K - 1) % 4, 1]],
                dsem[rl]).wait()
        plsc.subcore_barrier()

        pltpu.sync_copy(acc_sh.at[sl], agg_hbm.at[cid, sl])
        if with_deg:
            pltpu.sync_copy(deg_sh.at[sl], deg_hbm.at[cid, sl])

    return body


_sc_agg0 = _sc_agg(True)
_sc_agg1 = _sc_agg(False)


def _mm0_body(x_ref, wn_ref, ws_ref, xp_ref, hs_ref):
    x = x_ref[...]
    dims = (((1,), (1,)), ((), ()))
    xp_ref[...] = lax.dot_general(x, wn_ref[...], dims,
                                  preferred_element_type=jnp.float32)
    hs_ref[...] = lax.dot_general(x, ws_ref[...], dims,
                                  preferred_element_type=jnp.float32)


def _mid_body(hs_ref, agg_ref, deg_ref, b0_ref, ws1_ref, b1_ref,
              h_ref, hs1_ref):
    deg = deg_ref[0] + deg_ref[1]
    inv = 1.0 / jnp.maximum(deg, 1.0)
    h = hs_ref[...] + (agg_ref[0] + agg_ref[1]) * inv[:, None] + b0_ref[...]
    h = jnp.maximum(h, 0.0)
    h_ref[...] = h
    dims = (((1,), (1,)), ((), ()))
    hs1_ref[...] = lax.dot_general(h, ws1_ref[...], dims,
                                   preferred_element_type=jnp.float32) + b1_ref[...]


def _fin_body(hs1_ref, agg_ref, deg_ref, wn1_ref, out_ref):
    deg = deg_ref[0] + deg_ref[1]
    inv = 1.0 / jnp.maximum(deg, 1.0)
    hn = (agg_ref[0] + agg_ref[1]) * inv[:, None]
    dims = (((1,), (1,)), ((), ()))
    out_ref[...] = hs1_ref[...] + lax.dot_general(
        hn, wn1_ref[...], dims, preferred_element_type=jnp.float32)


def kernel(x, edge_index, W_self0, W_neigh0, b0, W_self1, W_neigh1, b1):
    f32 = jnp.float32
    src = edge_index[0].astype(jnp.int32)
    dst = edge_index[1].astype(jnp.int32)
    pad = EP - E
    srcs = jnp.concatenate([src, jnp.zeros((pad,), jnp.int32)]).reshape(NW, K, C)
    dsts = jnp.concatenate([dst, jnp.full((pad,), JUNK, jnp.int32)]).reshape(NW, K, C)
    idx = jnp.stack([srcs, dsts], axis=2)
    x_p = jnp.pad(x, ((0, NP - N), (0, 0)))
    wn1p = jnp.pad(W_neigh1, ((0, OUTP - OUT), (0, 0)))
    ws1p = jnp.pad(W_self1, ((0, OUTP - OUT), (0, 0)))
    b1p = jnp.pad(b1, (0, OUTP - OUT)).reshape(1, OUTP)
    b0r = b0.reshape(1, D)

    xp, hs0 = pl.pallas_call(
        _mm0_body,
        grid=(NP // TBLK,),
        in_specs=[
            pl.BlockSpec((TBLK, D), lambda i: (i, 0)),
            pl.BlockSpec((D, D), lambda i: (0, 0)),
            pl.BlockSpec((D, D), lambda i: (0, 0)),
        ],
        out_specs=[
            pl.BlockSpec((TBLK, D), lambda i: (i, 0)),
            pl.BlockSpec((TBLK, D), lambda i: (i, 0)),
        ],
        out_shape=[
            jax.ShapeDtypeStruct((NP, D), f32),
            jax.ShapeDtypeStruct((NP, D), f32),
        ],
    )(x_p, W_neigh0, W_self0)

    aggp0, degp = _sc_agg0(xp, idx)

    h, hs1 = pl.pallas_call(
        _mid_body,
        grid=(NP // TBLK,),
        in_specs=[
            pl.BlockSpec((TBLK, D), lambda i: (i, 0)),
            pl.BlockSpec((NC, TBLK, D), lambda i: (0, i, 0)),
            pl.BlockSpec((NC, TBLK), lambda i: (0, i)),
            pl.BlockSpec((1, D), lambda i: (0, 0)),
            pl.BlockSpec((OUTP, D), lambda i: (0, 0)),
            pl.BlockSpec((1, OUTP), lambda i: (0, 0)),
        ],
        out_specs=[
            pl.BlockSpec((TBLK, D), lambda i: (i, 0)),
            pl.BlockSpec((TBLK, OUTP), lambda i: (i, 0)),
        ],
        out_shape=[
            jax.ShapeDtypeStruct((NP, D), f32),
            jax.ShapeDtypeStruct((NP, OUTP), f32),
        ],
    )(hs0, aggp0, degp, b0r, ws1p, b1p)

    (aggph,) = _sc_agg1(h, idx)

    outp = pl.pallas_call(
        _fin_body,
        grid=(NP // TBLK,),
        in_specs=[
            pl.BlockSpec((TBLK, OUTP), lambda i: (i, 0)),
            pl.BlockSpec((NC, TBLK, D), lambda i: (0, i, 0)),
            pl.BlockSpec((NC, TBLK), lambda i: (0, i)),
            pl.BlockSpec((OUTP, D), lambda i: (0, 0)),
        ],
        out_specs=pl.BlockSpec((TBLK, OUTP), lambda i: (i, 0)),
        out_shape=jax.ShapeDtypeStruct((NP, OUTP), f32),
    )(hs1, aggph, degp, wn1p)

    return outp[:N, :OUT]

# --- scband reference (transcript-rebuilt; emitter-appended) ---
"""Pipeline reference for scband-gnnet-26474178412658 (READ-ONLY COPY).

The authoritative reference and input builder live on the scoring server;
editing this copy changes nothing except your own understanding.
"""

import jax, jax.numpy as jnp
import numpy as np

N_NODES = 10000
N_EDGES = 320000
D_FEAT = 128
OUT_DIM = 2

def setup_inputs(seed: int = 0) -> dict:
    key = jax.random.key(seed)
    ks = jax.random.split(key, 8)
    x = jax.random.normal(ks[0], (N_NODES, D_FEAT), dtype=jnp.float32)
    edge_index = jax.random.randint(ks[1], (2, N_EDGES), 0, N_NODES, dtype=jnp.int64)
    s0 = 1.0 / np.sqrt(D_FEAT)
    W_self0 = jax.random.uniform(ks[2], (D_FEAT, D_FEAT), minval=-s0, maxval=s0, dtype=jnp.float32)
    W_neigh0 = jax.random.uniform(ks[3], (D_FEAT, D_FEAT), minval=-s0, maxval=s0, dtype=jnp.float32)
    b0 = jnp.zeros((D_FEAT,), dtype=jnp.float32)
    W_self1 = jax.random.uniform(ks[4], (OUT_DIM, D_FEAT), minval=-s0, maxval=s0, dtype=jnp.float32)
    W_neigh1 = jax.random.uniform(ks[5], (OUT_DIM, D_FEAT), minval=-s0, maxval=s0, dtype=jnp.float32)
    b1 = jnp.zeros((OUT_DIM,), dtype=jnp.float32)
    return {"x": x, "edge_index": edge_index, "W_self0": W_self0, "W_neigh0": W_neigh0, "b0": b0, "W_self1": W_self1, "W_neigh1": W_neigh1, "b1": b1}

def _sage_conv(h, src, dst, n_nodes, W_self, W_neigh, b):
    # DGL SAGEConv, aggregator_type='mean':
    #   h_neigh[i] = mean over incoming edges (src->dst) of h[src]; 0 if no in-edges
    #   out = fc_self(h) + fc_neigh(h_neigh) + bias
    msg = jnp.take(h, src, axis=0)
    agg = jax.ops.segment_sum(msg, dst, num_segments=n_nodes)
    deg = jax.ops.segment_sum(jnp.ones((src.shape[0],), dtype=h.dtype), dst, num_segments=n_nodes)
    h_neigh = agg / jnp.maximum(deg, 1.0)[:, None]
    return h @ W_self.T + h_neigh @ W_neigh.T + b

def reference(x, edge_index, W_self0, W_neigh0, b0, W_self1, W_neigh1, b1):
    src = edge_index[0]
    dst = edge_index[1]
    n_nodes = x.shape[0]
    # GNNet.forward: n_layers=2; activation between layers only (not before conv0, not after last)
    h = _sage_conv(x, src, dst, n_nodes, W_self0, W_neigh0, b0)
    h = jax.nn.relu(h)
    h = _sage_conv(h, src, dst, n_nodes, W_self1, W_neigh1, b1)
    return h

if False:  # reference __main__ guard neutralized (emitter)
    out = reference(**setup_inputs())
    print(out.shape, out.dtype)

if __name__ == "__main__":
    import jax
    _d = setup_inputs()
    print(jax.jit(kernel)(*tuple(_d.values())))

</pallas_src>

<mosaic_0001>
#map = affine_map<(d0, d1) -> (0, 0)>
#map1 = affine_map<(d0, d1) -> (0, 0, 0, 0)>
#map2 = affine_map<(d0, d1) -> (0, 0, 0)>
module attributes {stable_mosaic.version = 14 : i64} {
  func.func @body(%arg0: i32, %arg1: i32, %arg2: memref<10240x128xf32, #tpu.memory_space<hbm>>, %arg3: memref<32x160x2x64xi32, #tpu.memory_space<hbm>>, %arg4: memref<2x10240x128xf32, #tpu.memory_space<hbm>>, %arg5: memref<2x10240xf32, #tpu.memory_space<hbm>>, %arg6: memref<4x2x64xi32, #tpu.memory_space<vmem>>, %arg7: memref<2x64x128xf32, #tpu.memory_space<vmem>>, %arg8: memref<10240x128xf32, #tpu.memory_space<vmem_shared>>, %arg9: memref<!tpu.dma_semaphore, #tpu.memory_space<semaphore_mem>>, %arg10: memref<!tpu.dma_semaphore, #tpu.memory_space<semaphore_mem>>, %arg11: memref<!tpu.dma_semaphore, #tpu.memory_space<semaphore_mem>>, %arg12: memref<!tpu.dma_semaphore, #tpu.memory_space<semaphore_mem>>, %arg13: memref<!tpu.dma_semaphore, #tpu.memory_space<semaphore_mem>>, %arg14: memref<!tpu.dma_semaphore, #tpu.memory_space<semaphore_mem>>, %arg15: memref<!tpu.dma_semaphore, #tpu.memory_space<semaphore_mem>>, %arg16: memref<!tpu.dma_semaphore, #tpu.memory_space<semaphore_mem>>, %arg17: memref<64xf32, #tpu.memory_space<vmem>>, %arg18: memref<640xf32, #tpu.memory_space<vmem>>, %arg19: memref<10240xf32, #tpu.memory_space<vmem_shared>>, %arg20: memref<!tpu.dma_semaphore, #tpu.memory_space<semaphore_mem>>, %arg21: memref<!tpu.dma_semaphore, #tpu.memory_space<semaphore_mem>>) attributes {dimension_semantics = [#tpu.dimension_semantics<core_parallel>, #tpu.dimension_semantics<subcore_parallel>], iteration_bounds = array<i64: 2, 16>, scalar_prefetch = 0 : i64, scratch_operands = 16 : i64, tpu.core_type = #tpu.core_type<sc_vector_subcore>, window_params = [{transform_indices = #map}, {transform_indices = #map1}, {transform_indices = #map2}, {transform_indices = #map}]} {
    %mul3A = arith.constant 2 : i32
    %mul3A_0 = arith.muli %arg1, %mul3A : i32
    %add3A = arith.addi %mul3A_0, %arg0 : i32
    %mul3A_1 = arith.constant 640 : i32
    %mul3A_2 = arith.muli %arg1, %mul3A_1 : i32
    %broadcast_in_dim3A = arith.constant 0.000000e+00 : f32
    %broadcast_in_dim3A_3 = vector.broadcast %broadcast_in_dim3A : f32 to vector<16xf32>
    %scan3A = arith.constant 0 : i32
    %scan3A_4 = arith.constant 64 : i32
    %scan3A_5 = arith.addi %scan3A, %scan3A_4 : i32
    %scan3A_6 = arith.constant 1 : i32
    scf.for %scan3A_212 = %scan3A to %scan3A_5 step %scan3A_6  : i32 {
      %mul3A_213 = arith.constant 1 : i32
      %mul3A_214 = arith.muli %scan3A_212, %mul3A_213 : i32
      %add3A_215 = arith.constant 0 : i32
      %add3A_216 = arith.addi %add3A_215, %mul3A_214 : i32
      %swap3A_217 = arith.constant 0 : i32
      %swap3A_218 = arith.index_cast %swap3A_217 : i32 to index
      %swap3A_219 = arith.index_cast %add3A_216 : i32 to index
      %swap3A_220 = arith.constant 0 : index
      %swap3A_221 = tpu.vector_load %arg7[%swap3A_218, %swap3A_219, %swap3A_220] {strides = array<i32>} : memref<2x64x128xf32, #tpu.memory_space<vmem>>, vector<1x1x16xf32>,
      %swap3A_222 = vector.shape_cast %swap3A_221 : vector<1x1x16xf32> to vector<16xf32>
      %swap3A_223 = vector.shape_cast %broadcast_in_dim3A_3 : vector<16xf32> to vector<1x1x16xf32>
      tpu.vector_store %arg7[%swap3A_218, %swap3A_219, %swap3A_220], %swap3A_223 {strides = array<i32>} : memref<2x64x128xf32, #tpu.memory_space<vmem>>, vector<1x1x16xf32>,
      %swap3A_224 = arith.constant 0 : i32
      %swap3A_225 = arith.index_cast %swap3A_224 : i32 to index
      %swap3A_226 = arith.index_cast %add3A_216 : i32 to index
      %swap3A_227 = arith.constant 16 : index
      %swap3A_228 = tpu.vector_load %arg7[%swap3A_225, %swap3A_226, %swap3A_227] {strides = array<i32>} : memref<2x64x128xf32, #tpu.memory_space<vmem>>, vector<1x1x16xf32>,
      %swap3A_229 = vector.shape_cast %swap3A_228 : vector<1x1x16xf32> to vector<16xf32>
      %swap3A_230 = vector.shape_cast %broadcast_in_dim3A_3 : vector<16xf32> to vector<1x1x16xf32>
      tpu.vector_store %arg7[%swap3A_225, %swap3A_226, %swap3A_227], %swap3A_230 {strides = array<i32>} : memref<2x64x128xf32, #tpu.memory_space<vmem>>, vector<1x1x16xf32>,
      %swap3A_231 = arith.constant 0 : i32
      %swap3A_232 = arith.index_cast %swap3A_231 : i32 to index
      %swap3A_233 = arith.index_cast %add3A_216 : i32 to index
      %swap3A_234 = arith.constant 32 : index
      %swap3A_235 = tpu.vector_load %arg7[%swap3A_232, %swap3A_233, %swap3A_234] {strides = array<i32>} : memref<2x64x128xf32, #tpu.memory_space<vmem>>, vector<1x1x16xf32>,
      %swap3A_236 = vector.shape_cast %swap3A_235 : vector<1x1x16xf32> to vector<16xf32>
      %swap3A_237 = vector.shape_cast %broadcast_in_dim3A_3 : vector<16xf32> to vector<1x1x16xf32>
      tpu.vector_store %arg7[%swap3A_232, %swap3A_233, %swap3A_234], %swap3A_237 {strides = array<i32>} : memref<2x64x128xf32, #tpu.memory_space<vmem>>, vector<1x1x16xf32>,
      %swap3A_238 = arith.constant 0 : i32
      %swap3A_239 = arith.index_cast %swap3A_238 : i32 to index
      %swap3A_240 = arith.index_cast %add3A_216 : i32 to index
      %swap3A_241 = arith.constant 48 : index
      %swap3A_242 = tpu.vector_load %arg7[%swap3A_239, %swap3A_240, %swap3A_241] {strides = array<i32>} : memref<2x64x128xf32, #tpu.memory_space<vmem>>, vector<1x1x16xf32>,
      %swap3A_243 = vector.shape_cast %swap3A_242 : vector<1x1x16xf32> to vector<16xf32>
      %swap3A_244 = vector.shape_cast %broadcast_in_dim3A_3 : vector<16xf32> to vector<1x1x16xf32>
      tpu.vector_store %arg7[%swap3A_239, %swap3A_240, %swap3A_241], %swap3A_244 {strides = array<i32>} : memref<2x64x128xf32, #tpu.memory_space<vmem>>, vector<1x1x16xf32>,
      %swap3A_245 = arith.constant 0 : i32
      %swap3A_246 = arith.index_cast %swap3A_245 : i32 to index
      %swap3A_247 = arith.index_cast %add3A_216 : i32 to index
      %swap3A_248 = arith.constant 64 : index
      %swap3A_249 = tpu.vector_load %arg7[%swap3A_246, %swap3A_247, %swap3A_248] {strides = array<i32>} : memref<2x64x128xf32, #tpu.memory_space<vmem>>, vector<1x1x16xf32>,
      %swap3A_250 = vector.shape_cast %swap3A_249 : vector<1x1x16xf32> to vector<16xf32>
      %swap3A_251 = vector.shape_cast %broadcast_in_dim3A_3 : vector<16xf32> to vector<1x1x16xf32>
      tpu.vector_store %arg7[%swap3A_246, %swap3A_247, %swap3A_248], %swap3A_251 {strides = array<i32>} : memref<2x64x128xf32, #tpu.memory_space<vmem>>, vector<1x1x16xf32>,
      %swap3A_252 = arith.constant 0 : i32
      %swap3A_253 = arith.index_cast %swap3A_252 : i32 to index
      %swap3A_254 = arith.index_cast %add3A_216 : i32 to index
      %swap3A_255 = arith.constant 80 : index
      %swap3A_256 = tpu.vector_load %arg7[%swap3A_253, %swap3A_254, %swap3A_255] {strides = array<i32>} : memref<2x64x128xf32, #tpu.memory_space<vmem>>, vector<1x1x16xf32>,
      %swap3A_257 = vector.shape_cast %swap3A_256 : vector<1x1x16xf32> to vector<16xf32>
      %swap3A_258 = vector.shape_cast %broadcast_in_dim3A_3 : vector<16xf32> to vector<1x1x16xf32>
      tpu.vector_store %arg7[%swap3A_253, %swap3A_254, %swap3A_255], %swap3A_258 {strides = array<i32>} : memref<2x64x128xf32, #tpu.memory_space<vmem>>, vector<1x1x16xf32>,
      %swap3A_259 = arith.constant 0 : i32
      %swap3A_260 = arith.index_cast %swap3A_259 : i32 to index
      %swap3A_261 = arith.index_cast %add3A_216 : i32 to index
      %swap3A_262 = arith.constant 96 : index
      %swap3A_263 = tpu.vector_load %arg7[%swap3A_260, %swap3A_261, %swap3A_262] {strides = array<i32>} : memref<2x64x128xf32, #tpu.memory_space<vmem>>, vector<1x1x16xf32>,
      %swap3A_264 = vector.shape_cast %swap3A_263 : vector<1x1x16xf32> to vector<16xf32>
      %swap3A_265 = vector.shape_cast %broadcast_in_dim3A_3 : vector<16xf32> to vector<1x1x16xf32>
      tpu.vector_store %arg7[%swap3A_260, %swap3A_261, %swap3A_262], %swap3A_265 {strides = array<i32>} : memref<2x64x128xf32, #tpu.memory_space<vmem>>, vector<1x1x16xf32>,
      %swap3A_266 = arith.constant 0 : i32
      %swap3A_267 = arith.index_cast %swap3A_266 : i32 to index
      %swap3A_268 = arith.index_cast %add3A_216 : i32 to index
      %swap3A_269 = arith.constant 112 : index
      %swap3A_270 = tpu.vector_load %arg7[%swap3A_267, %swap3A_268, %swap3A_269] {strides = array<i32>} : memref<2x64x128xf32, #tpu.memory_space<vmem>>, vector<1x1x16xf32>,
      %swap3A_271 = vector.shape_cast %swap3A_270 : vector<1x1x16xf32> to vector<16xf32>
      %swap3A_272 = vector.shape_cast %broadcast_in_dim3A_3 : vector<16xf32> to vector<1x1x16xf32>
      tpu.vector_store %arg7[%swap3A_267, %swap3A_268, %swap3A_269], %swap3A_272 {strides = array<i32>} : memref<2x64x128xf32, #tpu.memory_space<vmem>>, vector<1x1x16xf32>,
    }
    %scan3A_7 = arith.constant 64 : i32
    %mul3A_8 = arith.constant 640 : i32
    %mul3A_9 = arith.muli %arg1, %mul3A_8 : i32
    %add3A_10 = arith.constant 0 : i32
    %add3A_11 = arith.addi %mul3A_9, %add3A_10 : i32
    %run_scoped3A = arith.constant 0 : i32
    "tpu.region"() ({
      %run_scoped3A_212 = tpu.sem_alloc : memref<!tpu.dma_semaphore, #tpu.memory_space<semaphore_mem>>
      %dma_start3A_213 = arith.constant 0 : i32
      %dma_start3A_214 = arith.constant 0 : i32
      %dma_start3A_215 = tpu.memref_slice %arg7[%run_scoped3A, %dma_start3A_213, %dma_start3A_214] : memref<2x64x128xf32, #tpu.memory_space<vmem>> -> memref<1x64x128xf32, #tpu.memory_space<vmem>>
      %dma_start3A_216 = tpu.memref_squeeze %dma_start3A_215 : memref<1x64x128xf32, #tpu.memory_space<vmem>> -> memref<64x128xf32, #tpu.memory_space<vmem>>
      %dma_start3A_217 = arith.constant 0 : i32
      %dma_start3A_218 = tpu.memref_slice %arg8[%add3A_11, %dma_start3A_217] : memref<10240x128xf32, #tpu.memory_space<vmem_shared>> -> memref<64x128xf32, #tpu.memory_space<vmem_shared>>
      %dma_start3A_219 = arith.constant 0 : i32
      %dma_start3A_220 = tpu.memref_slice %arg8[%add3A_11, %dma_start3A_219] : memref<10240x128xf32, #tpu.memory_space<vmem_shared>> -> memref<64x128xf32, #tpu.memory_space<vmem_shared>>
      %dma_start3A_221 = arith.constant 0 : i32
      %dma_start3A_222 = arith.constant 0 : i32
      %dma_start3A_223 = tpu.memref_slice %arg7[%run_scoped3A, %dma_start3A_221, %dma_start3A_222] : memref<2x64x128xf32, #tpu.memory_space<vmem>> -> memref<1x64x128xf32, #tpu.memory_space<vmem>>
      %dma_start3A_224 = tpu.memref_squeeze %dma_start3A_223 : memref<1x64x128xf32, #tpu.memory_space<vmem>> -> memref<64x128xf32, #tpu.memory_space<vmem>>
      tpu.enqueue_dma source(%dma_start3A_224 : memref<64x128xf32, #tpu.memory_space<vmem>>) target(%dma_start3A_220 : memref<64x128xf32, #tpu.memory_space<vmem_shared>>) target_semaphore(%run_scoped3A_212 : memref<!tpu.dma_semaphore, #tpu.memory_space<semaphore_mem>>)
      %dma_wait3A_225 = arith.constant 0 : i32
      %dma_wait3A_226 = arith.constant 0 : i32
      %dma_wait3A_227 = tpu.memref_slice %arg7[%run_scoped3A, %dma_wait3A_225, %dma_wait3A_226] : memref<2x64x128xf32, #tpu.memory_space<vmem>> -> memref<1x64x128xf32, #tpu.memory_space<vmem>>
      %dma_wait3A_228 = tpu.memref_squeeze %dma_wait3A_227 : memref<1x64x128xf32, #tpu.memory_space<vmem>> -> memref<64x128xf32, #tpu.memory_space<vmem>>
      %dma_wait3A_229 = arith.constant 0 : i32
      %dma_wait3A_230 = tpu.memref_slice %arg8[%add3A_11, %dma_wait3A_229] : memref<10240x128xf32, #tpu.memory_space<vmem_shared>> -> memref<64x128xf32, #tpu.memory_space<vmem_shared>>
      %dma_wait3A_231 = arith.constant 0 : i32
      %dma_wait3A_232 = tpu.memref_slice %arg8[%add3A_11, %dma_wait3A_231] : memref<10240x128xf32, #tpu.memory_space<vmem_shared>> -> memref<64x128xf32, #tpu.memory_space<vmem_shared>>
      %dma_wait3A_233 = arith.constant 0 : i32
      %dma_wait3A_234 = arith.constant 0 : i32
      %dma_wait3A_235 = tpu.memref_slice %arg7[%run_scoped3A, %dma_wait3A_233, %dma_wait3A_234] : memref<2x64x128xf32, #tpu.memory_space<vmem>> -> memref<1x64x128xf32, #tpu.memory_space<vmem>>
      %dma_wait3A_236 = tpu.memref_squeeze %dma_wait3A_235 : memref<1x64x128xf32, #tpu.memory_space<vmem>> -> memref<64x128xf32, #tpu.memory_space<vmem>>
      tpu.wait_dma2 semaphore(%run_scoped3A_212 : memref<!tpu.dma_semaphore, #tpu.memory_space<semaphore_mem>>) src(%dma_wait3A_236 : memref<64x128xf32, #tpu.memory_space<vmem>>) dst(%dma_wait3A_232 : memref<64x128xf32, #tpu.memory_space<vmem_shared>>)
      tpu.yield
    }) : () -> ()
    %mul3A_12 = arith.constant 640 : i32
    %mul3A_13 = arith.muli %arg1, %mul3A_12 : i32
    %add3A_14 = arith.constant 64 : i32
    %add3A_15 = arith.addi %mul3A_13, %add3A_14 : i32
    %run_scoped3A_16 = arith.constant 0 : i32
    "tpu.region"() ({
      %run_scoped3A_212 = tpu.sem_alloc : memref<!tpu.dma_semaphore, #tpu.memory_space<semaphore_mem>>
      %dma_start3A_213 = arith.constant 0 : i32
      %dma_start3A_214 = arith.constant 0 : i32
      %dma_start3A_215 = tpu.memref_slice %arg7[%run_scoped3A_16, %dma_start3A_213, %dma_start3A_214] : memref<2x64x128xf32, #tpu.memory_space<vmem>> -> memref<1x64x128xf32, #tpu.memory_space<vmem>>
      %dma_start3A_216 = tpu.memref_squeeze %dma_start3A_215 : memref<1x64x128xf32, #tpu.memory_space<vmem>> -> memref<64x128xf32, #tpu.memory_space<vmem>>
      %dma_start3A_217 = arith.constant 0 : i32
      %dma_start3A_218 = tpu.memref_slice %arg8[%add3A_15, %dma_start3A_217] : memref<10240x128xf32, #tpu.memory_space<vmem_shared>> -> memref<64x128xf32, #tpu.memory_space<vmem_shared>>
      %dma_start3A_219 = arith.constant 0 : i32
      %dma_start3A_220 = tpu.memref_slice %arg8[%add3A_15, %dma_start3A_219] : memref<10240x128xf32, #tpu.memory_space<vmem_shared>> -> memref<64x128xf32, #tpu.memory_space<vmem_shared>>
      %dma_start3A_221 = arith.constant 0 : i32
      %dma_start3A_222 = arith.constant 0 : i32
      %dma_start3A_223 = tpu.memref_slice %arg7[%run_scoped3A_16, %dma_start3A_221, %dma_start3A_222] : memref<2x64x128xf32, #tpu.memory_space<vmem>> -> memref<1x64x128xf32, #tpu.memory_space<vmem>>
      %dma_start3A_224 = tpu.memref_squeeze %dma_start3A_223 : memref<1x64x128xf32, #tpu.memory_space<vmem>> -> memref<64x128xf32, #tpu.memory_space<vmem>>
      tpu.enqueue_dma source(%dma_start3A_224 : memref<64x128xf32, #tpu.memory_space<vmem>>) target(%dma_start3A_220 : memref<64x128xf32, #tpu.memory_space<vmem_shared>>) target_semaphore(%run_scoped3A_212 : memref<!tpu.dma_semaphore, #tpu.memory_space<semaphore_mem>>)
      %dma_wait3A_225 = arith.constant 0 : i32
      %dma_wait3A_226 = arith.constant 0 : i32
      %dma_wait3A_227 = tpu.memref_slice %arg7[%run_scoped3A_16, %dma_wait3A_225, %dma_wait3A_226] : memref<2x64x128xf32, #tpu.memory_space<vmem>> -> memref<1x64x128xf32, #tpu.memory_space<vmem>>
      %dma_wait3A_228 = tpu.memref_squeeze %dma_wait3A_227 : memref<1x64x128xf32, #tpu.memory_space<vmem>> -> memref<64x128xf32, #tpu.memory_space<vmem>>
      %dma_wait3A_229 = arith.constant 0 : i32
      %dma_wait3A_230 = tpu.memref_slice %arg8[%add3A_15, %dma_wait3A_229] : memref<10240x128xf32, #tpu.memory_space<vmem_shared>> -> memref<64x128xf32, #tpu.memory_space<vmem_shared>>
      %dma_wait3A_231 = arith.constant 0 : i32
      %dma_wait3A_232 = tpu.memref_slice %arg8[%add3A_15, %dma_wait3A_231] : memref<10240x128xf32, #tpu.memory_space<vmem_shared>> -> memref<64x128xf32, #tpu.memory_space<vmem_shared>>
      %dma_wait3A_233 = arith.constant 0 : i32
      %dma_wait3A_234 = arith.constant 0 : i32
      %dma_wait3A_235 = tpu.memref_slice %arg7[%run_scoped3A_16, %dma_wait3A_233, %dma_wait3A_234] : memref<2x64x128xf32, #tpu.memory_space<vmem>> -> memref<1x64x128xf32, #tpu.memory_space<vmem>>
      %dma_wait3A_236 = tpu.memref_squeeze %dma_wait3A_235 : memref<1x64x128xf32, #tpu.memory_space<vmem>> -> memref<64x128xf32, #tpu.memory_space<vmem>>
      tpu.wait_dma2 semaphore(%run_scoped3A_212 : memref<!tpu.dma_semaphore, #tpu.memory_space<semaphore_mem>>) src(%dma_wait3A_236 : memref<64x128xf32, #tpu.memory_space<vmem>>) dst(%dma_wait3A_232 : memref<64x128xf32, #tpu.memory_space<vmem_shared>>)
      tpu.yield
    }) : () -> ()
    %mul3A_17 = arith.constant 640 : i32
    %mul3A_18 = arith.muli %arg1, %mul3A_17 : i32
    %add3A_19 = arith.constant 128 : i32
    %add3A_20 = arith.addi %mul3A_18, %add3A_19 : i32
    %run_scoped3A_21 = arith.constant 0 : i32
    "tpu.region"() ({
      %run_scoped3A_212 = tpu.sem_alloc : memref<!tpu.dma_semaphore, #tpu.memory_space<semaphore_mem>>
      %dma_start3A_213 = arith.constant 0 : i32
      %dma_start3A_214 = arith.constant 0 : i32
      %dma_start3A_215 = tpu.memref_slice %arg7[%run_scoped3A_21, %dma_start3A_213, %dma_start3A_214] : memref<2x64x128xf32, #tpu.memory_space<vmem>> -> memref<1x64x128xf32, #tpu.memory_space<vmem>>
      %dma_start3A_216 = tpu.memref_squeeze %dma_start3A_215 : memref<1x64x128xf32, #tpu.memory_space<vmem>> -> memref<64x128xf32, #tpu.memory_space<vmem>>
      %dma_start3A_217 = arith.constant 0 : i32
      %dma_start3A_218 = tpu.memref_slice %arg8[%add3A_20, %dma_start3A_217] : memref<10240x128xf32, #tpu.memory_space<vmem_shared>> -> memref<64x128xf32, #tpu.memory_space<vmem_shared>>
      %dma_start3A_219 = arith.constant 0 : i32
      %dma_start3A_220 = tpu.memref_slice %arg8[%add3A_20, %dma_start3A_219] : memref<10240x128xf32, #tpu.memory_space<vmem_shared>> -> memref<64x128xf32, #tpu.memory_space<vmem_shared>>
      %dma_start3A_221 = arith.constant 0 : i32
      %dma_start3A_222 = arith.constant 0 : i32
      %dma_start3A_223 = tpu.memref_slice %arg7[%run_scoped3A_21, %dma_start3A_221, %dma_start3A_222] : memref<2x64x128xf32, #tpu.memory_space<vmem>> -> memref<1x64x128xf32, #tpu.memory_space<vmem>>
      %dma_start3A_224 = tpu.memref_squeeze %dma_start3A_223 : memref<1x64x128xf32, #tpu.memory_space<vmem>> -> memref<64x128xf32, #tpu.memory_space<vmem>>
      tpu.enqueue_dma source(%dma_start3A_224 : memref<64x128xf32, #tpu.memory_space<vmem>>) target(%dma_start3A_220 : memref<64x128xf32, #tpu.memory_space<vmem_shared>>) target_semaphore(%run_scoped3A_212 : memref<!tpu.dma_semaphore, #tpu.memory_space<semaphore_mem>>)
      %dma_wait3A_225 = arith.constant 0 : i32
      %dma_wait3A_226 = arith.constant 0 : i32
      %dma_wait3A_227 = tpu.memref_slice %arg7[%run_scoped3A_21, %dma_wait3A_225, %dma_wait3A_226] : memref<2x64x128xf32, #tpu.memory_space<vmem>> -> memref<1x64x128xf32, #tpu.memory_space<vmem>>
      %dma_wait3A_228 = tpu.memref_squeeze %dma_wait3A_227 : memref<1x64x128xf32, #tpu.memory_space<vmem>> -> memref<64x128xf32, #tpu.memory_space<vmem>>
      %dma_wait3A_229 = arith.constant 0 : i32
      %dma_wait3A_230 = tpu.memref_slice %arg8[%add3A_20, %dma_wait3A_229] : memref<10240x128xf32, #tpu.memory_space<vmem_shared>> -> memref<64x128xf32, #tpu.memory_space<vmem_shared>>
      %dma_wait3A_231 = arith.constant 0 : i32
      %dma_wait3A_232 = tpu.memref_slice %arg8[%add3A_20, %dma_wait3A_231] : memref<10240x128xf32, #tpu.memory_space<vmem_shared>> -> memref<64x128xf32, #tpu.memory_space<vmem_shared>>
      %dma_wait3A_233 = arith.constant 0 : i32
      %dma_wait3A_234 = arith.constant 0 : i32
      %dma_wait3A_235 = tpu.memref_slice %arg7[%run_scoped3A_21, %dma_wait3A_233, %dma_wait3A_234] : memref<2x64x128xf32, #tpu.memory_space<vmem>> -> memref<1x64x128xf32, #tpu.memory_space<vmem>>
      %dma_wait3A_236 = tpu.memref_squeeze %dma_wait3A_235 : memref<1x64x128xf32, #tpu.memory_space<vmem>> -> memref<64x128xf32, #tpu.memory_space<vmem>>
      tpu.wait_dma2 semaphore(%run_scoped3A_212 : memref<!tpu.dma_semaphore, #tpu.memory_space<semaphore_mem>>) src(%dma_wait3A_236 : memref<64x128xf32, #tpu.memory_space<vmem>>) dst(%dma_wait3A_232 : memref<64x128xf32, #tpu.memory_space<vmem_shared>>)
      tpu.yield
    }) : () -> ()
    %mul3A_22 = arith.constant 640 : i32
    %mul3A_23 = arith.muli %arg1, %mul3A_22 : i32
    %add3A_24 = arith.constant 192 : i32
    %add3A_25 = arith.addi %mul3A_23, %add3A_24 : i32
    %run_scoped3A_26 = arith.constant 0 : i32
    "tpu.region"() ({
      %run_scoped3A_212 = tpu.sem_alloc : memref<!tpu.dma_semaphore, #tpu.memory_space<semaphore_mem>>
      %dma_start3A_213 = arith.constant 0 : i32
      %dma_start3A_214 = arith.constant 0 : i32
      %dma_start3A_215 = tpu.memref_slice %arg7[%run_scoped3A_26, %dma_start3A_213, %dma_start3A_214] : memref<2x64x128xf32, #tpu.memory_space<vmem>> -> memref<1x64x128xf32, #tpu.memory_space<vmem>>
      %dma_start3A_216 = tpu.memref_squeeze %dma_start3A_215 : memref<1x64x128xf32, #tpu.memory_space<vmem>> -> memref<64x128xf32, #tpu.memory_space<vmem>>
      %dma_start3A_217 = arith.constant 0 : i32
      %dma_start3A_218 = tpu.memref_slice %arg8[%add3A_25, %dma_start3A_217] : memref<10240x128xf32, #tpu.memory_space<vmem_shared>> -> memref<64x128xf32, #tpu.memory_space<vmem_shared>>
      %dma_start3A_219 = arith.constant 0 : i32
      %dma_start3A_220 = tpu.memref_slice %arg8[%add3A_25, %dma_start3A_219] : memref<10240x128xf32, #tpu.memory_space<vmem_shared>> -> memref<64x128xf32, #tpu.memory_space<vmem_shared>>
      %dma_start3A_221 = arith.constant 0 : i32
      %dma_start3A_222 = arith.constant 0 : i32
      %dma_start3A_223 = tpu.memref_slice %arg7[%run_scoped3A_26, %dma_start3A_221, %dma_start3A_222] : memref<2x64x128xf32, #tpu.memory_space<vmem>> -> memref<1x64x128xf32, #tpu.memory_space<vmem>>
      %dma_start3A_224 = tpu.memref_squeeze %dma_start3A_223 : memref<1x64x128xf32, #tpu.memory_space<vmem>> -> memref<64x128xf32, #tpu.memory_space<vmem>>
      tpu.enqueue_dma source(%dma_start3A_224 : memref<64x128xf32, #tpu.memory_space<vmem>>) target(%dma_start3A_220 : memref<64x128xf32, #tpu.memory_space<vmem_shared>>) target_semaphore(%run_scoped3A_212 : memref<!tpu.dma_semaphore, #tpu.memory_space<semaphore_mem>>)
      %dma_wait3A_225 = arith.constant 0 : i32
      %dma_wait3A_226 = arith.constant 0 : i32
      %dma_wait3A_227 = tpu.memref_slice %arg7[%run_scoped3A_26, %dma_wait3A_225, %dma_wait3A_226] : memref<2x64x128xf32, #tpu.memory_space<vmem>> -> memref<1x64x128xf32, #tpu.memory_space<vmem>>
      %dma_wait3A_228 = tpu.memref_squeeze %dma_wait3A_227 : memref<1x64x128xf32, #tpu.memory_space<vmem>> -> memref<64x128xf32, #tpu.memory_space<vmem>>
      %dma_wait3A_229 = arith.constant 0 : i32
      %dma_wait3A_230 = tpu.memref_slice %arg8[%add3A_25, %dma_wait3A_229] : memref<10240x128xf32, #tpu.memory_space<vmem_shared>> -> memref<64x128xf32, #tpu.memory_space<vmem_shared>>
      %dma_wait3A_231 = arith.constant 0 : i32
      %dma_wait3A_232 = tpu.memref_slice %arg8[%add3A_25, %dma_wait3A_231] : memref<10240x128xf32, #tpu.memory_space<vmem_shared>> -> memref<64x128xf32, #tpu.memory_space<vmem_shared>>
      %dma_wait3A_233 = arith.constant 0 : i32
      %dma_wait3A_234 = arith.constant 0 : i32
      %dma_wait3A_235 = tpu.memref_slice %arg7[%run_scoped3A_26, %dma_wait3A_233, %dma_wait3A_234] : memref<2x64x128xf32, #tpu.memory_space<vmem>> -> memref<1x64x128xf32, #tpu.memory_space<vmem>>
      %dma_wait3A_236 = tpu.memref_squeeze %dma_wait3A_235 : memref<1x64x128xf32, #tpu.memory_space<vmem>> -> memref<64x128xf32, #tpu.memory_space<vmem>>
      tpu.wait_dma2 semaphore(%run_scoped3A_212 : memref<!tpu.dma_semaphore, #tpu.memory_space<semaphore_mem>>) src(%dma_wait3A_236 : memref<64x128xf32, #tpu.memory_space<vmem>>) dst(%dma_wait3A_232 : memref<64x128xf32, #tpu.memory_space<vmem_shared>>)
      tpu.yield
    }) : () -> ()
    %mul3A_27 = arith.constant 640 : i32
    %mul3A_28 = arith.muli %arg1, %mul3A_27 : i32
    %add3A_29 = arith.constant 256 : i32
    %add3A_30 = arith.addi %mul3A_28, %add3A_29 : i32
    %run_scoped3A_31 = arith.constant 0 : i32
    "tpu.region"() ({
      %run_scoped3A_212 = tpu.sem_alloc : memref<!tpu.dma_semaphore, #tpu.memory_space<semaphore_mem>>
      %dma_start3A_213 = arith.constant 0 : i32
      %dma_start3A_214 = arith.constant 0 : i32
      %dma_start3A_215 = tpu.memref_slice %arg7[%run_scoped3A_31, %dma_start3A_213, %dma_start3A_214] : memref<2x64x128xf32, #tpu.memory_space<vmem>> -> memref<1x64x128xf32, #tpu.memory_space<vmem>>
      %dma_start3A_216 = tpu.memref_squeeze %dma_start3A_215 : memref<1x64x128xf32, #tpu.memory_space<vmem>> -> memref<64x128xf32, #tpu.memory_space<vmem>>
      %dma_start3A_217 = arith.constant 0 : i32
      %dma_start3A_218 = tpu.memref_slice %arg8[%add3A_30, %dma_start3A_217] : memref<10240x128xf32, #tpu.memory_space<vmem_shared>> -> memref<64x128xf32, #tpu.memory_space<vmem_shared>>
      %dma_start3A_219 = arith.constant 0 : i32
      %dma_start3A_220 = tpu.memref_slice %arg8[%add3A_30, %dma_start3A_219] : memref<10240x128xf32, #tpu.memory_space<vmem_shared>> -> memref<64x128xf32, #tpu.memory_space<vmem_shared>>
      %dma_start3A_221 = arith.constant 0 : i32
      %dma_start3A_222 = arith.constant 0 : i32
      %dma_start3A_223 = tpu.memref_slice %arg7[%run_scoped3A_31, %dma_start3A_221, %dma_start3A_222] : memref<2x64x128xf32, #tpu.memory_space<vmem>> -> memref<1x64x128xf32, #tpu.memory_space<vmem>>
      %dma_start3A_224 = tpu.memref_squeeze %dma_start3A_223 : memref<1x64x128xf32, #tpu.memory_space<vmem>> -> memref<64x128xf32, #tpu.memory_space<vmem>>
      tpu.enqueue_dma source(%dma_start3A_224 : memref<64x128xf32, #tpu.memory_space<vmem>>) target(%dma_start3A_220 : memref<64x128xf32, #tpu.memory_space<vmem_shared>>) target_semaphore(%run_scoped3A_212 : memref<!tpu.dma_semaphore, #tpu.memory_space<semaphore_mem>>)
      %dma_wait3A_225 = arith.constant 0 : i32
      %dma_wait3A_226 = arith.constant 0 : i32
      %dma_wait3A_227 = tpu.memref_slice %arg7[%run_scoped3A_31, %dma_wait3A_225, %dma_wait3A_226] : memref<2x64x128xf32, #tpu.memory_space<vmem>> -> memref<1x64x128xf32, #tpu.memory_space<vmem>>
      %dma_wait3A_228 = tpu.memref_squeeze %dma_wait3A_227 : memref<1x64x128xf32, #tpu.memory_space<vmem>> -> memref<64x128xf32, #tpu.memory_space<vmem>>
      %dma_wait3A_229 = arith.constant 0 : i32
      %dma_wait3A_230 = tpu.memref_slice %arg8[%add3A_30, %dma_wait3A_229] : memref<10240x128xf32, #tpu.memory_space<vmem_shared>> -> memref<64x128xf32, #tpu.memory_space<vmem_shared>>
      %dma_wait3A_231 = arith.constant 0 : i32
      %dma_wait3A_232 = tpu.memref_slice %arg8[%add3A_30, %dma_wait3A_231] : memref<10240x128xf32, #tpu.memory_space<vmem_shared>> -> memref<64x128xf32, #tpu.memory_space<vmem_shared>>
      %dma_wait3A_233 = arith.constant 0 : i32
      %dma_wait3A_234 = arith.constant 0 : i32
      %dma_wait3A_235 = tpu.memref_slice %arg7[%run_scoped3A_31, %dma_wait3A_233, %dma_wait3A_234] : memref<2x64x128xf32, #tpu.memory_space<vmem>> -> memref<1x64x128xf32, #tpu.memory_space<vmem>>
      %dma_wait3A_236 = tpu.memref_squeeze %dma_wait3A_235 : memref<1x64x128xf32, #tpu.memory_space<vmem>> -> memref<64x128xf32, #tpu.memory_space<vmem>>
      tpu.wait_dma2 semaphore(%run_scoped3A_212 : memref<!tpu.dma_semaphore, #tpu.memory_space<semaphore_mem>>) src(%dma_wait3A_236 : memref<64x128xf32, #tpu.memory_space<vmem>>) dst(%dma_wait3A_232 : memref<64x128xf32, #tpu.memory_space<vmem_shared>>)
      tpu.yield
    }) : () -> ()
    %mul3A_32 = arith.constant 640 : i32
    %mul3A_33 = arith.muli %arg1, %mul3A_32 : i32
    %add3A_34 = arith.constant 320 : i32
    %add3A_35 = arith.addi %mul3A_33, %add3A_34 : i32
    %run_scoped3A_36 = arith.constant 0 : i32
    "tpu.region"() ({
      %run_scoped3A_212 = tpu.sem_alloc : memref<!tpu.dma_semaphore, #tpu.memory_space<semaphore_mem>>
      %dma_start3A_213 = arith.constant 0 : i32
      %dma_start3A_214 = arith.constant 0 : i32
      %dma_start3A_215 = tpu.memref_slice %arg7[%run_scoped3A_36, %dma_start3A_213, %dma_start3A_214] : memref<2x64x128xf32, #tpu.memory_space<vmem>> -> memref<1x64x128xf32, #tpu.memory_space<vmem>>
      %dma_start3A_216 = tpu.memref_squeeze %dma_start3A_215 : memref<1x64x128xf32, #tpu.memory_space<vmem>> -> memref<64x128xf32, #tpu.memory_space<vmem>>
      %dma_start3A_217 = arith.constant 0 : i32
      %dma_start3A_218 = tpu.memref_slice %arg8[%add3A_35, %dma_start3A_217] : memref<10240x128xf32, #tpu.memory_space<vmem_shared>> -> memref<64x128xf32, #tpu.memory_space<vmem_shared>>
      %dma_start3A_219 = arith.constant 0 : i32
      %dma_start3A_220 = tpu.memref_slice %arg8[%add3A_35, %dma_start3A_219] : memref<10240x128xf32, #tpu.memory_space<vmem_shared>> -> memref<64x128xf32, #tpu.memory_space<vmem_shared>>
      %dma_start3A_221 = arith.constant 0 : i32
      %dma_start3A_222 = arith.constant 0 : i32
      %dma_start3A_223 = tpu.memref_slice %arg7[%run_scoped3A_36, %dma_start3A_221, %dma_start3A_222] : memref<2x64x128xf32, #tpu.memory_space<vmem>> -> memref<1x64x128xf32, #tpu.memory_space<vmem>>
      %dma_start3A_224 = tpu.memref_squeeze %dma_start3A_223 : memref<1x64x128xf32, #tpu.memory_space<vmem>> -> memref<64x128xf32, #tpu.memory_space<vmem>>
      tpu.enqueue_dma source(%dma_start3A_224 : memref<64x128xf32, #tpu.memory_space<vmem>>) target(%dma_start3A_220 : memref<64x128xf32, #tpu.memory_space<vmem_shared>>) target_semaphore(%run_scoped3A_212 : memref<!tpu.dma_semaphore, #tpu.memory_space<semaphore_mem>>)
      %dma_wait3A_225 = arith.constant 0 : i32
      %dma_wait3A_226 = arith.constant 0 : i32
      %dma_wait3A_227 = tpu.memref_slice %arg7[%run_scoped3A_36, %dma_wait3A_225, %dma_wait3A_226] : memref<2x64x128xf32, #tpu.memory_space<vmem>> -> memref<1x64x128xf32, #tpu.memory_space<vmem>>
      %dma_wait3A_228 = tpu.memref_squeeze %dma_wait3A_227 : memref<1x64x128xf32, #tpu.memory_space<vmem>> -> memref<64x128xf32, #tpu.memory_space<vmem>>
      %dma_wait3A_229 = arith.constant 0 : i32
      %dma_wait3A_230 = tpu.memref_slice %arg8[%add3A_35, %dma_wait3A_229] : memref<10240x128xf32, #tpu.memory_space<vmem_shared>> -> memref<64x128xf32, #tpu.memory_space<vmem_shared>>
      %dma_wait3A_231 = arith.constant 0 : i32
      %dma_wait3A_232 = tpu.memref_slice %arg8[%add3A_35, %dma_wait3A_231] : memref<10240x128xf32, #tpu.memory_space<vmem_shared>> -> memref<64x128xf32, #tpu.memory_space<vmem_shared>>
      %dma_wait3A_233 = arith.constant 0 : i32
      %dma_wait3A_234 = arith.constant 0 : i32
      %dma_wait3A_235 = tpu.memref_slice %arg7[%run_scoped3A_36, %dma_wait3A_233, %dma_wait3A_234] : memref<2x64x128xf32, #tpu.memory_space<vmem>> -> memref<1x64x128xf32, #tpu.memory_space<vmem>>
      %dma_wait3A_236 = tpu.memref_squeeze %dma_wait3A_235 : memref<1x64x128xf32, #tpu.memory_space<vmem>> -> memref<64x128xf32, #tpu.memory_space<vmem>>
      tpu.wait_dma2 semaphore(%run_scoped3A_212 : memref<!tpu.dma_semaphore, #tpu.memory_space<semaphore_mem>>) src(%dma_wait3A_236 : memref<64x128xf32, #tpu.memory_space<vmem>>) dst(%dma_wait3A_232 : memref<64x128xf32, #tpu.memory_space<vmem_shared>>)
      tpu.yield
    }) : () -> ()
    %mul3A_37 = arith.constant 640 : i32
    %mul3A_38 = arith.muli %arg1, %mul3A_37 : i32
    %add3A_39 = arith.constant 384 : i32
    %add3A_40 = arith.addi %mul3A_38, %add3A_39 : i32
    %run_scoped3A_41 = arith.constant 0 : i32
    "tpu.region"() ({
      %run_scoped3A_212 = tpu.sem_alloc : memref<!tpu.dma_semaphore, #tpu.memory_space<semaphore_mem>>
      %dma_start3A_213 = arith.constant 0 : i32
      %dma_start3A_214 = arith.constant 0 : i32
      %dma_start3A_215 = tpu.memref_slice %arg7[%run_scoped3A_41, %dma_start3A_213, %dma_start3A_214] : memref<2x64x128xf32, #tpu.memory_space<vmem>> -> memref<1x64x128xf32, #tpu.memory_space<vmem>>
      %dma_start3A_216 = tpu.memref_squeeze %dma_start3A_215 : memref<1x64x128xf32, #tpu.memory_space<vmem>> -> memref<64x128xf32, #tpu.memory_space<vmem>>
      %dma_start3A_217 = arith.constant 0 : i32
      %dma_start3A_218 = tpu.memref_slice %arg8[%add3A_40, %dma_start3A_217] : memref<10240x128xf32, #tpu.memory_space<vmem_shared>> -> memref<64x128xf32, #tpu.memory_space<vmem_shared>>
      %dma_start3A_219 = arith.constant 0 : i32
      %dma_start3A_220 = tpu.memref_slice %arg8[%add3A_40, %dma_start3A_219] : memref<10240x128xf32, #tpu.memory_space<vmem_shared>> -> memref<64x128xf32, #tpu.memory_space<vmem_shared>>
      %dma_start3A_221 = arith.constant 0 : i32
      %dma_start3A_222 = arith.constant 0 : i32
      %dma_start3A_223 = tpu.memref_slice %arg7[%run_scoped3A_41, %dma_start3A_221, %dma_start3A_222] : memref<2x64x128xf32, #tpu.memory_space<vmem>> -> memref<1x64x128xf32, #tpu.memory_space<vmem>>
      %dma_start3A_224 = tpu.memref_squeeze %dma_start3A_223 : memref<1x64x128xf32, #tpu.memory_space<vmem>> -> memref<64x128xf32, #tpu.memory_space<vmem>>
      tpu.enqueue_dma source(%dma_start3A_224 : memref<64x128xf32, #tpu.memory_space<vmem>>) target(%dma_start3A_220 : memref<64x128xf32, #tpu.memory_space<vmem_shared>>) target_semaphore(%run_scoped3A_212 : memref<!tpu.dma_semaphore, #tpu.memory_space<semaphore_mem>>)
      %dma_wait3A_225 = arith.constant 0 : i32
      %dma_wait3A_226 = arith.constant 0 : i32
      %dma_wait3A_227 = tpu.memref_slice %arg7[%run_scoped3A_41, %dma_wait3A_225, %dma_wait3A_226] : memref<2x64x128xf32, #tpu.memory_space<vmem>> -> memref<1x64x128xf32, #tpu.memory_space<vmem>>
      %dma_wait3A_228 = tpu.memref_squeeze %dma_wait3A_227 : memref<1x64x128xf32, #tpu.memory_space<vmem>> -> memref<64x128xf32, #tpu.memory_space<vmem>>
      %dma_wait3A_229 = arith.constant 0 : i32
      %dma_wait3A_230 = tpu.memref_slice %arg8[%add3A_40, %dma_wait3A_229] : memref<10240x128xf32, #tpu.memory_space<vmem_shared>> -> memref<64x128xf32, #tpu.memory_space<vmem_shared>>
      %dma_wait3A_231 = arith.constant 0 : i32
      %dma_wait3A_232 = tpu.memref_slice %arg8[%add3A_40, %dma_wait3A_231] : memref<10240x128xf32, #tpu.memory_space<vmem_shared>> -> memref<64x128xf32, #tpu.memory_space<vmem_shared>>
      %dma_wait3A_233 = arith.constant 0 : i32
      %dma_wait3A_234 = arith.constant 0 : i32
      %dma_wait3A_235 = tpu.memref_slice %arg7[%run_scoped3A_41, %dma_wait3A_233, %dma_wait3A_234] : memref<2x64x128xf32, #tpu.memory_space<vmem>> -> memref<1x64x128xf32, #tpu.memory_space<vmem>>
      %dma_wait3A_236 = tpu.memref_squeeze %dma_wait3A_235 : memref<1x64x128xf32, #tpu.memory_space<vmem>> -> memref<64x128xf32, #tpu.memory_space<vmem>>
      tpu.wait_dma2 semaphore(%run_scoped3A_212 : memref<!tpu.dma_semaphore, #tpu.memory_space<semaphore_mem>>) src(%dma_wait3A_236 : memref<64x128xf32, #tpu.memory_space<vmem>>) dst(%dma_wait3A_232 : memref<64x128xf32, #tpu.memory_space<vmem_shared>>)
      tpu.yield
    }) : () -> ()
    %mul3A_42 = arith.constant 640 : i32
    %mul3A_43 = arith.muli %arg1, %mul3A_42 : i32
    %add3A_44 = arith.constant 448 : i32
    %add3A_45 = arith.addi %mul3A_43, %add3A_44 : i32
    %run_scoped3A_46 = arith.constant 0 : i32
    "tpu.region"() ({
      %run_scoped3A_212 = tpu.sem_alloc : memref<!tpu.dma_semaphore, #tpu.memory_space<semaphore_mem>>
      %dma_start3A_213 = arith.constant 0 : i32
      %dma_start3A_214 = arith.constant 0 : i32
      %dma_start3A_215 = tpu.memref_slice %arg7[%run_scoped3A_46, %dma_start3A_213, %dma_start3A_214] : memref<2x64x128xf32, #tpu.memory_space<vmem>> -> memref<1x64x128xf32, #tpu.memory_space<vmem>>
      %dma_start3A_216 = tpu.memref_squeeze %dma_start3A_215 : memref<1x64x128xf32, #tpu.memory_space<vmem>> -> memref<64x128xf32, #tpu.memory_space<vmem>>
      %dma_start3A_217 = arith.constant 0 : i32
      %dma_start3A_218 = tpu.memref_slice %arg8[%add3A_45, %dma_start3A_217] : memref<10240x128xf32, #tpu.memory_space<vmem_shared>> -> memref<64x128xf32, #tpu.memory_space<vmem_shared>>
      %dma_start3A_219 = arith.constant 0 : i32
      %dma_start3A_220 = tpu.memref_slice %arg8[%add3A_45, %dma_start3A_219] : memref<10240x128xf32, #tpu.memory_space<vmem_shared>> -> memref<64x128xf32, #tpu.memory_space<vmem_shared>>
      %dma_start3A_221 = arith.constant 0 : i32
      %dma_start3A_222 = arith.constant 0 : i32
      %dma_start3A_223 = tpu.memref_slice %arg7[%run_scoped3A_46, %dma_start3A_221, %dma_start3A_222] : memref<2x64x128xf32, #tpu.memory_space<vmem>> -> memref<1x64x128xf32, #tpu.memory_space<vmem>>
      %dma_start3A_224 = tpu.memref_squeeze %dma_start3A_223 : memref<1x64x128xf32, #tpu.memory_space<vmem>> -> memref<64x128xf32, #tpu.memory_space<vmem>>
      tpu.enqueue_dma source(%dma_start3A_224 : memref<64x128xf32, #tpu.memory_space<vmem>>) target(%dma_start3A_220 : memref<64x128xf32, #tpu.memory_space<vmem_shared>>) target_semaphore(%run_scoped3A_212 : memref<!tpu.dma_semaphore, #tpu.memory_space<semaphore_mem>>)
      %dma_wait3A_225 = arith.constant 0 : i32
      %dma_wait3A_226 = arith.constant 0 : i32
      %dma_wait3A_227 = tpu.memref_slice %arg7[%run_scoped3A_46, %dma_wait3A_225, %dma_wait3A_226] : memref<2x64x128xf32, #tpu.memory_space<vmem>> -> memref<1x64x128xf32, #tpu.memory_space<vmem>>
      %dma_wait3A_228 = tpu.memref_squeeze %dma_wait3A_227 : memref<1x64x128xf32, #tpu.memory_space<vmem>> -> memref<64x128xf32, #tpu.memory_space<vmem>>
      %dma_wait3A_229 = arith.constant 0 : i32
      %dma_wait3A_230 = tpu.memref_slice %arg8[%add3A_45, %dma_wait3A_229] : memref<10240x128xf32, #tpu.memory_space<vmem_shared>> -> memref<64x128xf32, #tpu.memory_space<vmem_shared>>
      %dma_wait3A_231 = arith.constant 0 : i32
      %dma_wait3A_232 = tpu.memref_slice %arg8[%add3A_45, %dma_wait3A_231] : memref<10240x128xf32, #tpu.memory_space<vmem_shared>> -> memref<64x128xf32, #tpu.memory_space<vmem_shared>>
      %dma_wait3A_233 = arith.constant 0 : i32
      %dma_wait3A_234 = arith.constant 0 : i32
      %dma_wait3A_235 = tpu.memref_slice %arg7[%run_scoped3A_46, %dma_wait3A_233, %dma_wait3A_234] : memref<2x64x128xf32, #tpu.memory_space<vmem>> -> memref<1x64x128xf32, #tpu.memory_space<vmem>>
      %dma_wait3A_236 = tpu.memref_squeeze %dma_wait3A_235 : memref<1x64x128xf32, #tpu.memory_space<vmem>> -> memref<64x128xf32, #tpu.memory_space<vmem>>
      tpu.wait_dma2 semaphore(%run_scoped3A_212 : memref<!tpu.dma_semaphore, #tpu.memory_space<semaphore_mem>>) src(%dma_wait3A_236 : memref<64x128xf32, #tpu.memory_space<vmem>>) dst(%dma_wait3A_232 : memref<64x128xf32, #tpu.memory_space<vmem_shared>>)
      tpu.yield
    }) : () -> ()
    %mul3A_47 = arith.constant 640 : i32
    %mul3A_48 = arith.muli %arg1, %mul3A_47 : i32
    %add3A_49 = arith.constant 512 : i32
    %add3A_50 = arith.addi %mul3A_48, %add3A_49 : i32
    %run_scoped3A_51 = arith.constant 0 : i32
    "tpu.region"() ({
      %run_scoped3A_212 = tpu.sem_alloc : memref<!tpu.dma_semaphore, #tpu.memory_space<semaphore_mem>>
      %dma_start3A_213 = arith.constant 0 : i32
      %dma_start3A_214 = arith.constant 0 : i32
      %dma_start3A_215 = tpu.memref_slice %arg7[%run_scoped3A_51, %dma_start3A_213, %dma_start3A_214] : memref<2x64x128xf32, #tpu.memory_space<vmem>> -> memref<1x64x128xf32, #tpu.memory_space<vmem>>
      %dma_start3A_216 = tpu.memref_squeeze %dma_start3A_215 : memref<1x64x128xf32, #tpu.memory_space<vmem>> -> memref<64x128xf32, #tpu.memory_space<vmem>>
      %dma_start3A_217 = arith.constant 0 : i32
      %dma_start3A_218 = tpu.memref_slice %arg8[%add3A_50, %dma_start3A_217] : memref<10240x128xf32, #tpu.memory_space<vmem_shared>> -> memref<64x128xf32, #tpu.memory_space<vmem_shared>>
      %dma_start3A_219 = arith.constant 0 : i32
      %dma_start3A_220 = tpu.memref_slice %arg8[%add3A_50, %dma_start3A_219] : memref<10240x128xf32, #tpu.memory_space<vmem_shared>> -> memref<64x128xf32, #tpu.memory_space<vmem_shared>>
      %dma_start3A_221 = arith.constant 0 : i32
      %dma_start3A_222 = arith.constant 0 : i32
      %dma_start3A_223 = tpu.memref_slice %arg7[%run_scoped3A_51, %dma_start3A_221, %dma_start3A_222] : memref<2x64x128xf32, #tpu.memory_space<vmem>> -> memref<1x64x128xf32, #tpu.memory_space<vmem>>
      %dma_start3A_224 = tpu.memref_squeeze %dma_start3A_223 : memref<1x64x128xf32, #tpu.memory_space<vmem>> -> memref<64x128xf32, #tpu.memory_space<vmem>>
      tpu.enqueue_dma source(%dma_start3A_224 : memref<64x128xf32, #tpu.memory_space<vmem>>) target(%dma_start3A_220 : memref<64x128xf32, #tpu.memory_space<vmem_shared>>) target_semaphore(%run_scoped3A_212 : memref<!tpu.dma_semaphore, #tpu.memory_space<semaphore_mem>>)
      %dma_wait3A_225 = arith.constant 0 : i32
      %dma_wait3A_226 = arith.constant 0 : i32
      %dma_wait3A_227 = tpu.memref_slice %arg7[%run_scoped3A_51, %dma_wait3A_225, %dma_wait3A_226] : memref<2x64x128xf32, #tpu.memory_space<vmem>> -> memref<1x64x128xf32, #tpu.memory_space<vmem>>
      %dma_wait3A_228 = tpu.memref_squeeze %dma_wait3A_227 : memref<1x64x128xf32, #tpu.memory_space<vmem>> -> memref<64x128xf32, #tpu.memory_space<vmem>>
      %dma_wait3A_229 = arith.constant 0 : i32
      %dma_wait3A_230 = tpu.memref_slice %arg8[%add3A_50, %dma_wait3A_229] : memref<10240x128xf32, #tpu.memory_space<vmem_shared>> -> memref<64x128xf32, #tpu.memory_space<vmem_shared>>
      %dma_wait3A_231 = arith.constant 0 : i32
      %dma_wait3A_232 = tpu.memref_slice %arg8[%add3A_50, %dma_wait3A_231] : memref<10240x128xf32, #tpu.memory_space<vmem_shared>> -> memref<64x128xf32, #tpu.memory_space<vmem_shared>>
      %dma_wait3A_233 = arith.constant 0 : i32
      %dma_wait3A_234 = arith.constant 0 : i32
      %dma_wait3A_235 = tpu.memref_slice %arg7[%run_scoped3A_51, %dma_wait3A_233, %dma_wait3A_234] : memref<2x64x128xf32, #tpu.memory_space<vmem>> -> memref<1x64x128xf32, #tpu.memory_space<vmem>>
      %dma_wait3A_236 = tpu.memref_squeeze %dma_wait3A_235 : memref<1x64x128xf32, #tpu.memory_space<vmem>> -> memref<64x128xf32, #tpu.memory_space<vmem>>
      tpu.wait_dma2 semaphore(%run_scoped3A_212 : memref<!tpu.dma_semaphore, #tpu.memory_space<semaphore_mem>>) src(%dma_wait3A_236 : memref<64x128xf32, #tpu.memory_space<vmem>>) dst(%dma_wait3A_232 : memref<64x128xf32, #tpu.memory_space<vmem_shared>>)
      tpu.yield
    }) : () -> ()
    %mul3A_52 = arith.constant 640 : i32
    %mul3A_53 = arith.muli %arg1, %mul3A_52 : i32
    %add3A_54 = arith.constant 576 : i32
    %add3A_55 = arith.addi %mul3A_53, %add3A_54 : i32
    %run_scoped3A_56 = arith.constant 0 : i32
    "tpu.region"() ({
      %run_scoped3A_212 = tpu.sem_alloc : memref<!tpu.dma_semaphore, #tpu.memory_space<semaphore_mem>>
      %dma_start3A_213 = arith.constant 0 : i32
      %dma_start3A_214 = arith.constant 0 : i32
      %dma_start3A_215 = tpu.memref_slice %arg7[%run_scoped3A_56, %dma_start3A_213, %dma_start3A_214] : memref<2x64x128xf32, #tpu.memory_space<vmem>> -> memref<1x64x128xf32, #tpu.memory_space<vmem>>
      %dma_start3A_216 = tpu.memref_squeeze %dma_start3A_215 : memref<1x64x128xf32, #tpu.memory_space<vmem>> -> memref<64x128xf32, #tpu.memory_space<vmem>>
      %dma_start3A_217 = arith.constant 0 : i32
      %dma_start3A_218 = tpu.memref_slice %arg8[%add3A_55, %dma_start3A_217] : memref<10240x128xf32, #tpu.memory_space<vmem_shared>> -> memref<64x128xf32, #tpu.memory_space<vmem_shared>>
      %dma_start3A_219 = arith.constant 0 : i32
      %dma_start3A_220 = tpu.memref_slice %arg8[%add3A_55, %dma_start3A_219] : memref<10240x128xf32, #tpu.memory_space<vmem_shared>> -> memref<64x128xf32, #tpu.memory_space<vmem_shared>>
      %dma_start3A_221 = arith.constant 0 : i32
      %dma_start3A_222 = arith.constant 0 : i32
      %dma_start3A_223 = tpu.memref_slice %arg7[%run_scoped3A_56, %dma_start3A_221, %dma_start3A_222] : memref<2x64x128xf32, #tpu.memory_space<vmem>> -> memref<1x64x128xf32, #tpu.memory_space<vmem>>
      %dma_start3A_224 = tpu.memref_squeeze %dma_start3A_223 : memref<1x64x128xf32, #tpu.memory_space<vmem>> -> memref<64x128xf32, #tpu.memory_space<vmem>>
      tpu.enqueue_dma source(%dma_start3A_224 : memref<64x128xf32, #tpu.memory_space<vmem>>) target(%dma_start3A_220 : memref<64x128xf32, #tpu.memory_space<vmem_shared>>) target_semaphore(%run_scoped3A_212 : memref<!tpu.dma_semaphore, #tpu.memory_space<semaphore_mem>>)
      %dma_wait3A_225 = arith.constant 0 : i32
      %dma_wait3A_226 = arith.constant 0 : i32
      %dma_wait3A_227 = tpu.memref_slice %arg7[%run_scoped3A_56, %dma_wait3A_225, %dma_wait3A_226] : memref<2x64x128xf32, #tpu.memory_space<vmem>> -> memref<1x64x128xf32, #tpu.memory_space<vmem>>
      %dma_wait3A_228 = tpu.memref_squeeze %dma_wait3A_227 : memref<1x64x128xf32, #tpu.memory_space<vmem>> -> memref<64x128xf32, #tpu.memory_space<vmem>>
      %dma_wait3A_229 = arith.constant 0 : i32
      %dma_wait3A_230 = tpu.memref_slice %arg8[%add3A_55, %dma_wait3A_229] : memref<10240x128xf32, #tpu.memory_space<vmem_shared>> -> memref<64x128xf32, #tpu.memory_space<vmem_shared>>
      %dma_wait3A_231 = arith.constant 0 : i32
      %dma_wait3A_232 = tpu.memref_slice %arg8[%add3A_55, %dma_wait3A_231] : memref<10240x128xf32, #tpu.memory_space<vmem_shared>> -> memref<64x128xf32, #tpu.memory_space<vmem_shared>>
      %dma_wait3A_233 = arith.constant 0 : i32
      %dma_wait3A_234 = arith.constant 0 : i32
      %dma_wait3A_235 = tpu.memref_slice %arg7[%run_scoped3A_56, %dma_wait3A_233, %dma_wait3A_234] : memref<2x64x128xf32, #tpu.memory_space<vmem>> -> memref<1x64x128xf32, #tpu.memory_space<vmem>>
      %dma_wait3A_236 = tpu.memref_squeeze %dma_wait3A_235 : memref<1x64x128xf32, #tpu.memory_space<vmem>> -> memref<64x128xf32, #tpu.memory_space<vmem>>
      tpu.wait_dma2 semaphore(%run_scoped3A_212 : memref<!tpu.dma_semaphore, #tpu.memory_space<semaphore_mem>>) src(%dma_wait3A_236 : memref<64x128xf32, #tpu.memory_space<vmem>>) dst(%dma_wait3A_232 : memref<64x128xf32, #tpu.memory_space<vmem_shared>>)
      tpu.yield
    }) : () -> ()
    %broadcast_in_dim3A_57 = arith.constant 1.000000e+00 : f32
    %broadcast_in_dim3A_58 = vector.broadcast %broadcast_in_dim3A_57 : f32 to vector<16xf32>
    %swap3A = arith.constant 0 : index
    %swap3A_59 = tpu.vector_load %arg17[%swap3A] {strides = array<i32>} : memref<64xf32, #tpu.memory_space<vmem>>, vector<16xf32>,
    %swap3A_60 = vector.shape_cast %swap3A_59 : vector<16xf32> to vector<16xf32>
    %swap3A_61 = vector.shape_cast %broadcast_in_dim3A_58 : vector<16xf32> to vector<16xf32>
    tpu.vector_store %arg17[%swap3A], %swap3A_61 {strides = array<i32>} : memref<64xf32, #tpu.memory_space<vmem>>, vector<16xf32>,
    %broadcast_in_dim3A_62 = arith.constant 1.000000e+00 : f32
    %broadcast_in_dim3A_63 = vector.broadcast %broadcast_in_dim3A_62 : f32 to vector<16xf32>
    %swap3A_64 = arith.constant 16 : index
    %swap3A_65 = tpu.vector_load %arg17[%swap3A_64] {strides = array<i32>} : memref<64xf32, #tpu.memory_space<vmem>>, vector<16xf32>,
    %swap3A_66 = vector.shape_cast %swap3A_65 : vector<16xf32> to vector<16xf32>
    %swap3A_67 = vector.shape_cast %broadcast_in_dim3A_63 : vector<16xf32> to vector<16xf32>
    tpu.vector_store %arg17[%swap3A_64], %swap3A_67 {strides = array<i32>} : memref<64xf32, #tpu.memory_space<vmem>>, vector<16xf32>,
    %broadcast_in_dim3A_68 = arith.constant 1.000000e+00 : f32
    %broadcast_in_dim3A_69 = vector.broadcast %broadcast_in_dim3A_68 : f32 to vector<16xf32>
    %swap3A_70 = arith.constant 32 : index
    %swap3A_71 = tpu.vector_load %arg17[%swap3A_70] {strides = array<i32>} : memref<64xf32, #tpu.memory_space<vmem>>, vector<16xf32>,
    %swap3A_72 = vector.shape_cast %swap3A_71 : vector<16xf32> to vector<16xf32>
    %swap3A_73 = vector.shape_cast %broadcast_in_dim3A_69 : vector<16xf32> to vector<16xf32>
    tpu.vector_store %arg17[%swap3A_70], %swap3A_73 {strides = array<i32>} : memref<64xf32, #tpu.memory_space<vmem>>, vector<16xf32>,
    %broadcast_in_dim3A_74 = arith.constant 1.000000e+00 : f32
    %broadcast_in_dim3A_75 = vector.broadcast %broadcast_in_dim3A_74 : f32 to vector<16xf32>
    %swap3A_76 = arith.constant 48 : index
    %swap3A_77 = tpu.vector_load %arg17[%swap3A_76] {strides = array<i32>} : memref<64xf32, #tpu.memory_space<vmem>>, vector<16xf32>,
    %swap3A_78 = vector.shape_cast %swap3A_77 : vector<16xf32> to vector<16xf32>
    %swap3A_79 = vector.shape_cast %broadcast_in_dim3A_75 : vector<16xf32> to vector<16xf32>
    tpu.vector_store %arg17[%swap3A_76], %swap3A_79 {strides = array<i32>} : memref<64xf32, #tpu.memory_space<vmem>>, vector<16xf32>,
    %scan3A_80 = arith.constant 0 : i32
    %scan3A_81 = arith.constant 40 : i32
    %scan3A_82 = arith.addi %scan3A_80, %scan3A_81 : i32
    %scan3A_83 = arith.constant 1 : i32
    scf.for %scan3A_212 = %scan3A_80 to %scan3A_82 step %scan3A_83  : i32 {
      %mul3A_213 = arith.constant 1 : i32
      %mul3A_214 = arith.muli %scan3A_212, %mul3A_213 : i32
      %add3A_215 = arith.constant 0 : i32
      %add3A_216 = arith.addi %add3A_215, %mul3A_214 : i32
      %mul3A_217 = arith.constant 16 : i32
      %mul3A_218 = arith.muli %add3A_216, %mul3A_217 : i32
      %swap3A_219 = arith.index_cast %mul3A_218 : i32 to index
      %swap3A_220 = tpu.vector_load %arg18[%swap3A_219] {strides = array<i32>} : memref<640xf32, #tpu.memory_space<vmem>>, vector<16xf32>,
      %swap3A_221 = vector.shape_cast %swap3A_220 : vector<16xf32> to vector<16xf32>
      %swap3A_222 = vector.shape_cast %broadcast_in_dim3A_3 : vector<16xf32> to vector<16xf32>
      tpu.vector_store %arg18[%swap3A_219], %swap3A_222 {strides = array<i32>} : memref<640xf32, #tpu.memory_space<vmem>>, vector<16xf32>,
    }
    %scan3A_84 = arith.constant 40 : i32
    "tpu.region"() ({
      %run_scoped3A_212 = tpu.sem_alloc : memref<!tpu.dma_semaphore, #tpu.memory_space<semaphore_mem>>
      %dma_start3A_213 = tpu.memref_slice %arg19[%mul3A_2] : memref<10240xf32, #tpu.memory_space<vmem_shared>> -> memref<640xf32, #tpu.memory_space<vmem_shared>>
      %dma_start3A_214 = tpu.memref_slice %arg19[%mul3A_2] : memref<10240xf32, #tpu.memory_space<vmem_shared>> -> memref<640xf32, #tpu.memory_space<vmem_shared>>
      tpu.enqueue_dma source(%arg18 : memref<640xf32, #tpu.memory_space<vmem>>) target(%dma_start3A_214 : memref<640xf32, #tpu.memory_space<vmem_shared>>) target_semaphore(%run_scoped3A_212 : memref<!tpu.dma_semaphore, #tpu.memory_space<semaphore_mem>>)
      %dma_wait3A_215 = tpu.memref_slice %arg19[%mul3A_2] : memref<10240xf32, #tpu.memory_space<vmem_shared>> -> memref<640xf32, #tpu.memory_space<vmem_shared>>
      %dma_wait3A_216 = tpu.memref_slice %arg19[%mul3A_2] : memref<10240xf32, #tpu.memory_space<vmem_shared>> -> memref<640xf32, #tpu.memory_space<vmem_shared>>
      tpu.wait_dma2 semaphore(%run_scoped3A_212 : memref<!tpu.dma_semaphore, #tpu.memory_space<semaphore_mem>>) src(%arg18 : memref<640xf32, #tpu.memory_space<vmem>>) dst(%dma_wait3A_216 : memref<640xf32, #tpu.memory_space<vmem_shared>>)
      tpu.yield
    }) : () -> ()
    %barrier3A = arith.constant 0 : index
    tpu.barrier barrier_id(%barrier3A)
    %dma_start3A = arith.constant 0 : i32
    %dma_start3A_85 = arith.constant 0 : i32
    %dma_start3A_86 = arith.constant 0 : i32
    %dma_start3A_87 = arith.constant 0 : i32
    %dma_start3A_88 = tpu.memref_slice %arg6[%dma_start3A_85, %dma_start3A_86, %dma_start3A_87] : memref<4x2x64xi32, #tpu.memory_space<vmem>> -> memref<1x2x64xi32, #tpu.memory_space<vmem>>
    %dma_start3A_89 = tpu.memref_squeeze %dma_start3A_88 : memref<1x2x64xi32, #tpu.memory_space<vmem>> -> memref<2x64xi32, #tpu.memory_space<vmem>>
    %dma_start3A_90 = arith.constant 0 : i32
    %dma_start3A_91 = arith.constant 0 : i32
    %dma_start3A_92 = tpu.memref_slice %arg3[%add3A, %dma_start3A, %dma_start3A_90, %dma_start3A_91] : memref<32x160x2x64xi32, #tpu.memory_space<hbm>> -> memref<1x1x2x64xi32, #tpu.memory_space<hbm>>
    %dma_start3A_93 = tpu.memref_squeeze %dma_start3A_92 : memref<1x1x2x64xi32, #tpu.memory_space<hbm>> -> memref<2x64xi32, #tpu.memory_space<hbm>>
    %dma_start3A_94 = arith.constant 0 : i32
    %dma_start3A_95 = arith.constant 0 : i32
    %dma_start3A_96 = tpu.memref_slice %arg6[%dma_start3A_85, %dma_start3A_94, %dma_start3A_95] : memref<4x2x64xi32, #tpu.memory_space<vmem>> -> memref<1x2x64xi32, #tpu.memory_space<vmem>>
    %dma_start3A_97 = tpu.memref_squeeze %dma_start3A_96 : memref<1x2x64xi32, #tpu.memory_space<vmem>> -> memref<2x64xi32, #tpu.memory_space<vmem>>
    %dma_start3A_98 = arith.constant 0 : i32
    %dma_start3A_99 = arith.constant 0 : i32
    %dma_start3A_100 = tpu.memref_slice %arg3[%add3A, %dma_start3A, %dma_start3A_98, %dma_start3A_99] : memref<32x160x2x64xi32, #tpu.memory_space<hbm>> -> memref<1x1x2x64xi32, #tpu.memory_space<hbm>>
    %dma_start3A_101 = tpu.memref_squeeze %dma_start3A_100 : memref<1x1x2x64xi32, #tpu.memory_space<hbm>> -> memref<2x64xi32, #tpu.memory_space<hbm>>
    tpu.enqueue_dma source(%dma_start3A_101 : memref<2x64xi32, #tpu.memory_space<hbm>>) target(%dma_start3A_97 : memref<2x64xi32, #tpu.memory_space<vmem>>) target_semaphore(%arg9 : memref<!tpu.dma_semaphore, #tpu.memory_space<semaphore_mem>>)
    %dma_start3A_102 = arith.constant 1 : i32
    %dma_start3A_103 = arith.constant 1 : i32
    %dma_start3A_104 = arith.constant 0 : i32
    %dma_start3A_105 = arith.constant 0 : i32
    %dma_start3A_106 = tpu.memref_slice %arg6[%dma_start3A_103, %dma_start3A_104, %dma_start3A_105] : memref<4x2x64xi32, #tpu.memory_space<vmem>> -> memref<1x2x64xi32, #tpu.memory_space<vmem>>
    %dma_start3A_107 = tpu.memref_squeeze %dma_start3A_106 : memref<1x2x64xi32, #tpu.memory_space<vmem>> -> memref<2x64xi32, #tpu.memory_space<vmem>>
    %dma_start3A_108 = arith.constant 0 : i32
    %dma_start3A_109 = arith.constant 0 : i32
    %dma_start3A_110 = tpu.memref_slice %arg3[%add3A, %dma_start3A_102, %dma_start3A_108, %dma_start3A_109] : memref<32x160x2x64xi32, #tpu.memory_space<hbm>> -> memref<1x1x2x64xi32, #tpu.memory_space<hbm>>
    %dma_start3A_111 = tpu.memref_squeeze %dma_start3A_110 : memref<1x1x2x64xi32, #tpu.memory_space<hbm>> -> memref<2x64xi32, #tpu.memory_space<hbm>>
    %dma_start3A_112 = arith.constant 0 : i32
    %dma_start3A_113 = arith.constant 0 : i32
    %dma_start3A_114 = tpu.memref_slice %arg6[%dma_start3A_103, %dma_start3A_112, %dma_start3A_113] : memref<4x2x64xi32, #tpu.memory_space<vmem>> -> memref<1x2x64xi32, #tpu.memory_space<vmem>>
    %dma_start3A_115 = tpu.memref_squeeze %dma_start3A_114 : memref<1x2x64xi32, #tpu.memory_space<vmem>> -> memref<2x64xi32, #tpu.memory_space<vmem>>
    %dma_start3A_116 = arith.constant 0 : i32
    %dma_start3A_117 = arith.constant 0 : i32
    %dma_start3A_118 = tpu.memref_slice %arg3[%add3A, %dma_start3A_102, %dma_start3A_116, %dma_start3A_117] : memref<32x160x2x64xi32, #tpu.memory_space<hbm>> -> memref<1x1x2x64xi32, #tpu.memory_space<hbm>>
    %dma_start3A_119 = tpu.memref_squeeze %dma_start3A_118 : memref<1x1x2x64xi32, #tpu.memory_space<hbm>> -> memref<2x64xi32, #tpu.memory_space<hbm>>
    tpu.enqueue_dma source(%dma_start3A_119 : memref<2x64xi32, #tpu.memory_space<hbm>>) target(%dma_start3A_115 : memref<2x64xi32, #tpu.memory_space<vmem>>) target_semaphore(%arg10 : memref<!tpu.dma_semaphore, #tpu.memory_space<semaphore_mem>>)
    %dma_start3A_120 = arith.constant 2 : i32
    %dma_start3A_121 = arith.constant 2 : i32
    %dma_start3A_122 = arith.constant 0 : i32
    %dma_start3A_123 = arith.constant 0 : i32
    %dma_start3A_124 = tpu.memref_slice %arg6[%dma_start3A_121, %dma_start3A_122, %dma_start3A_123] : memref<4x2x64xi32, #tpu.memory_space<vmem>> -> memref<1x2x64xi32, #tpu.memory_space<vmem>>
    %dma_start3A_125 = tpu.memref_squeeze %dma_start3A_124 : memref<1x2x64xi32, #tpu.memory_space<vmem>> -> memref<2x64xi32, #tpu.memory_space<vmem>>
    %dma_start3A_126 = arith.constant 0 : i32
    %dma_start3A_127 = arith.constant 0 : i32
    %dma_start3A_128 = tpu.memref_slice %arg3[%add3A, %dma_start3A_120, %dma_start3A_126, %dma_start3A_127] : memref<32x160x2x64xi32, #tpu.memory_space<hbm>> -> memref<1x1x2x64xi32, #tpu.memory_space<hbm>>
    %dma_start3A_129 = tpu.memref_squeeze %dma_start3A_128 : memref<1x1x2x64xi32, #tpu.memory_space<hbm>> -> memref<2x64xi32, #tpu.memory_space<hbm>>
    %dma_start3A_130 = arith.constant 0 : i32
    %dma_start3A_131 = arith.constant 0 : i32
    %dma_start3A_132 = tpu.memref_slice %arg6[%dma_start3A_121, %dma_start3A_130, %dma_start3A_131] : memref<4x2x64xi32, #tpu.memory_space<vmem>> -> memref<1x2x64xi32, #tpu.memory_space<vmem>>
    %dma_start3A_133 = tpu.memref_squeeze %dma_start3A_132 : memref<1x2x64xi32, #tpu.memory_space<vmem>> -> memref<2x64xi32, #tpu.memory_space<vmem>>
    %dma_start3A_134 = arith.constant 0 : i32
    %dma_start3A_135 = arith.constant 0 : i32
    %dma_start3A_136 = tpu.memref_slice %arg3[%add3A, %dma_start3A_120, %dma_start3A_134, %dma_start3A_135] : memref<32x160x2x64xi32, #tpu.memory_space<hbm>> -> memref<1x1x2x64xi32, #tpu.memory_space<hbm>>
    %dma_start3A_137 = tpu.memref_squeeze %dma_start3A_136 : memref<1x1x2x64xi32, #tpu.memory_space<hbm>> -> memref<2x64xi32, #tpu.memory_space<hbm>>
    tpu.enqueue_dma source(%dma_start3A_137 : memref<2x64xi32, #tpu.memory_space<hbm>>) target(%dma_start3A_133 : memref<2x64xi32, #tpu.memory_space<vmem>>) target_semaphore(%arg11 : memref<!tpu.dma_semaphore, #tpu.memory_space<semaphore_mem>>)
    %dma_start3A_138 = arith.constant 3 : i32
    %dma_start3A_139 = arith.constant 3 : i32
    %dma_start3A_140 = arith.constant 0 : i32
    %dma_start3A_141 = arith.constant 0 : i32
    %dma_start3A_142 = tpu.memref_slice %arg6[%dma_start3A_139, %dma_start3A_140, %dma_start3A_141] : memref<4x2x64xi32, #tpu.memory_space<vmem>> -> memref<1x2x64xi32, #tpu.memory_space<vmem>>
    %dma_start3A_143 = tpu.memref_squeeze %dma_start3A_142 : memref<1x2x64xi32, #tpu.memory_space<vmem>> -> memref<2x64xi32, #tpu.memory_space<vmem>>
    %dma_start3A_144 = arith.constant 0 : i32
    %dma_start3A_145 = arith.constant 0 : i32
    %dma_start3A_146 = tpu.memref_slice %arg3[%add3A, %dma_start3A_138, %dma_start3A_144, %dma_start3A_145] : memref<32x160x2x64xi32, #tpu.memory_space<hbm>> -> memref<1x1x2x64xi32, #tpu.memory_space<hbm>>
    %dma_start3A_147 = tpu.memref_squeeze %dma_start3A_146 : memref<1x1x2x64xi32, #tpu.memory_space<hbm>> -> memref<2x64xi32, #tpu.memory_space<hbm>>
    %dma_start3A_148 = arith.constant 0 : i32
    %dma_start3A_149 = arith.constant 0 : i32
    %dma_start3A_150 = tpu.memref_slice %arg6[%dma_start3A_139, %dma_start3A_148, %dma_start3A_149] : memref<4x2x64xi32, #tpu.memory_space<vmem>> -> memref<1x2x64xi32, #tpu.memory_space<vmem>>
    %dma_start3A_151 = tpu.memref_squeeze %dma_start3A_150 : memref<1x2x64xi32, #tpu.memory_space<vmem>> -> memref<2x64xi32, #tpu.memory_space<vmem>>
    %dma_start3A_152 = arith.constant 0 : i32
    %dma_start3A_153 = arith.constant 0 : i32
    %dma_start3A_154 = tpu.memref_slice %arg3[%add3A, %dma_start3A_138, %dma_start3A_152, %dma_start3A_153] : memref<32x160x2x64xi32, #tpu.memory_space<hbm>> -> memref<1x1x2x64xi32, #tpu.memory_space<hbm>>
    %dma_start3A_155 = tpu.memref_squeeze %dma_start3A_154 : memref<1x1x2x64xi32, #tpu.memory_space<hbm>> -> memref<2x64xi32, #tpu.memory_space<hbm>>
    tpu.enqueue_dma source(%dma_start3A_155 : memref<2x64xi32, #tpu.memory_space<hbm>>) target(%dma_start3A_151 : memref<2x64xi32, #tpu.memory_space<vmem>>) target_semaphore(%arg12 : memref<!tpu.dma_semaphore, #tpu.memory_space<semaphore_mem>>)
    %dma_wait3A = arith.constant 0 : i32
    %dma_wait3A_156 = arith.constant 0 : i32
    %dma_wait3A_157 = arith.constant 0 : i32
    %dma_wait3A_158 = arith.constant 0 : i32
    %dma_wait3A_159 = tpu.memref_slice %arg6[%dma_wait3A_156, %dma_wait3A_157, %dma_wait3A_158] : memref<4x2x64xi32, #tpu.memory_space<vmem>> -> memref<1x2x64xi32, #tpu.memory_space<vmem>>
    %dma_wait3A_160 = tpu.memref_squeeze %dma_wait3A_159 : memref<1x2x64xi32, #tpu.memory_space<vmem>> -> memref<2x64xi32, #tpu.memory_space<vmem>>
    %dma_wait3A_161 = arith.constant 0 : i32
    %dma_wait3A_162 = arith.constant 0 : i32
    %dma_wait3A_163 = tpu.memref_slice %arg3[%add3A, %dma_wait3A, %dma_wait3A_161, %dma_wait3A_162] : memref<32x160x2x64xi32, #tpu.memory_space<hbm>> -> memref<1x1x2x64xi32, #tpu.memory_space<hbm>>
    %dma_wait3A_164 = tpu.memref_squeeze %dma_wait3A_163 : memref<1x1x2x64xi32, #tpu.memory_space<hbm>> -> memref<2x64xi32, #tpu.memory_space<hbm>>
    %dma_wait3A_165 = arith.constant 0 : i32
    %dma_wait3A_166 = arith.constant 0 : i32
    %dma_wait3A_167 = tpu.memref_slice %arg6[%dma_wait3A_156, %dma_wait3A_165, %dma_wait3A_166] : memref<4x2x64xi32, #tpu.memory_space<vmem>> -> memref<1x2x64xi32, #tpu.memory_space<vmem>>
    %dma_wait3A_168 = tpu.memref_squeeze %dma_wait3A_167 : memref<1x2x64xi32, #tpu.memory_space<vmem>> -> memref<2x64xi32, #tpu.memory_space<vmem>>
    %dma_wait3A_169 = arith.constant 0 : i32
    %dma_wait3A_170 = arith.constant 0 : i32
    %dma_wait3A_171 = tpu.memref_slice %arg3[%add3A, %dma_wait3A, %dma_wait3A_169, %dma_wait3A_170] : memref<32x160x2x64xi32, #tpu.memory_space<hbm>> -> memref<1x1x2x64xi32, #tpu.memory_space<hbm>>
    %dma_wait3A_172 = tpu.memref_squeeze %dma_wait3A_171 : memref<1x1x2x64xi32, #tpu.memory_space<hbm>> -> memref<2x64xi32, #tpu.memory_space<hbm>>
    tpu.wait_dma2 semaphore(%arg9 : memref<!tpu.dma_semaphore, #tpu.memory_space<semaphore_mem>>) src(%dma_wait3A_172 : memref<2x64xi32, #tpu.memory_space<hbm>>) dst(%dma_wait3A_168 : memref<2x64xi32, #tpu.memory_space<vmem>>)
    %dma_start3A_173 = arith.constant 0 : i32
    %dma_start3A_174 = arith.constant 0 : i32
    %dma_start3A_175 = arith.constant 0 : i32
    %dma_start3A_176 = arith.constant 0 : i32
    %dma_start3A_177 = arith.constant 0 : i32
    %dma_start3A_178 = tpu.memref_slice %arg7[%dma_start3A_175, %dma_start3A_176, %dma_start3A_177] : memref<2x64x128xf32, #tpu.memory_space<vmem>> -> memref<1x64x128xf32, #tpu.memory_space<vmem>>
    %dma_start3A_179 = tpu.memref_squeeze %dma_start3A_178 : memref<1x64x128xf32, #tpu.memory_space<vmem>> -> memref<64x128xf32, #tpu.memory_space<vmem>>
    %dma_start3A_180 = arith.constant 0 : i32
    %dma_start3A_181 = tpu.memref_slice %arg6[%dma_start3A_173, %dma_start3A_174, %dma_start3A_180] : memref<4x2x64xi32, #tpu.memory_space<vmem>> -> memref<1x1x64xi32, #tpu.memory_space<vmem>>
    %dma_start3A_182 = tpu.memref_squeeze %dma_start3A_181 : memref<1x1x64xi32, #tpu.memory_space<vmem>> -> memref<64xi32, #tpu.memory_space<vmem>>
    %dma_start3A_183 = arith.constant 0 : i32
    %dma_start3A_184 = arith.constant 0 : i32
    %dma_start3A_185 = tpu.memref_slice %arg2[%dma_start3A_183, %dma_start3A_184] : memref<10240x128xf32, #tpu.memory_space<hbm>> -> memref<10240x128xf32, #tpu.memory_space<hbm>>
    tpu.enqueue_indirect_dma source(%dma_start3A_185 : memref<10240x128xf32, #tpu.memory_space<hbm>>) target(%dma_start3A_179 : memref<64x128xf32, #tpu.memory_space<vmem>>) offsets(%dma_start3A_182 : memref<64xi32, #tpu.memory_space<vmem>>) semaphore(%arg13 : memref<!tpu.dma_semaphore, #tpu.memory_space<semaphore_mem>>)
    %scan3A_186 = arith.constant 0 : i32
    %scan3A_187 = arith.constant 40 : i32
    %scan3A_188 = arith.addi %scan3A_186, %scan3A_187 : i32
    %scan3A_189 = arith.constant 1 : i32
    scf.for %scan3A_212 = %scan3A_186 to %scan3A_188 step %scan3A_189  : i32 {
      %mul3A_213 = arith.constant 4 : i32
      %mul3A_214 = arith.muli %scan3A_212, %mul3A_213 : i32
      %add3A_215 = arith.constant 0 : i32
      %add3A_216 = arith.addi %add3A_215, %mul3A_214 : i32
      %add3A_217 = arith.constant 0 : i32
      %add3A_218 = arith.addi %add3A_216, %add3A_217 : i32
      %dma_wait3A_219 = arith.constant 0 : i32
      %dma_wait3A_220 = arith.constant 0 : i32
      %dma_wait3A_221 = arith.constant 0 : i32
      %dma_wait3A_222 = arith.constant 0 : i32
      %dma_wait3A_223 = arith.constant 0 : i32
      %dma_wait3A_224 = tpu.memref_slice %arg7[%dma_wait3A_221, %dma_wait3A_222, %dma_wait3A_223] : memref<2x64x128xf32, #tpu.memory_space<vmem>> -> memref<1x64x128xf32, #tpu.memory_space<vmem>>
      %dma_wait3A_225 = tpu.memref_squeeze %dma_wait3A_224 : memref<1x64x128xf32, #tpu.memory_space<vmem>> -> memref<64x128xf32, #tpu.memory_space<vmem>>
      %dma_wait3A_226 = arith.constant 0 : i32
      %dma_wait3A_227 = tpu.memref_slice %arg6[%dma_wait3A_219, %dma_wait3A_220, %dma_wait3A_226] : memref<4x2x64xi32, #tpu.memory_space<vmem>> -> memref<1x1x64xi32, #tpu.memory_space<vmem>>
      %dma_wait3A_228 = tpu.memref_squeeze %dma_wait3A_227 : memref<1x1x64xi32, #tpu.memory_space<vmem>> -> memref<64xi32, #tpu.memory_space<vmem>>
      %dma_wait3A_229 = arith.constant 0 : i32
      %dma_wait3A_230 = arith.constant 0 : i32
      %dma_wait3A_231 = tpu.memref_slice %arg2[%dma_wait3A_229, %dma_wait3A_230] : memref<10240x128xf32, #tpu.memory_space<hbm>> -> memref<10240x128xf32, #tpu.memory_space<hbm>>
      tpu.wait_indirect_dma semaphore(%arg13 : memref<!tpu.dma_semaphore, #tpu.memory_space<semaphore_mem>>) src(%dma_wait3A_231 : memref<10240x128xf32, #tpu.memory_space<hbm>>) dst(%dma_wait3A_225 : memref<64x128xf32, #tpu.memory_space<vmem>>)
      %dma_start3A_232 = arith.constant 0 : i32
      %dma_start3A_233 = arith.constant 0 : i32
      %dma_start3A_234 = arith.constant 1 : i32
      %dma_start3A_235 = arith.constant 0 : i32
      %dma_start3A_236 = arith.constant 0 : i32
      %dma_start3A_237 = tpu.memref_slice %arg7[%dma_start3A_232, %dma_start3A_235, %dma_start3A_236] : memref<2x64x128xf32, #tpu.memory_space<vmem>> -> memref<1x64x128xf32, #tpu.memory_space<vmem>>
      %dma_start3A_238 = tpu.memref_squeeze %dma_start3A_237 : memref<1x64x128xf32, #tpu.memory_space<vmem>> -> memref<64x128xf32, #tpu.memory_space<vmem>>
      %dma_start3A_239 = arith.constant 0 : i32
      %dma_start3A_240 = tpu.memref_slice %arg6[%dma_start3A_233, %dma_start3A_234, %dma_start3A_239] : memref<4x2x64xi32, #tpu.memory_space<vmem>> -> memref<1x1x64xi32, #tpu.memory_space<vmem>>
      %dma_start3A_241 = tpu.memref_squeeze %dma_start3A_240 : memref<1x1x64xi32, #tpu.memory_space<vmem>> -> memref<64xi32, #tpu.memory_space<vmem>>
      %dma_start3A_242 = arith.constant 0 : i32
      %dma_start3A_243 = arith.constant 0 : i32
      %dma_start3A_244 = tpu.memref_slice %arg8[%dma_start3A_242, %dma_start3A_243] : memref<10240x128xf32, #tpu.memory_space<vmem_shared>> -> memref<10240x128xf32, #tpu.memory_space<vmem_shared>>
      tpu.enqueue_indirect_dma source(%dma_start3A_238 : memref<64x128xf32, #tpu.memory_space<vmem>>) target(%dma_start3A_244 : memref<10240x128xf32, #tpu.memory_space<vmem_shared>>) offsets(%dma_start3A_241 : memref<64xi32, #tpu.memory_space<vmem>>) semaphore(%arg15 : memref<!tpu.dma_semaphore, #tpu.memory_space<semaphore_mem>>) {add = true}
      %dma_start3A_245 = arith.constant 0 : i32
      %dma_start3A_246 = arith.constant 1 : i32
      %dma_start3A_247 = arith.constant 0 : i32
      %dma_start3A_248 = tpu.memref_slice %arg6[%dma_start3A_245, %dma_start3A_246, %dma_start3A_247] : memref<4x2x64xi32, #tpu.memory_space<vmem>> -> memref<1x1x64xi32, #tpu.memory_space<vmem>>
      %dma_start3A_249 = tpu.memref_squeeze %dma_start3A_248 : memref<1x1x64xi32, #tpu.memory_space<vmem>> -> memref<64xi32, #tpu.memory_space<vmem>>
      %dma_start3A_250 = arith.constant 0 : i32
      %dma_start3A_251 = tpu.memref_slice %arg19[%dma_start3A_250] : memref<10240xf32, #tpu.memory_space<vmem_shared>> -> memref<10240xf32, #tpu.memory_space<vmem_shared>>
      tpu.enqueue_indirect_dma source(%arg17 : memref<64xf32, #tpu.memory_space<vmem>>) target(%dma_start3A_251 : memref<10240xf32, #tpu.memory_space<vmem_shared>>) offsets(%dma_start3A_249 : memref<64xi32, #tpu.memory_space<vmem>>) semaphore(%arg20 : memref<!tpu.dma_semaphore, #tpu.memory_space<semaphore_mem>>) {add = true}
      %ge3A = arith.constant 1 : i32
      %ge3A_252 = arith.cmpi sge, %add3A_218, %ge3A : i32
      %convert_element_type3A = arith.extui %ge3A_252 : i1 to i32
      %cond3A = arith.constant 0 : i32
      %cond3A_253 = arith.cmpi ne, %convert_element_type3A, %cond3A : i32
      scf.if %cond3A_253 {
        %dma_wait3A_401 = arith.constant 1 : i32
        %dma_wait3A_402 = arith.constant 3 : i32
        %dma_wait3A_403 = arith.constant 1 : i32
        %dma_wait3A_404 = arith.constant 0 : i32
        %dma_wait3A_405 = arith.constant 0 : i32
        %dma_wait3A_406 = tpu.memref_slice %arg7[%dma_wait3A_401, %dma_wait3A_404, %dma_wait3A_405] : memref<2x64x128xf32, #tpu.memory_space<vmem>> -> memref<1x64x128xf32, #tpu.memory_space<vmem>>
        %dma_wait3A_407 = tpu.memref_squeeze %dma_wait3A_406 : memref<1x64x128xf32, #tpu.memory_space<vmem>> -> memref<64x128xf32, #tpu.memory_space<vmem>>
        %dma_wait3A_408 = arith.constant 0 : i32
        %dma_wait3A_409 = tpu.memref_slice %arg6[%dma_wait3A_402, %dma_wait3A_403, %dma_wait3A_408] : memref<4x2x64xi32, #tpu.memory_space<vmem>> -> memref<1x1x64xi32, #tpu.memory_space<vmem>>
        %dma_wait3A_410 = tpu.memref_squeeze %dma_wait3A_409 : memref<1x1x64xi32, #tpu.memory_space<vmem>> -> memref<64xi32, #tpu.memory_space<vmem>>
        %dma_wait3A_411 = arith.constant 0 : i32
        %dma_wait3A_412 = arith.constant 0 : i32
        %dma_wait3A_413 = tpu.memref_slice %arg8[%dma_wait3A_411, %dma_wait3A_412] : memref<10240x128xf32, #tpu.memory_space<vmem_shared>> -> memref<10240x128xf32, #tpu.memory_space<vmem_shared>>
        tpu.wait_indirect_dma semaphore(%arg16 : memref<!tpu.dma_semaphore, #tpu.memory_space<semaphore_mem>>) src(%dma_wait3A_407 : memref<64x128xf32, #tpu.memory_space<vmem>>) dst(%dma_wait3A_413 : memref<10240x128xf32, #tpu.memory_space<vmem_shared>>)
        %dma_wait3A_414 = arith.constant 3 : i32
        %dma_wait3A_415 = arith.constant 1 : i32
        %dma_wait3A_416 = arith.constant 0 : i32
        %dma_wait3A_417 = tpu.memref_slice %arg6[%dma_wait3A_414, %dma_wait3A_415, %dma_wait3A_416] : memref<4x2x64xi32, #tpu.memory_space<vmem>> -> memref<1x1x64xi32, #tpu.memory_space<vmem>>
        %dma_wait3A_418 = tpu.memref_squeeze %dma_wait3A_417 : memref<1x1x64xi32, #tpu.memory_space<vmem>> -> memref<64xi32, #tpu.memory_space<vmem>>
        %dma_wait3A_419 = arith.constant 0 : i32
        %dma_wait3A_420 = tpu.memref_slice %arg19[%dma_wait3A_419] : memref<10240xf32, #tpu.memory_space<vmem_shared>> -> memref<10240xf32, #tpu.memory_space<vmem_shared>>
        tpu.wait_indirect_dma semaphore(%arg21 : memref<!tpu.dma_semaphore, #tpu.memory_space<semaphore_mem>>) src(%arg17 : memref<64xf32, #tpu.memory_space<vmem>>) dst(%dma_wait3A_420 : memref<10240xf32, #tpu.memory_space<vmem_shared>>)
        %add3A_421 = arith.constant 3 : i32
        %add3A_422 = arith.addi %add3A_218, %add3A_421 : i32
        %lt3A_423 = arith.constant 160 : i32
        %lt3A_424 = arith.cmpi slt, %add3A_422, %lt3A_423 : i32
        %convert_element_type3A_425 = arith.extui %lt3A_424 : i1 to i32
        %cond3A_426 = arith.constant 0 : i32
        %cond3A_427 = arith.cmpi ne, %convert_element_type3A_425, %cond3A_426 : i32
        scf.if %cond3A_427 {
          %add3A_428 = arith.constant 3 : i32
          %add3A_429 = arith.addi %add3A_218, %add3A_428 : i32
          %dma_start3A_430 = arith.constant 3 : i32
          %dma_start3A_431 = arith.constant 0 : i32
          %dma_start3A_432 = arith.constant 0 : i32
          %dma_start3A_433 = tpu.memref_slice %arg6[%dma_start3A_430, %dma_start3A_431, %dma_start3A_432] : memref<4x2x64xi32, #tpu.memory_space<vmem>> -> memref<1x2x64xi32, #tpu.memory_space<vmem>>
          %dma_start3A_434 = tpu.memref_squeeze %dma_start3A_433 : memref<1x2x64xi32, #tpu.memory_space<vmem>> -> memref<2x64xi32, #tpu.memory_space<vmem>>
          %dma_start3A_435 = arith.constant 0 : i32
          %dma_start3A_436 = arith.constant 0 : i32
          %dma_start3A_437 = tpu.memref_slice %arg3[%add3A, %add3A_429, %dma_start3A_435, %dma_start3A_436] : memref<32x160x2x64xi32, #tpu.memory_space<hbm>> -> memref<1x1x2x64xi32, #tpu.memory_space<hbm>>
          %dma_start3A_438 = tpu.memref_squeeze %dma_start3A_437 : memref<1x1x2x64xi32, #tpu.memory_space<hbm>> -> memref<2x64xi32, #tpu.memory_space<hbm>>
          %dma_start3A_439 = arith.constant 0 : i32
          %dma_start3A_440 = arith.constant 0 : i32
          %dma_start3A_441 = tpu.memref_slice %arg6[%dma_start3A_430, %dma_start3A_439, %dma_start3A_440] : memref<4x2x64xi32, #tpu.memory_space<vmem>> -> memref<1x2x64xi32, #tpu.memory_space<vmem>>
          %dma_start3A_442 = tpu.memref_squeeze %dma_start3A_441 : memref<1x2x64xi32, #tpu.memory_space<vmem>> -> memref<2x64xi32, #tpu.memory_space<vmem>>
          %dma_start3A_443 = arith.constant 0 : i32
          %dma_start3A_444 = arith.constant 0 : i32
          %dma_start3A_445 = tpu.memref_slice %arg3[%add3A, %add3A_429, %dma_start3A_443, %dma_start3A_444] : memref<32x160x2x64xi32, #tpu.memory_space<hbm>> -> memref<1x1x2x64xi32, #tpu.memory_space<hbm>>
          %dma_start3A_446 = tpu.memref_squeeze %dma_start3A_445 : memref<1x1x2x64xi32, #tpu.memory_space<hbm>> -> memref<2x64xi32, #tpu.memory_space<hbm>>
          tpu.enqueue_dma source(%dma_start3A_446 : memref<2x64xi32, #tpu.memory_space<hbm>>) target(%dma_start3A_442 : memref<2x64xi32, #tpu.memory_space<vmem>>) target_semaphore(%arg12 : memref<!tpu.dma_semaphore, #tpu.memory_space<semaphore_mem>>)
        } else {
        }
      } else {
      }
      %add3A_254 = arith.constant 1 : i32
      %add3A_255 = arith.addi %add3A_218, %add3A_254 : i32
      %lt3A = arith.constant 160 : i32
      %lt3A_256 = arith.cmpi slt, %add3A_255, %lt3A : i32
      %convert_element_type3A_257 = arith.extui %lt3A_256 : i1 to i32
      %cond3A_258 = arith.constant 0 : i32
      %cond3A_259 = arith.cmpi ne, %convert_element_type3A_257, %cond3A_258 : i32
      scf.if %cond3A_259 {
        %add3A_401 = arith.constant 1 : i32
        %add3A_402 = arith.addi %add3A_218, %add3A_401 : i32
        %dma_wait3A_403 = arith.constant 1 : i32
        %dma_wait3A_404 = arith.constant 0 : i32
        %dma_wait3A_405 = arith.constant 0 : i32
        %dma_wait3A_406 = tpu.memref_slice %arg6[%dma_wait3A_403, %dma_wait3A_404, %dma_wait3A_405] : memref<4x2x64xi32, #tpu.memory_space<vmem>> -> memref<1x2x64xi32, #tpu.memory_space<vmem>>
        %dma_wait3A_407 = tpu.memref_squeeze %dma_wait3A_406 : memref<1x2x64xi32, #tpu.memory_space<vmem>> -> memref<2x64xi32, #tpu.memory_space<vmem>>
        %dma_wait3A_408 = arith.constant 0 : i32
        %dma_wait3A_409 = arith.constant 0 : i32
        %dma_wait3A_410 = tpu.memref_slice %arg3[%add3A, %add3A_402, %dma_wait3A_408, %dma_wait3A_409] : memref<32x160x2x64xi32, #tpu.memory_space<hbm>> -> memref<1x1x2x64xi32, #tpu.memory_space<hbm>>
        %dma_wait3A_411 = tpu.memref_squeeze %dma_wait3A_410 : memref<1x1x2x64xi32, #tpu.memory_space<hbm>> -> memref<2x64xi32, #tpu.memory_space<hbm>>
        %dma_wait3A_412 = arith.constant 0 : i32
        %dma_wait3A_413 = arith.constant 0 : i32
        %dma_wait3A_414 = tpu.memref_slice %arg6[%dma_wait3A_403, %dma_wait3A_412, %dma_wait3A_413] : memref<4x2x64xi32, #tpu.memory_space<vmem>> -> memref<1x2x64xi32, #tpu.memory_space<vmem>>
        %dma_wait3A_415 = tpu.memref_squeeze %dma_wait3A_414 : memref<1x2x64xi32, #tpu.memory_space<vmem>> -> memref<2x64xi32, #tpu.memory_space<vmem>>
        %dma_wait3A_416 = arith.constant 0 : i32
        %dma_wait3A_417 = arith.constant 0 : i32
        %dma_wait3A_418 = tpu.memref_slice %arg3[%add3A, %add3A_402, %dma_wait3A_416, %dma_wait3A_417] : memref<32x160x2x64xi32, #tpu.memory_space<hbm>> -> memref<1x1x2x64xi32, #tpu.memory_space<hbm>>
        %dma_wait3A_419 = tpu.memref_squeeze %dma_wait3A_418 : memref<1x1x2x64xi32, #tpu.memory_space<hbm>> -> memref<2x64xi32, #tpu.memory_space<hbm>>
        tpu.wait_dma2 semaphore(%arg10 : memref<!tpu.dma_semaphore, #tpu.memory_space<semaphore_mem>>) src(%dma_wait3A_419 : memref<2x64xi32, #tpu.memory_space<hbm>>) dst(%dma_wait3A_415 : memref<2x64xi32, #tpu.memory_space<vmem>>)
        %dma_start3A_420 = arith.constant 1 : i32
        %dma_start3A_421 = arith.constant 0 : i32
        %dma_start3A_422 = arith.constant 1 : i32
        %dma_start3A_423 = arith.constant 0 : i32
        %dma_start3A_424 = arith.constant 0 : i32
        %dma_start3A_425 = tpu.memref_slice %arg7[%dma_start3A_422, %dma_start3A_423, %dma_start3A_424] : memref<2x64x128xf32, #tpu.memory_space<vmem>> -> memref<1x64x128xf32, #tpu.memory_space<vmem>>
        %dma_start3A_426 = tpu.memref_squeeze %dma_start3A_425 : memref<1x64x128xf32, #tpu.memory_space<vmem>> -> memref<64x128xf32, #tpu.memory_space<vmem>>
        %dma_start3A_427 = arith.constant 0 : i32
        %dma_start3A_428 = tpu.memref_slice %arg6[%dma_start3A_420, %dma_start3A_421, %dma_start3A_427] : memref<4x2x64xi32, #tpu.memory_space<vmem>> -> memref<1x1x64xi32, #tpu.memory_space<vmem>>
        %dma_start3A_429 = tpu.memref_squeeze %dma_start3A_428 : memref<1x1x64xi32, #tpu.memory_space<vmem>> -> memref<64xi32, #tpu.memory_space<vmem>>
        %dma_start3A_430 = arith.constant 0 : i32
        %dma_start3A_431 = arith.constant 0 : i32
        %dma_start3A_432 = tpu.memref_slice %arg2[%dma_start3A_430, %dma_start3A_431] : memref<10240x128xf32, #tpu.memory_space<hbm>> -> memref<10240x128xf32, #tpu.memory_space<hbm>>
        tpu.enqueue_indirect_dma source(%dma_start3A_432 : memref<10240x128xf32, #tpu.memory_space<hbm>>) target(%dma_start3A_426 : memref<64x128xf32, #tpu.memory_space<vmem>>) offsets(%dma_start3A_429 : memref<64xi32, #tpu.memory_space<vmem>>) semaphore(%arg14 : memref<!tpu.dma_semaphore, #tpu.memory_space<semaphore_mem>>)
      } else {
      }
      %add3A_260 = arith.constant 1 : i32
      %add3A_261 = arith.addi %add3A_216, %add3A_260 : i32
      %dma_wait3A_262 = arith.constant 1 : i32
      %dma_wait3A_263 = arith.constant 0 : i32
      %dma_wait3A_264 = arith.constant 1 : i32
      %dma_wait3A_265 = arith.constant 0 : i32
      %dma_wait3A_266 = arith.constant 0 : i32
      %dma_wait3A_267 = tpu.memref_slice %arg7[%dma_wait3A_264, %dma_wait3A_265, %dma_wait3A_266] : memref<2x64x128xf32, #tpu.memory_space<vmem>> -> memref<1x64x128xf32, #tpu.memory_space<vmem>>
      %dma_wait3A_268 = tpu.memref_squeeze %dma_wait3A_267 : memref<1x64x128xf32, #tpu.memory_space<vmem>> -> memref<64x128xf32, #tpu.memory_space<vmem>>
      %dma_wait3A_269 = arith.constant 0 : i32
      %dma_wait3A_270 = tpu.memref_slice %arg6[%dma_wait3A_262, %dma_wait3A_263, %dma_wait3A_269] : memref<4x2x64xi32, #tpu.memory_space<vmem>> -> memref<1x1x64xi32, #tpu.memory_space<vmem>>
      %dma_wait3A_271 = tpu.memref_squeeze %dma_wait3A_270 : memref<1x1x64xi32, #tpu.memory_space<vmem>> -> memref<64xi32, #tpu.memory_space<vmem>>
      %dma_wait3A_272 = arith.constant 0 : i32
      %dma_wait3A_273 = arith.constant 0 : i32
      %dma_wait3A_274 = tpu.memref_slice %arg2[%dma_wait3A_272, %dma_wait3A_273] : memref<10240x128xf32, #tpu.memory_space<hbm>> -> memref<10240x128xf32, #tpu.memory_space<hbm>>
      tpu.wait_indirect_dma semaphore(%arg14 : memref<!tpu.dma_semaphore, #tpu.memory_space<semaphore_mem>>) src(%dma_wait3A_274 : memref<10240x128xf32, #tpu.memory_space<hbm>>) dst(%dma_wait3A_268 : memref<64x128xf32, #tpu.memory_space<vmem>>)
      %dma_start3A_275 = arith.constant 1 : i32
      %dma_start3A_276 = arith.constant 1 : i32
      %dma_start3A_277 = arith.constant 1 : i32
      %dma_start3A_278 = arith.constant 0 : i32
      %dma_start3A_279 = arith.constant 0 : i32
      %dma_start3A_280 = tpu.memref_slice %arg7[%dma_start3A_275, %dma_start3A_278, %dma_start3A_279] : memref<2x64x128xf32, #tpu.memory_space<vmem>> -> memref<1x64x128xf32, #tpu.memory_space<vmem>>
      %dma_start3A_281 = tpu.memref_squeeze %dma_start3A_280 : memref<1x64x128xf32, #tpu.memory_space<vmem>> -> memref<64x128xf32, #tpu.memory_space<vmem>>
      %dma_start3A_282 = arith.constant 0 : i32
      %dma_start3A_283 = tpu.memref_slice %arg6[%dma_start3A_276, %dma_start3A_277, %dma_start3A_282] : memref<4x2x64xi32, #tpu.memory_space<vmem>> -> memref<1x1x64xi32, #tpu.memory_space<vmem>>
      %dma_start3A_284 = tpu.memref_squeeze %dma_start3A_283 : memref<1x1x64xi32, #tpu.memory_space<vmem>> -> memref<64xi32, #tpu.memory_space<vmem>>
      %dma_start3A_285 = arith.constant 0 : i32
      %dma_start3A_286 = arith.constant 0 : i32
      %dma_start3A_287 = tpu.memref_slice %arg8[%dma_start3A_285, %dma_start3A_286] : memref<10240x128xf32, #tpu.memory_space<vmem_shared>> -> memref<10240x128xf32, #tpu.memory_space<vmem_shared>>
      tpu.enqueue_indirect_dma source(%dma_start3A_281 : memref<64x128xf32, #tpu.memory_space<vmem>>) target(%dma_start3A_287 : memref<10240x128xf32, #tpu.memory_space<vmem_shared>>) offsets(%dma_start3A_284 : memref<64xi32, #tpu.memory_space<vmem>>) semaphore(%arg16 : memref<!tpu.dma_semaphore, #tpu.memory_space<semaphore_mem>>) {add = true}
      %dma_start3A_288 = arith.constant 1 : i32
      %dma_start3A_289 = arith.constant 1 : i32
      %dma_start3A_290 = arith.constant 0 : i32
      %dma_start3A_291 = tpu.memref_slice %arg6[%dma_start3A_288, %dma_start3A_289, %dma_start3A_290] : memref<4x2x64xi32, #tpu.memory_space<vmem>> -> memref<1x1x64xi32, #tpu.memory_space<vmem>>
      %dma_start3A_292 = tpu.memref_squeeze %dma_start3A_291 : memref<1x1x64xi32, #tpu.memory_space<vmem>> -> memref<64xi32, #tpu.memory_space<vmem>>
      %dma_start3A_293 = arith.constant 0 : i32
      %dma_start3A_294 = tpu.memref_slice %arg19[%dma_start3A_293] : memref<10240xf32, #tpu.memory_space<vmem_shared>> -> memref<10240xf32, #tpu.memory_space<vmem_shared>>
      tpu.enqueue_indirect_dma source(%arg17 : memref<64xf32, #tpu.memory_space<vmem>>) target(%dma_start3A_294 : memref<10240xf32, #tpu.memory_space<vmem_shared>>) offsets(%dma_start3A_292 : memref<64xi32, #tpu.memory_space<vmem>>) semaphore(%arg21 : memref<!tpu.dma_semaphore, #tpu.memory_space<semaphore_mem>>) {add = true}
      %ge3A_295 = arith.constant 1 : i32
      %ge3A_296 = arith.cmpi sge, %add3A_261, %ge3A_295 : i32
      %convert_element_type3A_297 = arith.extui %ge3A_296 : i1 to i32
      %cond3A_298 = arith.constant 0 : i32
      %cond3A_299 = arith.cmpi ne, %convert_element_type3A_297, %cond3A_298 : i32
      scf.if %cond3A_299 {
        %dma_wait3A_401 = arith.constant 0 : i32
        %dma_wait3A_402 = arith.constant 0 : i32
        %dma_wait3A_403 = arith.constant 1 : i32
        %dma_wait3A_404 = arith.constant 0 : i32
        %dma_wait3A_405 = arith.constant 0 : i32
        %dma_wait3A_406 = tpu.memref_slice %arg7[%dma_wait3A_401, %dma_wait3A_404, %dma_wait3A_405] : memref<2x64x128xf32, #tpu.memory_space<vmem>> -> memref<1x64x128xf32, #tpu.memory_space<vmem>>
        %dma_wait3A_407 = tpu.memref_squeeze %dma_wait3A_406 : memref<1x64x128xf32, #tpu.memory_space<vmem>> -> memref<64x128xf32, #tpu.memory_space<vmem>>
        %dma_wait3A_408 = arith.constant 0 : i32
        %dma_wait3A_409 = tpu.memref_slice %arg6[%dma_wait3A_402, %dma_wait3A_403, %dma_wait3A_408] : memref<4x2x64xi32, #tpu.memory_space<vmem>> -> memref<1x1x64xi32, #tpu.memory_space<vmem>>
        %dma_wait3A_410 = tpu.memref_squeeze %dma_wait3A_409 : memref<1x1x64xi32, #tpu.memory_space<vmem>> -> memref<64xi32, #tpu.memory_space<vmem>>
        %dma_wait3A_411 = arith.constant 0 : i32
        %dma_wait3A_412 = arith.constant 0 : i32
        %dma_wait3A_413 = tpu.memref_slice %arg8[%dma_wait3A_411, %dma_wait3A_412] : memref<10240x128xf32, #tpu.memory_space<vmem_shared>> -> memref<10240x128xf32, #tpu.memory_space<vmem_shared>>
        tpu.wait_indirect_dma semaphore(%arg15 : memref<!tpu.dma_semaphore, #tpu.memory_space<semaphore_mem>>) src(%dma_wait3A_407 : memref<64x128xf32, #tpu.memory_space<vmem>>) dst(%dma_wait3A_413 : memref<10240x128xf32, #tpu.memory_space<vmem_shared>>)
        %dma_wait3A_414 = arith.constant 0 : i32
        %dma_wait3A_415 = arith.constant 1 : i32
        %dma_wait3A_416 = arith.constant 0 : i32
        %dma_wait3A_417 = tpu.memref_slice %arg6[%dma_wait3A_414, %dma_wait3A_415, %dma_wait3A_416] : memref<4x2x64xi32, #tpu.memory_space<vmem>> -> memref<1x1x64xi32, #tpu.memory_space<vmem>>
        %dma_wait3A_418 = tpu.memref_squeeze %dma_wait3A_417 : memref<1x1x64xi32, #tpu.memory_space<vmem>> -> memref<64xi32, #tpu.memory_space<vmem>>
        %dma_wait3A_419 = arith.constant 0 : i32
        %dma_wait3A_420 = tpu.memref_slice %arg19[%dma_wait3A_419] : memref<10240xf32, #tpu.memory_space<vmem_shared>> -> memref<10240xf32, #tpu.memory_space<vmem_shared>>
        tpu.wait_indirect_dma semaphore(%arg20 : memref<!tpu.dma_semaphore, #tpu.memory_space<semaphore_mem>>) src(%arg17 : memref<64xf32, #tpu.memory_space<vmem>>) dst(%dma_wait3A_420 : memref<10240xf32, #tpu.memory_space<vmem_shared>>)
        %add3A_421 = arith.constant 3 : i32
        %add3A_422 = arith.addi %add3A_261, %add3A_421 : i32
        %lt3A_423 = arith.constant 160 : i32
        %lt3A_424 = arith.cmpi slt, %add3A_422, %lt3A_423 : i32
        %convert_element_type3A_425 = arith.extui %lt3A_424 : i1 to i32
        %cond3A_426 = arith.constant 0 : i32
        %cond3A_427 = arith.cmpi ne, %convert_element_type3A_425, %cond3A_426 : i32
        scf.if %cond3A_427 {
          %add3A_428 = arith.constant 3 : i32
          %add3A_429 = arith.addi %add3A_261, %add3A_428 : i32
          %dma_start3A_430 = arith.constant 0 : i32
          %dma_start3A_431 = arith.constant 0 : i32
          %dma_start3A_432 = arith.constant 0 : i32
          %dma_start3A_433 = tpu.memref_slice %arg6[%dma_start3A_430, %dma_start3A_431, %dma_start3A_432] : memref<4x2x64xi32, #tpu.memory_space<vmem>> -> memref<1x2x64xi32, #tpu.memory_space<vmem>>
          %dma_start3A_434 = tpu.memref_squeeze %dma_start3A_433 : memref<1x2x64xi32, #tpu.memory_space<vmem>> -> memref<2x64xi32, #tpu.memory_space<vmem>>
          %dma_start3A_435 = arith.constant 0 : i32
          %dma_start3A_436 = arith.constant 0 : i32
          %dma_start3A_437 = tpu.memref_slice %arg3[%add3A, %add3A_429, %dma_start3A_435, %dma_start3A_436] : memref<32x160x2x64xi32, #tpu.memory_space<hbm>> -> memref<1x1x2x64xi32, #tpu.memory_space<hbm>>
          %dma_start3A_438 = tpu.memref_squeeze %dma_start3A_437 : memref<1x1x2x64xi32, #tpu.memory_space<hbm>> -> memref<2x64xi32, #tpu.memory_space<hbm>>
          %dma_start3A_439 = arith.constant 0 : i32
          %dma_start3A_440 = arith.constant 0 : i32
          %dma_start3A_441 = tpu.memref_slice %arg6[%dma_start3A_430, %dma_start3A_439, %dma_start3A_440] : memref<4x2x64xi32, #tpu.memory_space<vmem>> -> memref<1x2x64xi32, #tpu.memory_space<vmem>>
          %dma_start3A_442 = tpu.memref_squeeze %dma_start3A_441 : memref<1x2x64xi32, #tpu.memory_space<vmem>> -> memref<2x64xi32, #tpu.memory_space<vmem>>
          %dma_start3A_443 = arith.constant 0 : i32
          %dma_start3A_444 = arith.constant 0 : i32
          %dma_start3A_445 = tpu.memref_slice %arg3[%add3A, %add3A_429, %dma_start3A_443, %dma_start3A_444] : memref<32x160x2x64xi32, #tpu.memory_space<hbm>> -> memref<1x1x2x64xi32, #tpu.memory_space<hbm>>
          %dma_start3A_446 = tpu.memref_squeeze %dma_start3A_445 : memref<1x1x2x64xi32, #tpu.memory_space<hbm>> -> memref<2x64xi32, #tpu.memory_space<hbm>>
          tpu.enqueue_dma source(%dma_start3A_446 : memref<2x64xi32, #tpu.memory_space<hbm>>) target(%dma_start3A_442 : memref<2x64xi32, #tpu.memory_space<vmem>>) target_semaphore(%arg9 : memref<!tpu.dma_semaphore, #tpu.memory_space<semaphore_mem>>)
        } else {
        }
      } else {
      }
      %add3A_300 = arith.constant 1 : i32
      %add3A_301 = arith.addi %add3A_261, %add3A_300 : i32
      %lt3A_302 = arith.constant 160 : i32
      %lt3A_303 = arith.cmpi slt, %add3A_301, %lt3A_302 : i32
      %convert_element_type3A_304 = arith.extui %lt3A_303 : i1 to i32
      %cond3A_305 = arith.constant 0 : i32
      %cond3A_306 = arith.cmpi ne, %convert_element_type3A_304, %cond3A_305 : i32
      scf.if %cond3A_306 {
        %add3A_401 = arith.constant 1 : i32
        %add3A_402 = arith.addi %add3A_261, %add3A_401 : i32
        %dma_wait3A_403 = arith.constant 2 : i32
        %dma_wait3A_404 = arith.constant 0 : i32
        %dma_wait3A_405 = arith.constant 0 : i32
        %dma_wait3A_406 = tpu.memref_slice %arg6[%dma_wait3A_403, %dma_wait3A_404, %dma_wait3A_405] : memref<4x2x64xi32, #tpu.memory_space<vmem>> -> memref<1x2x64xi32, #tpu.memory_space<vmem>>
        %dma_wait3A_407 = tpu.memref_squeeze %dma_wait3A_406 : memref<1x2x64xi32, #tpu.memory_space<vmem>> -> memref<2x64xi32, #tpu.memory_space<vmem>>
        %dma_wait3A_408 = arith.constant 0 : i32
        %dma_wait3A_409 = arith.constant 0 : i32
        %dma_wait3A_410 = tpu.memref_slice %arg3[%add3A, %add3A_402, %dma_wait3A_408, %dma_wait3A_409] : memref<32x160x2x64xi32, #tpu.memory_space<hbm>> -> memref<1x1x2x64xi32, #tpu.memory_space<hbm>>
        %dma_wait3A_411 = tpu.memref_squeeze %dma_wait3A_410 : memref<1x1x2x64xi32, #tpu.memory_space<hbm>> -> memref<2x64xi32, #tpu.memory_space<hbm>>
        %dma_wait3A_412 = arith.constant 0 : i32
        %dma_wait3A_413 = arith.constant 0 : i32
        %dma_wait3A_414 = tpu.memref_slice %arg6[%dma_wait3A_403, %dma_wait3A_412, %dma_wait3A_413] : memref<4x2x64xi32, #tpu.memory_space<vmem>> -> memref<1x2x64xi32, #tpu.memory_space<vmem>>
        %dma_wait3A_415 = tpu.memref_squeeze %dma_wait3A_414 : memref<1x2x64xi32, #tpu.memory_space<vmem>> -> memref<2x64xi32, #tpu.memory_space<vmem>>
        %dma_wait3A_416 = arith.constant 0 : i32
        %dma_wait3A_417 = arith.constant 0 : i32
        %dma_wait3A_418 = tpu.memref_slice %arg3[%add3A, %add3A_402, %dma_wait3A_416, %dma_wait3A_417] : memref<32x160x2x64xi32, #tpu.memory_space<hbm>> -> memref<1x1x2x64xi32, #tpu.memory_space<hbm>>
        %dma_wait3A_419 = tpu.memref_squeeze %dma_wait3A_418 : memref<1x1x2x64xi32, #tpu.memory_space<hbm>> -> memref<2x64xi32, #tpu.memory_space<hbm>>
        tpu.wait_dma2 semaphore(%arg11 : memref<!tpu.dma_semaphore, #tpu.memory_space<semaphore_mem>>) src(%dma_wait3A_419 : memref<2x64xi32, #tpu.memory_space<hbm>>) dst(%dma_wait3A_415 : memref<2x64xi32, #tpu.memory_space<vmem>>)
        %dma_start3A_420 = arith.constant 2 : i32
        %dma_start3A_421 = arith.constant 0 : i32
        %dma_start3A_422 = arith.constant 0 : i32
        %dma_start3A_423 = arith.constant 0 : i32
        %dma_start3A_424 = arith.constant 0 : i32
        %dma_start3A_425 = tpu.memref_slice %arg7[%dma_start3A_422, %dma_start3A_423, %dma_start3A_424] : memref<2x64x128xf32, #tpu.memory_space<vmem>> -> memref<1x64x128xf32, #tpu.memory_space<vmem>>
        %dma_start3A_426 = tpu.memref_squeeze %dma_start3A_425 : memref<1x64x128xf32, #tpu.memory_space<vmem>> -> memref<64x128xf32, #tpu.memory_space<vmem>>
        %dma_start3A_427 = arith.constant 0 : i32
        %dma_start3A_428 = tpu.memref_slice %arg6[%dma_start3A_420, %dma_start3A_421, %dma_start3A_427] : memref<4x2x64xi32, #tpu.memory_space<vmem>> -> memref<1x1x64xi32, #tpu.memory_space<vmem>>
        %dma_start3A_429 = tpu.memref_squeeze %dma_start3A_428 : memref<1x1x64xi32, #tpu.memory_space<vmem>> -> memref<64xi32, #tpu.memory_space<vmem>>
        %dma_start3A_430 = arith.constant 0 : i32
        %dma_start3A_431 = arith.constant 0 : i32
        %dma_start3A_432 = tpu.memref_slice %arg2[%dma_start3A_430, %dma_start3A_431] : memref<10240x128xf32, #tpu.memory_space<hbm>> -> memref<10240x128xf32, #tpu.memory_space<hbm>>
        tpu.enqueue_indirect_dma source(%dma_start3A_432 : memref<10240x128xf32, #tpu.memory_space<hbm>>) target(%dma_start3A_426 : memref<64x128xf32, #tpu.memory_space<vmem>>) offsets(%dma_start3A_429 : memref<64xi32, #tpu.memory_space<vmem>>) semaphore(%arg13 : memref<!tpu.dma_semaphore, #tpu.memory_space<semaphore_mem>>)
      } else {
      }
      %add3A_307 = arith.constant 2 : i32
      %add3A_308 = arith.addi %add3A_216, %add3A_307 : i32
      %dma_wait3A_309 = arith.constant 2 : i32
      %dma_wait3A_310 = arith.constant 0 : i32
      %dma_wait3A_311 = arith.constant 0 : i32
      %dma_wait3A_312 = arith.constant 0 : i32
      %dma_wait3A_313 = arith.constant 0 : i32
      %dma_wait3A_314 = tpu.memref_slice %arg7[%dma_wait3A_311, %dma_wait3A_312, %dma_wait3A_313] : memref<2x64x128xf32, #tpu.memory_space<vmem>> -> memref<1x64x128xf32, #tpu.memory_space<vmem>>
      %dma_wait3A_315 = tpu.memref_squeeze %dma_wait3A_314 : memref<1x64x128xf32, #tpu.memory_space<vmem>> -> memref<64x128xf32, #tpu.memory_space<vmem>>
      %dma_wait3A_316 = arith.constant 0 : i32
      %dma_wait3A_317 = tpu.memref_slice %arg6[%dma_wait3A_309, %dma_wait3A_310, %dma_wait3A_316] : memref<4x2x64xi32, #tpu.memory_space<vmem>> -> memref<1x1x64xi32, #tpu.memory_space<vmem>>
      %dma_wait3A_318 = tpu.memref_squeeze %dma_wait3A_317 : memref<1x1x64xi32, #tpu.memory_space<vmem>> -> memref<64xi32, #tpu.memory_space<vmem>>
      %dma_wait3A_319 = arith.constant 0 : i32
      %dma_wait3A_320 = arith.constant 0 : i32
      %dma_wait3A_321 = tpu.memref_slice %arg2[%dma_wait3A_319, %dma_wait3A_320] : memref<10240x128xf32, #tpu.memory_space<hbm>> -> memref<10240x128xf32, #tpu.memory_space<hbm>>
      tpu.wait_indirect_dma semaphore(%arg13 : memref<!tpu.dma_semaphore, #tpu.memory_space<semaphore_mem>>) src(%dma_wait3A_321 : memref<10240x128xf32, #tpu.memory_space<hbm>>) dst(%dma_wait3A_315 : memref<64x128xf32, #tpu.memory_space<vmem>>)
      %dma_start3A_322 = arith.constant 0 : i32
      %dma_start3A_323 = arith.constant 2 : i32
      %dma_start3A_324 = arith.constant 1 : i32
      %dma_start3A_325 = arith.constant 0 : i32
      %dma_start3A_326 = arith.constant 0 : i32
      %dma_start3A_327 = tpu.memref_slice %arg7[%dma_start3A_322, %dma_start3A_325, %dma_start3A_326] : memref<2x64x128xf32, #tpu.memory_space<vmem>> -> memref<1x64x128xf32, #tpu.memory_space<vmem>>
      %dma_start3A_328 = tpu.memref_squeeze %dma_start3A_327 : memref<1x64x128xf32, #tpu.memory_space<vmem>> -> memref<64x128xf32, #tpu.memory_space<vmem>>
      %dma_start3A_329 = arith.constant 0 : i32
      %dma_start3A_330 = tpu.memref_slice %arg6[%dma_start3A_323, %dma_start3A_324, %dma_start3A_329] : memref<4x2x64xi32, #tpu.memory_space<vmem>> -> memref<1x1x64xi32, #tpu.memory_space<vmem>>
      %dma_start3A_331 = tpu.memref_squeeze %dma_start3A_330 : memref<1x1x64xi32, #tpu.memory_space<vmem>> -> memref<64xi32, #tpu.memory_space<vmem>>
      %dma_start3A_332 = arith.constant 0 : i32
      %dma_start3A_333 = arith.constant 0 : i32
      %dma_start3A_334 = tpu.memref_slice %arg8[%dma_start3A_332, %dma_start3A_333] : memref<10240x128xf32, #tpu.memory_space<vmem_shared>> -> memref<10240x128xf32, #tpu.memory_space<vmem_shared>>
      tpu.enqueue_indirect_dma source(%dma_start3A_328 : memref<64x128xf32, #tpu.memory_space<vmem>>) target(%dma_start3A_334 : memref<10240x128xf32, #tpu.memory_space<vmem_shared>>) offsets(%dma_start3A_331 : memref<64xi32, #tpu.memory_space<vmem>>) semaphore(%arg15 : memref<!tpu.dma_semaphore, #tpu.memory_space<semaphore_mem>>) {add = true}
      %dma_start3A_335 = arith.constant 2 : i32
      %dma_start3A_336 = arith.constant 1 : i32
      %dma_start3A_337 = arith.constant 0 : i32
      %dma_start3A_338 = tpu.memref_slice %arg6[%dma_start3A_335, %dma_start3A_336, %dma_start3A_337] : memref<4x2x64xi32, #tpu.memory_space<vmem>> -> memref<1x1x64xi32, #tpu.memory_space<vmem>>
      %dma_start3A_339 = tpu.memref_squeeze %dma_start3A_338 : memref<1x1x64xi32, #tpu.memory_space<vmem>> -> memref<64xi32, #tpu.memory_space<vmem>>
      %dma_start3A_340 = arith.constant 0 : i32
      %dma_start3A_341 = tpu.memref_slice %arg19[%dma_start3A_340] : memref<10240xf32, #tpu.memory_space<vmem_shared>> -> memref<10240xf32, #tpu.memory_space<vmem_shared>>
      tpu.enqueue_indirect_dma source(%arg17 : memref<64xf32, #tpu.memory_space<vmem>>) target(%dma_start3A_341 : memref<10240xf32, #tpu.memory_space<vmem_shared>>) offsets(%dma_start3A_339 : memref<64xi32, #tpu.memory_space<vmem>>) semaphore(%arg20 : memref<!tpu.dma_semaphore, #tpu.memory_space<semaphore_mem>>) {add = true}
      %ge3A_342 = arith.constant 1 : i32
      %ge3A_343 = arith.cmpi sge, %add3A_308, %ge3A_342 : i32
      %convert_element_type3A_344 = arith.extui %ge3A_343 : i1 to i32
      %cond3A_345 = arith.constant 0 : i32
      %cond3A_346 = arith.cmpi ne, %convert_element_type3A_344, %cond3A_345 : i32
      scf.if %cond3A_346 {
        %dma_wait3A_401 = arith.constant 1 : i32
        %dma_wait3A_402 = arith.constant 1 : i32
        %dma_wait3A_403 = arith.constant 1 : i32
        %dma_wait3A_404 = arith.constant 0 : i32
        %dma_wait3A_405 = arith.constant 0 : i32
        %dma_wait3A_406 = tpu.memref_slice %arg7[%dma_wait3A_401, %dma_wait3A_404, %dma_wait3A_405] : memref<2x64x128xf32, #tpu.memory_space<vmem>> -> memref<1x64x128xf32, #tpu.memory_space<vmem>>
        %dma_wait3A_407 = tpu.memref_squeeze %dma_wait3A_406 : memref<1x64x128xf32, #tpu.memory_space<vmem>> -> memref<64x128xf32, #tpu.memory_space<vmem>>
        %dma_wait3A_408 = arith.constant 0 : i32
        %dma_wait3A_409 = tpu.memref_slice %arg6[%dma_wait3A_402, %dma_wait3A_403, %dma_wait3A_408] : memref<4x2x64xi32, #tpu.memory_space<vmem>> -> memref<1x1x64xi32, #tpu.memory_space<vmem>>
        %dma_wait3A_410 = tpu.memref_squeeze %dma_wait3A_409 : memref<1x1x64xi32, #tpu.memory_space<vmem>> -> memref<64xi32, #tpu.memory_space<vmem>>
        %dma_wait3A_411 = arith.constant 0 : i32
        %dma_wait3A_412 = arith.constant 0 : i32
        %dma_wait3A_413 = tpu.memref_slice %arg8[%dma_wait3A_411, %dma_wait3A_412] : memref<10240x128xf32, #tpu.memory_space<vmem_shared>> -> memref<10240x128xf32, #tpu.memory_space<vmem_shared>>
        tpu.wait_indirect_dma semaphore(%arg16 : memref<!tpu.dma_semaphore, #tpu.memory_space<semaphore_mem>>) src(%dma_wait3A_407 : memref<64x128xf32, #tpu.memory_space<vmem>>) dst(%dma_wait3A_413 : memref<10240x128xf32, #tpu.memory_space<vmem_shared>>)
        %dma_wait3A_414 = arith.constant 1 : i32
        %dma_wait3A_415 = arith.constant 1 : i32
        %dma_wait3A_416 = arith.constant 0 : i32
        %dma_wait3A_417 = tpu.memref_slice %arg6[%dma_wait3A_414, %dma_wait3A_415, %dma_wait3A_416] : memref<4x2x64xi32, #tpu.memory_space<vmem>> -> memref<1x1x64xi32, #tpu.memory_space<vmem>>
        %dma_wait3A_418 = tpu.memref_squeeze %dma_wait3A_417 : memref<1x1x64xi32, #tpu.memory_space<vmem>> -> memref<64xi32, #tpu.memory_space<vmem>>
        %dma_wait3A_419 = arith.constant 0 : i32
        %dma_wait3A_420 = tpu.memref_slice %arg19[%dma_wait3A_419] : memref<10240xf32, #tpu.memory_space<vmem_shared>> -> memref<10240xf32, #tpu.memory_space<vmem_shared>>
        tpu.wait_indirect_dma semaphore(%arg21 : memref<!tpu.dma_semaphore, #tpu.memory_space<semaphore_mem>>) src(%arg17 : memref<64xf32, #tpu.memory_space<vmem>>) dst(%dma_wait3A_420 : memref<10240xf32, #tpu.memory_space<vmem_shared>>)
        %add3A_421 = arith.constant 3 : i32
        %add3A_422 = arith.addi %add3A_308, %add3A_421 : i32
        %lt3A_423 = arith.constant 160 : i32
        %lt3A_424 = arith.cmpi slt, %add3A_422, %lt3A_423 : i32
        %convert_element_type3A_425 = arith.extui %lt3A_424 : i1 to i32
        %cond3A_426 = arith.constant 0 : i32
        %cond3A_427 = arith.cmpi ne, %convert_element_type3A_425, %cond3A_426 : i32
        scf.if %cond3A_427 {
          %add3A_428 = arith.constant 3 : i32
          %add3A_429 = arith.addi %add3A_308, %add3A_428 : i32
          %dma_start3A_430 = arith.constant 1 : i32
          %dma_start3A_431 = arith.constant 0 : i32
          %dma_start3A_432 = arith.constant 0 : i32
          %dma_start3A_433 = tpu.memref_slice %arg6[%dma_start3A_430, %dma_start3A_431, %dma_start3A_432] : memref<4x2x64xi32, #tpu.memory_space<vmem>> -> memref<1x2x64xi32, #tpu.memory_space<vmem>>
          %dma_start3A_434 = tpu.memref_squeeze %dma_start3A_433 : memref<1x2x64xi32, #tpu.memory_space<vmem>> -> memref<2x64xi32, #tpu.memory_space<vmem>>
          %dma_start3A_435 = arith.constant 0 : i32
          %dma_start3A_436 = arith.constant 0 : i32
          %dma_start3A_437 = tpu.memref_slice %arg3[%add3A, %add3A_429, %dma_start3A_435, %dma_start3A_436] : memref<32x160x2x64xi32, #tpu.memory_space<hbm>> -> memref<1x1x2x64xi32, #tpu.memory_space<hbm>>
          %dma_start3A_438 = tpu.memref_squeeze %dma_start3A_437 : memref<1x1x2x64xi32, #tpu.memory_space<hbm>> -> memref<2x64xi32, #tpu.memory_space<hbm>>
          %dma_start3A_439 = arith.constant 0 : i32
          %dma_start3A_440 = arith.constant 0 : i32
          %dma_start3A_441 = tpu.memref_slice %arg6[%dma_start3A_430, %dma_start3A_439, %dma_start3A_440] : memref<4x2x64xi32, #tpu.memory_space<vmem>> -> memref<1x2x64xi32, #tpu.memory_space<vmem>>
          %dma_start3A_442 = tpu.memref_squeeze %dma_start3A_441 : memref<1x2x64xi32, #tpu.memory_space<vmem>> -> memref<2x64xi32, #tpu.memory_space<vmem>>
          %dma_start3A_443 = arith.constant 0 : i32
          %dma_start3A_444 = arith.constant 0 : i32
          %dma_start3A_445 = tpu.memref_slice %arg3[%add3A, %add3A_429, %dma_start3A_443, %dma_start3A_444] : memref<32x160x2x64xi32, #tpu.memory_space<hbm>> -> memref<1x1x2x64xi32, #tpu.memory_space<hbm>>
          %dma_start3A_446 = tpu.memref_squeeze %dma_start3A_445 : memref<1x1x2x64xi32, #tpu.memory_space<hbm>> -> memref<2x64xi32, #tpu.memory_space<hbm>>
          tpu.enqueue_dma source(%dma_start3A_446 : memref<2x64xi32, #tpu.memory_space<hbm>>) target(%dma_start3A_442 : memref<2x64xi32, #tpu.memory_space<vmem>>) target_semaphore(%arg10 : memref<!tpu.dma_semaphore, #tpu.memory_space<semaphore_mem>>)
        } else {
        }
      } else {
      }
      %add3A_347 = arith.constant 1 : i32
      %add3A_348 = arith.addi %add3A_308, %add3A_347 : i32
      %lt3A_349 = arith.constant 160 : i32
      %lt3A_350 = arith.cmpi slt, %add3A_348, %lt3A_349 : i32
      %convert_element_type3A_351 = arith.extui %lt3A_350 : i1 to i32
      %cond3A_352 = arith.constant 0 : i32
      %cond3A_353 = arith.cmpi ne, %convert_element_type3A_351, %cond3A_352 : i32
      scf.if %cond3A_353 {
        %add3A_401 = arith.constant 1 : i32
        %add3A_402 = arith.addi %add3A_308, %add3A_401 : i32
        %dma_wait3A_403 = arith.constant 3 : i32
        %dma_wait3A_404 = arith.constant 0 : i32
        %dma_wait3A_405 = arith.constant 0 : i32
        %dma_wait3A_406 = tpu.memref_slice %arg6[%dma_wait3A_403, %dma_wait3A_404, %dma_wait3A_405] : memref<4x2x64xi32, #tpu.memory_space<vmem>> -> memref<1x2x64xi32, #tpu.memory_space<vmem>>
        %dma_wait3A_407 = tpu.memref_squeeze %dma_wait3A_406 : memref<1x2x64xi32, #tpu.memory_space<vmem>> -> memref<2x64xi32, #tpu.memory_space<vmem>>
        %dma_wait3A_408 = arith.constant 0 : i32
        %dma_wait3A_409 = arith.constant 0 : i32
        %dma_wait3A_410 = tpu.memref_slice %arg3[%add3A, %add3A_402, %dma_wait3A_408, %dma_wait3A_409] : memref<32x160x2x64xi32, #tpu.memory_space<hbm>> -> memref<1x1x2x64xi32, #tpu.memory_space<hbm>>
        %dma_wait3A_411 = tpu.memref_squeeze %dma_wait3A_410 : memref<1x1x2x64xi32, #tpu.memory_space<hbm>> -> memref<2x64xi32, #tpu.memory_space<hbm>>
        %dma_wait3A_412 = arith.constant 0 : i32
        %dma_wait3A_413 = arith.constant 0 : i32
        %dma_wait3A_414 = tpu.memref_slice %arg6[%dma_wait3A_403, %dma_wait3A_412, %dma_wait3A_413] : memref<4x2x64xi32, #tpu.memory_space<vmem>> -> memref<1x2x64xi32, #tpu.memory_space<vmem>>
        %dma_wait3A_415 = tpu.memref_squeeze %dma_wait3A_414 : memref<1x2x64xi32, #tpu.memory_space<vmem>> -> memref<2x64xi32, #tpu.memory_space<vmem>>
        %dma_wait3A_416 = arith.constant 0 : i32
        %dma_wait3A_417 = arith.constant 0 : i32
        %dma_wait3A_418 = tpu.memref_slice %arg3[%add3A, %add3A_402, %dma_wait3A_416, %dma_wait3A_417] : memref<32x160x2x64xi32, #tpu.memory_space<hbm>> -> memref<1x1x2x64xi32, #tpu.memory_space<hbm>>
        %dma_wait3A_419 = tpu.memref_squeeze %dma_wait3A_418 : memref<1x1x2x64xi32, #tpu.memory_space<hbm>> -> memref<2x64xi32, #tpu.memory_space<hbm>>
        tpu.wait_dma2 semaphore(%arg12 : memref<!tpu.dma_semaphore, #tpu.memory_space<semaphore_mem>>) src(%dma_wait3A_419 : memref<2x64xi32, #tpu.memory_space<hbm>>) dst(%dma_wait3A_415 : memref<2x64xi32, #tpu.memory_space<vmem>>)
        %dma_start3A_420 = arith.constant 3 : i32
        %dma_start3A_421 = arith.constant 0 : i32
        %dma_start3A_422 = arith.constant 1 : i32
        %dma_start3A_423 = arith.constant 0 : i32
        %dma_start3A_424 = arith.constant 0 : i32
        %dma_start3A_425 = tpu.memref_slice %arg7[%dma_start3A_422, %dma_start3A_423, %dma_start3A_424] : memref<2x64x128xf32, #tpu.memory_space<vmem>> -> memref<1x64x128xf32, #tpu.memory_space<vmem>>
        %dma_start3A_426 = tpu.memref_squeeze %dma_start3A_425 : memref<1x64x128xf32, #tpu.memory_space<vmem>> -> memref<64x128xf32, #tpu.memory_space<vmem>>
        %dma_start3A_427 = arith.constant 0 : i32
        %dma_start3A_428 = tpu.memref_slice %arg6[%dma_start3A_420, %dma_start3A_421, %dma_start3A_427] : memref<4x2x64xi32, #tpu.memory_space<vmem>> -> memref<1x1x64xi32, #tpu.memory_space<vmem>>
        %dma_start3A_429 = tpu.memref_squeeze %dma_start3A_428 : memref<1x1x64xi32, #tpu.memory_space<vmem>> -> memref<64xi32, #tpu.memory_space<vmem>>
        %dma_start3A_430 = arith.constant 0 : i32
        %dma_start3A_431 = arith.constant 0 : i32
        %dma_start3A_432 = tpu.memref_slice %arg2[%dma_start3A_430, %dma_start3A_431] : memref<10240x128xf32, #tpu.memory_space<hbm>> -> memref<10240x128xf32, #tpu.memory_space<hbm>>
        tpu.enqueue_indirect_dma source(%dma_start3A_432 : memref<10240x128xf32, #tpu.memory_space<hbm>>) target(%dma_start3A_426 : memref<64x128xf32, #tpu.memory_space<vmem>>) offsets(%dma_start3A_429 : memref<64xi32, #tpu.memory_space<vmem>>) semaphore(%arg14 : memref<!tpu.dma_semaphore, #tpu.memory_space<semaphore_mem>>)
      } else {
      }
      %add3A_354 = arith.constant 3 : i32
      %add3A_355 = arith.addi %add3A_216, %add3A_354 : i32
      %dma_wait3A_356 = arith.constant 3 : i32
      %dma_wait3A_357 = arith.constant 0 : i32
      %dma_wait3A_358 = arith.constant 1 : i32
      %dma_wait3A_359 = arith.constant 0 : i32
      %dma_wait3A_360 = arith.constant 0 : i32
      %dma_wait3A_361 = tpu.memref_slice %arg7[%dma_wait3A_358, %dma_wait3A_359, %dma_wait3A_360] : memref<2x64x128xf32, #tpu.memory_space<vmem>> -> memref<1x64x128xf32, #tpu.memory_space<vmem>>
      %dma_wait3A_362 = tpu.memref_squeeze %dma_wait3A_361 : memref<1x64x128xf32, #tpu.memory_space<vmem>> -> memref<64x128xf32, #tpu.memory_space<vmem>>
      %dma_wait3A_363 = arith.constant 0 : i32
      %dma_wait3A_364 = tpu.memref_slice %arg6[%dma_wait3A_356, %dma_wait3A_357, %dma_wait3A_363] : memref<4x2x64xi32, #tpu.memory_space<vmem>> -> memref<1x1x64xi32, #tpu.memory_space<vmem>>
      %dma_wait3A_365 = tpu.memref_squeeze %dma_wait3A_364 : memref<1x1x64xi32, #tpu.memory_space<vmem>> -> memref<64xi32, #tpu.memory_space<vmem>>
      %dma_wait3A_366 = arith.constant 0 : i32
      %dma_wait3A_367 = arith.constant 0 : i32
      %dma_wait3A_368 = tpu.memref_slice %arg2[%dma_wait3A_366, %dma_wait3A_367] : memref<10240x128xf32, #tpu.memory_space<hbm>> -> memref<10240x128xf32, #tpu.memory_space<hbm>>
      tpu.wait_indirect_dma semaphore(%arg14 : memref<!tpu.dma_semaphore, #tpu.memory_space<semaphore_mem>>) src(%dma_wait3A_368 : memref<10240x128xf32, #tpu.memory_space<hbm>>) dst(%dma_wait3A_362 : memref<64x128xf32, #tpu.memory_space<vmem>>)
      %dma_start3A_369 = arith.constant 1 : i32
      %dma_start3A_370 = arith.constant 3 : i32
      %dma_start3A_371 = arith.constant 1 : i32
      %dma_start3A_372 = arith.constant 0 : i32
      %dma_start3A_373 = arith.constant 0 : i32
      %dma_start3A_374 = tpu.memref_slice %arg7[%dma_start3A_369, %dma_start3A_372, %dma_start3A_373] : memref<2x64x128xf32, #tpu.memory_space<vmem>> -> memref<1x64x128xf32, #tpu.memory_space<vmem>>
      %dma_start3A_375 = tpu.memref_squeeze %dma_start3A_374 : memref<1x64x128xf32, #tpu.memory_space<vmem>> -> memref<64x128xf32, #tpu.memory_space<vmem>>
      %dma_start3A_376 = arith.constant 0 : i32
      %dma_start3A_377 = tpu.memref_slice %arg6[%dma_start3A_370, %dma_start3A_371, %dma_start3A_376] : memref<4x2x64xi32, #tpu.memory_space<vmem>> -> memref<1x1x64xi32, #tpu.memory_space<vmem>>
      %dma_start3A_378 = tpu.memref_squeeze %dma_start3A_377 : memref<1x1x64xi32, #tpu.memory_space<vmem>> -> memref<64xi32, #tpu.memory_space<vmem>>
      %dma_start3A_379 = arith.constant 0 : i32
      %dma_start3A_380 = arith.constant 0 : i32
      %dma_start3A_381 = tpu.memref_slice %arg8[%dma_start3A_379, %dma_start3A_380] : memref<10240x128xf32, #tpu.memory_space<vmem_shared>> -> memref<10240x128xf32, #tpu.memory_space<vmem_shared>>
      tpu.enqueue_indirect_dma source(%dma_start3A_375 : memref<64x128xf32, #tpu.memory_space<vmem>>) target(%dma_start3A_381 : memref<10240x128xf32, #tpu.memory_space<vmem_shared>>) offsets(%dma_start3A_378 : memref<64xi32, #tpu.memory_space<vmem>>) semaphore(%arg16 : memref<!tpu.dma_semaphore, #tpu.memory_space<semaphore_mem>>) {add = true}
      %dma_start3A_382 = arith.constant 3 : i32
      %dma_start3A_383 = arith.constant 1 : i32
      %dma_start3A_384 = arith.constant 0 : i32
      %dma_start3A_385 = tpu.memref_slice %arg6[%dma_start3A_382, %dma_start3A_383, %dma_start3A_384] : memref<4x2x64xi32, #tpu.memory_space<vmem>> -> memref<1x1x64xi32, #tpu.memory_space<vmem>>
      %dma_start3A_386 = tpu.memref_squeeze %dma_start3A_385 : memref<1x1x64xi32, #tpu.memory_space<vmem>> -> memref<64xi32, #tpu.memory_space<vmem>>
      %dma_start3A_387 = arith.constant 0 : i32
      %dma_start3A_388 = tpu.memref_slice %arg19[%dma_start3A_387] : memref<10240xf32, #tpu.memory_space<vmem_shared>> -> memref<10240xf32, #tpu.memory_space<vmem_shared>>
      tpu.enqueue_indirect_dma source(%arg17 : memref<64xf32, #tpu.memory_space<vmem>>) target(%dma_start3A_388 : memref<10240xf32, #tpu.memory_space<vmem_shared>>) offsets(%dma_start3A_386 : memref<64xi32, #tpu.memory_space<vmem>>) semaphore(%arg21 : memref<!tpu.dma_semaphore, #tpu.memory_space<semaphore_mem>>) {add = true}
      %ge3A_389 = arith.constant 1 : i32
      %ge3A_390 = arith.cmpi sge, %add3A_355, %ge3A_389 : i32
      %convert_element_type3A_391 = arith.extui %ge3A_390 : i1 to i32
      %cond3A_392 = arith.constant 0 : i32
      %cond3A_393 = arith.cmpi ne, %convert_element_type3A_391, %cond3A_392 : i32
      scf.if %cond3A_393 {
        %dma_wait3A_401 = arith.constant 0 : i32
        %dma_wait3A_402 = arith.constant 2 : i32
        %dma_wait3A_403 = arith.constant 1 : i32
        %dma_wait3A_404 = arith.constant 0 : i32
        %dma_wait3A_405 = arith.constant 0 : i32
        %dma_wait3A_406 = tpu.memref_slice %arg7[%dma_wait3A_401, %dma_wait3A_404, %dma_wait3A_405] : memref<2x64x128xf32, #tpu.memory_space<vmem>> -> memref<1x64x128xf32, #tpu.memory_space<vmem>>
        %dma_wait3A_407 = tpu.memref_squeeze %dma_wait3A_406 : memref<1x64x128xf32, #tpu.memory_space<vmem>> -> memref<64x128xf32, #tpu.memory_space<vmem>>
        %dma_wait3A_408 = arith.constant 0 : i32
        %dma_wait3A_409 = tpu.memref_slice %arg6[%dma_wait3A_402, %dma_wait3A_403, %dma_wait3A_408] : memref<4x2x64xi32, #tpu.memory_space<vmem>> -> memref<1x1x64xi32, #tpu.memory_space<vmem>>
        %dma_wait3A_410 = tpu.memref_squeeze %dma_wait3A_409 : memref<1x1x64xi32, #tpu.memory_space<vmem>> -> memref<64xi32, #tpu.memory_space<vmem>>
        %dma_wait3A_411 = arith.constant 0 : i32
        %dma_wait3A_412 = arith.constant 0 : i32
        %dma_wait3A_413 = tpu.memref_slice %arg8[%dma_wait3A_411, %dma_wait3A_412] : memref<10240x128xf32, #tpu.memory_space<vmem_shared>> -> memref<10240x128xf32, #tpu.memory_space<vmem_shared>>
        tpu.wait_indirect_dma semaphore(%arg15 : memref<!tpu.dma_semaphore, #tpu.memory_space<semaphore_mem>>) src(%dma_wait3A_407 : memref<64x128xf32, #tpu.memory_space<vmem>>) dst(%dma_wait3A_413 : memref<10240x128xf32, #tpu.memory_space<vmem_shared>>)
        %dma_wait3A_414 = arith.constant 2 : i32
        %dma_wait3A_415 = arith.constant 1 : i32
        %dma_wait3A_416 = arith.constant 0 : i32
        %dma_wait3A_417 = tpu.memref_slice %arg6[%dma_wait3A_414, %dma_wait3A_415, %dma_wait3A_416] : memref<4x2x64xi32, #tpu.memory_space<vmem>> -> memref<1x1x64xi32, #tpu.memory_space<vmem>>
        %dma_wait3A_418 = tpu.memref_squeeze %dma_wait3A_417 : memref<1x1x64xi32, #tpu.memory_space<vmem>> -> memref<64xi32, #tpu.memory_space<vmem>>
        %dma_wait3A_419 = arith.constant 0 : i32
        %dma_wait3A_420 = tpu.memref_slice %arg19[%dma_wait3A_419] : memref<10240xf32, #tpu.memory_space<vmem_shared>> -> memref<10240xf32, #tpu.memory_space<vmem_shared>>
        tpu.wait_indirect_dma semaphore(%arg20 : memref<!tpu.dma_semaphore, #tpu.memory_space<semaphore_mem>>) src(%arg17 : memref<64xf32, #tpu.memory_space<vmem>>) dst(%dma_wait3A_420 : memref<10240xf32, #tpu.memory_space<vmem_shared>>)
        %add3A_421 = arith.constant 3 : i32
        %add3A_422 = arith.addi %add3A_355, %add3A_421 : i32
        %lt3A_423 = arith.constant 160 : i32
        %lt3A_424 = arith.cmpi slt, %add3A_422, %lt3A_423 : i32
        %convert_element_type3A_425 = arith.extui %lt3A_424 : i1 to i32
        %cond3A_426 = arith.constant 0 : i32
        %cond3A_427 = arith.cmpi ne, %convert_element_type3A_425, %cond3A_426 : i32
        scf.if %cond3A_427 {
          %add3A_428 = arith.constant 3 : i32
          %add3A_429 = arith.addi %add3A_355, %add3A_428 : i32
          %dma_start3A_430 = arith.constant 2 : i32
          %dma_start3A_431 = arith.constant 0 : i32
          %dma_start3A_432 = arith.constant 0 : i32
          %dma_start3A_433 = tpu.memref_slice %arg6[%dma_start3A_430, %dma_start3A_431, %dma_start3A_432] : memref<4x2x64xi32, #tpu.memory_space<vmem>> -> memref<1x2x64xi32, #tpu.memory_space<vmem>>
          %dma_start3A_434 = tpu.memref_squeeze %dma_start3A_433 : memref<1x2x64xi32, #tpu.memory_space<vmem>> -> memref<2x64xi32, #tpu.memory_space<vmem>>
          %dma_start3A_435 = arith.constant 0 : i32
          %dma_start3A_436 = arith.constant 0 : i32
          %dma_start3A_437 = tpu.memref_slice %arg3[%add3A, %add3A_429, %dma_start3A_435, %dma_start3A_436] : memref<32x160x2x64xi32, #tpu.memory_space<hbm>> -> memref<1x1x2x64xi32, #tpu.memory_space<hbm>>
          %dma_start3A_438 = tpu.memref_squeeze %dma_start3A_437 : memref<1x1x2x64xi32, #tpu.memory_space<hbm>> -> memref<2x64xi32, #tpu.memory_space<hbm>>
          %dma_start3A_439 = arith.constant 0 : i32
          %dma_start3A_440 = arith.constant 0 : i32
          %dma_start3A_441 = tpu.memref_slice %arg6[%dma_start3A_430, %dma_start3A_439, %dma_start3A_440] : memref<4x2x64xi32, #tpu.memory_space<vmem>> -> memref<1x2x64xi32, #tpu.memory_space<vmem>>
          %dma_start3A_442 = tpu.memref_squeeze %dma_start3A_441 : memref<1x2x64xi32, #tpu.memory_space<vmem>> -> memref<2x64xi32, #tpu.memory_space<vmem>>
          %dma_start3A_443 = arith.constant 0 : i32
          %dma_start3A_444 = arith.constant 0 : i32
          %dma_start3A_445 = tpu.memref_slice %arg3[%add3A, %add3A_429, %dma_start3A_443, %dma_start3A_444] : memref<32x160x2x64xi32, #tpu.memory_space<hbm>> -> memref<1x1x2x64xi32, #tpu.memory_space<hbm>>
          %dma_start3A_446 = tpu.memref_squeeze %dma_start3A_445 : memref<1x1x2x64xi32, #tpu.memory_space<hbm>> -> memref<2x64xi32, #tpu.memory_space<hbm>>
          tpu.enqueue_dma source(%dma_start3A_446 : memref<2x64xi32, #tpu.memory_space<hbm>>) target(%dma_start3A_442 : memref<2x64xi32, #tpu.memory_space<vmem>>) target_semaphore(%arg11 : memref<!tpu.dma_semaphore, #tpu.memory_space<semaphore_mem>>)
        } else {
        }
      } else {
      }
      %add3A_394 = arith.constant 1 : i32
      %add3A_395 = arith.addi %add3A_355, %add3A_394 : i32
      %lt3A_396 = arith.constant 160 : i32
      %lt3A_397 = arith.cmpi slt, %add3A_395, %lt3A_396 : i32
      %convert_element_type3A_398 = arith.extui %lt3A_397 : i1 to i32
      %cond3A_399 = arith.constant 0 : i32
      %cond3A_400 = arith.cmpi ne, %convert_element_type3A_398, %cond3A_399 : i32
      scf.if %cond3A_400 {
        %add3A_401 = arith.constant 1 : i32
        %add3A_402 = arith.addi %add3A_355, %add3A_401 : i32
        %dma_wait3A_403 = arith.constant 0 : i32
        %dma_wait3A_404 = arith.constant 0 : i32
        %dma_wait3A_405 = arith.constant 0 : i32
        %dma_wait3A_406 = tpu.memref_slice %arg6[%dma_wait3A_403, %dma_wait3A_404, %dma_wait3A_405] : memref<4x2x64xi32, #tpu.memory_space<vmem>> -> memref<1x2x64xi32, #tpu.memory_space<vmem>>
        %dma_wait3A_407 = tpu.memref_squeeze %dma_wait3A_406 : memref<1x2x64xi32, #tpu.memory_space<vmem>> -> memref<2x64xi32, #tpu.memory_space<vmem>>
        %dma_wait3A_408 = arith.constant 0 : i32
        %dma_wait3A_409 = arith.constant 0 : i32
        %dma_wait3A_410 = tpu.memref_slice %arg3[%add3A, %add3A_402, %dma_wait3A_408, %dma_wait3A_409] : memref<32x160x2x64xi32, #tpu.memory_space<hbm>> -> memref<1x1x2x64xi32, #tpu.memory_space<hbm>>
        %dma_wait3A_411 = tpu.memref_squeeze %dma_wait3A_410 : memref<1x1x2x64xi32, #tpu.memory_space<hbm>> -> memref<2x64xi32, #tpu.memory_space<hbm>>
        %dma_wait3A_412 = arith.constant 0 : i32
        %dma_wait3A_413 = arith.constant 0 : i32
        %dma_wait3A_414 = tpu.memref_slice %arg6[%dma_wait3A_403, %dma_wait3A_412, %dma_wait3A_413] : memref<4x2x64xi32, #tpu.memory_space<vmem>> -> memref<1x2x64xi32, #tpu.memory_space<vmem>>
        %dma_wait3A_415 = tpu.memref_squeeze %dma_wait3A_414 : memref<1x2x64xi32, #tpu.memory_space<vmem>> -> memref<2x64xi32, #tpu.memory_space<vmem>>
        %dma_wait3A_416 = arith.constant 0 : i32
        %dma_wait3A_417 = arith.constant 0 : i32
        %dma_wait3A_418 = tpu.memref_slice %arg3[%add3A, %add3A_402, %dma_wait3A_416, %dma_wait3A_417] : memref<32x160x2x64xi32, #tpu.memory_space<hbm>> -> memref<1x1x2x64xi32, #tpu.memory_space<hbm>>
        %dma_wait3A_419 = tpu.memref_squeeze %dma_wait3A_418 : memref<1x1x2x64xi32, #tpu.memory_space<hbm>> -> memref<2x64xi32, #tpu.memory_space<hbm>>
        tpu.wait_dma2 semaphore(%arg9 : memref<!tpu.dma_semaphore, #tpu.memory_space<semaphore_mem>>) src(%dma_wait3A_419 : memref<2x64xi32, #tpu.memory_space<hbm>>) dst(%dma_wait3A_415 : memref<2x64xi32, #tpu.memory_space<vmem>>)
        %dma_start3A_420 = arith.constant 0 : i32
        %dma_start3A_421 = arith.constant 0 : i32
        %dma_start3A_422 = arith.constant 0 : i32
        %dma_start3A_423 = arith.constant 0 : i32
        %dma_start3A_424 = arith.constant 0 : i32
        %dma_start3A_425 = tpu.memref_slice %arg7[%dma_start3A_422, %dma_start3A_423, %dma_start3A_424] : memref<2x64x128xf32, #tpu.memory_space<vmem>> -> memref<1x64x128xf32, #tpu.memory_space<vmem>>
        %dma_start3A_426 = tpu.memref_squeeze %dma_start3A_425 : memref<1x64x128xf32, #tpu.memory_space<vmem>> -> memref<64x128xf32, #tpu.memory_space<vmem>>
        %dma_start3A_427 = arith.constant 0 : i32
        %dma_start3A_428 = tpu.memref_slice %arg6[%dma_start3A_420, %dma_start3A_421, %dma_start3A_427] : memref<4x2x64xi32, #tpu.memory_space<vmem>> -> memref<1x1x64xi32, #tpu.memory_space<vmem>>
        %dma_start3A_429 = tpu.memref_squeeze %dma_start3A_428 : memref<1x1x64xi32, #tpu.memory_space<vmem>> -> memref<64xi32, #tpu.memory_space<vmem>>
        %dma_start3A_430 = arith.constant 0 : i32
        %dma_start3A_431 = arith.constant 0 : i32
        %dma_start3A_432 = tpu.memref_slice %arg2[%dma_start3A_430, %dma_start3A_431] : memref<10240x128xf32, #tpu.memory_space<hbm>> -> memref<10240x128xf32, #tpu.memory_space<hbm>>
        tpu.enqueue_indirect_dma source(%dma_start3A_432 : memref<10240x128xf32, #tpu.memory_space<hbm>>) target(%dma_start3A_426 : memref<64x128xf32, #tpu.memory_space<vmem>>) offsets(%dma_start3A_429 : memref<64xi32, #tpu.memory_space<vmem>>) semaphore(%arg13 : memref<!tpu.dma_semaphore, #tpu.memory_space<semaphore_mem>>)
      } else {
      }
    }
    %scan3A_190 = arith.constant 40 : i32
    %dma_wait3A_191 = arith.constant 1 : i32
    %dma_wait3A_192 = arith.constant 3 : i32
    %dma_wait3A_193 = arith.constant 1 : i32
    %dma_wait3A_194 = arith.constant 0 : i32
    %dma_wait3A_195 = arith.constant 0 : i32
    %dma_wait3A_196 = tpu.memref_slice %arg7[%dma_wait3A_191, %dma_wait3A_194, %dma_wait3A_195] : memref<2x64x128xf32, #tpu.memory_space<vmem>> -> memref<1x64x128xf32, #tpu.memory_space<vmem>>
    %dma_wait3A_197 = tpu.memref_squeeze %dma_wait3A_196 : memref<1x64x128xf32, #tpu.memory_space<vmem>> -> memref<64x128xf32, #tpu.memory_space<vmem>>
    %dma_wait3A_198 = arith.constant 0 : i32
    %dma_wait3A_199 = tpu.memref_slice %arg6[%dma_wait3A_192, %dma_wait3A_193, %dma_wait3A_198] : memref<4x2x64xi32, #tpu.memory_space<vmem>> -> memref<1x1x64xi32, #tpu.memory_space<vmem>>
    %dma_wait3A_200 = tpu.memref_squeeze %dma_wait3A_199 : memref<1x1x64xi32, #tpu.memory_space<vmem>> -> memref<64xi32, #tpu.memory_space<vmem>>
    %dma_wait3A_201 = arith.constant 0 : i32
    %dma_wait3A_202 = arith.constant 0 : i32
    %dma_wait3A_203 = tpu.memref_slice %arg8[%dma_wait3A_201, %dma_wait3A_202] : memref<10240x128xf32, #tpu.memory_space<vmem_shared>> -> memref<10240x128xf32, #tpu.memory_space<vmem_shared>>
    tpu.wait_indirect_dma semaphore(%arg16 : memref<!tpu.dma_semaphore, #tpu.memory_space<semaphore_mem>>) src(%dma_wait3A_197 : memref<64x128xf32, #tpu.memory_space<vmem>>) dst(%dma_wait3A_203 : memref<10240x128xf32, #tpu.memory_space<vmem_shared>>)
    %dma_wait3A_204 = arith.constant 3 : i32
    %dma_wait3A_205 = arith.constant 1 : i32
    %dma_wait3A_206 = arith.constant 0 : i32
    %dma_wait3A_207 = tpu.memref_slice %arg6[%dma_wait3A_204, %dma_wait3A_205, %dma_wait3A_206] : memref<4x2x64xi32, #tpu.memory_space<vmem>> -> memref<1x1x64xi32, #tpu.memory_space<vmem>>
    %dma_wait3A_208 = tpu.memref_squeeze %dma_wait3A_207 : memref<1x1x64xi32, #tpu.memory_space<vmem>> -> memref<64xi32, #tpu.memory_space<vmem>>
    %dma_wait3A_209 = arith.constant 0 : i32
    %dma_wait3A_210 = tpu.memref_slice %arg19[%dma_wait3A_209] : memref<10240xf32, #tpu.memory_space<vmem_shared>> -> memref<10240xf32, #tpu.memory_space<vmem_shared>>
    tpu.wait_indirect_dma semaphore(%arg21 : memref<!tpu.dma_semaphore, #tpu.memory_space<semaphore_mem>>) src(%arg17 : memref<64xf32, #tpu.memory_space<vmem>>) dst(%dma_wait3A_210 : memref<10240xf32, #tpu.memory_space<vmem_shared>>)
    %barrier3A_211 = arith.constant 0 : index
    tpu.barrier barrier_id(%barrier3A_211)
    "tpu.region"() ({
      %run_scoped3A_212 = tpu.sem_alloc : memref<!tpu.dma_semaphore, #tpu.memory_space<semaphore_mem>>
      %dma_start3A_213 = arith.constant 0 : i32
      %dma_start3A_214 = tpu.memref_slice %arg4[%arg0, %mul3A_2, %dma_start3A_213] : memref<2x10240x128xf32, #tpu.memory_space<hbm>> -> memref<1x640x128xf32, #tpu.memory_space<hbm>>
      %dma_start3A_215 = tpu.memref_squeeze %dma_start3A_214 : memref<1x640x128xf32, #tpu.memory_space<hbm>> -> memref<640x128xf32, #tpu.memory_space<hbm>>
      %dma_start3A_216 = arith.constant 0 : i32
      %dma_start3A_217 = tpu.memref_slice %arg8[%mul3A_2, %dma_start3A_216] : memref<10240x128xf32, #tpu.memory_space<vmem_shared>> -> memref<640x128xf32, #tpu.memory_space<vmem_shared>>
      tpu.enqueue_dma source(%dma_start3A_217 : memref<640x128xf32, #tpu.memory_space<vmem_shared>>) target(%dma_start3A_215 : memref<640x128xf32, #tpu.memory_space<hbm>>) target_semaphore(%run_scoped3A_212 : memref<!tpu.dma_semaphore, #tpu.memory_space<semaphore_mem>>)
      %dma_wait3A_218 = arith.constant 0 : i32
      %dma_wait3A_219 = tpu.memref_slice %arg4[%arg0, %mul3A_2, %dma_wait3A_218] : memref<2x10240x128xf32, #tpu.memory_space<hbm>> -> memref<1x640x128xf32, #tpu.memory_space<hbm>>
      %dma_wait3A_220 = tpu.memref_squeeze %dma_wait3A_219 : memref<1x640x128xf32, #tpu.memory_space<hbm>> -> memref<640x128xf32, #tpu.memory_space<hbm>>
      %dma_wait3A_221 = arith.constant 0 : i32
      %dma_wait3A_222 = tpu.memref_slice %arg8[%mul3A_2, %dma_wait3A_221] : memref<10240x128xf32, #tpu.memory_space<vmem_shared>> -> memref<640x128xf32, #tpu.memory_space<vmem_shared>>
      tpu.wait_dma2 semaphore(%run_scoped3A_212 : memref<!tpu.dma_semaphore, #tpu.memory_space<semaphore_mem>>) src(%dma_wait3A_222 : memref<640x128xf32, #tpu.memory_space<vmem_shared>>) dst(%dma_wait3A_220 : memref<640x128xf32, #tpu.memory_space<hbm>>)
      tpu.yield
    }) : () -> ()
    "tpu.region"() ({
      %run_scoped3A_212 = tpu.sem_alloc : memref<!tpu.dma_semaphore, #tpu.memory_space<semaphore_mem>>
      %dma_start3A_213 = tpu.memref_slice %arg5[%arg0, %mul3A_2] : memref<2x10240xf32, #tpu.memory_space<hbm>> -> memref<1x640xf32, #tpu.memory_space<hbm>>
      %dma_start3A_214 = tpu.memref_squeeze %dma_start3A_213 : memref<1x640xf32, #tpu.memory_space<hbm>> -> memref<640xf32, #tpu.memory_space<hbm>>
      %dma_start3A_215 = tpu.memref_slice %arg19[%mul3A_2] : memref<10240xf32, #tpu.memory_space<vmem_shared>> -> memref<640xf32, #tpu.memory_space<vmem_shared>>
      tpu.enqueue_dma source(%dma_start3A_215 : memref<640xf32, #tpu.memory_space<vmem_shared>>) target(%dma_start3A_214 : memref<640xf32, #tpu.memory_space<hbm>>) target_semaphore(%run_scoped3A_212 : memref<!tpu.dma_semaphore, #tpu.memory_space<semaphore_mem>>)
      %dma_wait3A_216 = tpu.memref_slice %arg5[%arg0, %mul3A_2] : memref<2x10240xf32, #tpu.memory_space<hbm>> -> memref<1x640xf32, #tpu.memory_space<hbm>>
      %dma_wait3A_217 = tpu.memref_squeeze %dma_wait3A_216 : memref<1x640xf32, #tpu.memory_space<hbm>> -> memref<640xf32, #tpu.memory_space<hbm>>
      %dma_wait3A_218 = tpu.memref_slice %arg19[%mul3A_2] : memref<10240xf32, #tpu.memory_space<vmem_shared>> -> memref<640xf32, #tpu.memory_space<vmem_shared>>
      tpu.wait_dma2 semaphore(%run_scoped3A_212 : memref<!tpu.dma_semaphore, #tpu.memory_space<semaphore_mem>>) src(%dma_wait3A_218 : memref<640xf32, #tpu.memory_space<vmem_shared>>) dst(%dma_wait3A_217 : memref<640xf32, #tpu.memory_space<hbm>>)
      tpu.yield
    }) : () -> ()
    return
  }
}

#map = affine_map<(d0, d1) -> (0, 0)>
#map1 = affine_map<(d0, d1) -> (0, 0, 0, 0)>
#map2 = affine_map<(d0, d1) -> (0, 0, 0)>
module attributes {stable_mosaic.version = 14 : i64} {
  func.func @body(%arg0: i32, %arg1: i32, %arg2: memref<10240x128xf32, #tpu.memory_space<hbm>>, %arg3: memref<32x160x2x64xi32, #tpu.memory_space<hbm>>, %arg4: memref<2x10240x128xf32, #tpu.memory_space<hbm>>, %arg5: memref<4x2x64xi32, #tpu.memory_space<vmem>>, %arg6: memref<2x64x128xf32, #tpu.memory_space<vmem>>, %arg7: memref<10240x128xf32, #tpu.memory_space<vmem_shared>>, %arg8: memref<!tpu.dma_semaphore, #tpu.memory_space<semaphore_mem>>, %arg9: memref<!tpu.dma_semaphore, #tpu.memory_space<semaphore_mem>>, %arg10: memref<!tpu.dma_semaphore, #tpu.memory_space<semaphore_mem>>, %arg11: memref<!tpu.dma_semaphore, #tpu.memory_space<semaphore_mem>>, %arg12: memref<!tpu.dma_semaphore, #tpu.memory_space<semaphore_mem>>, %arg13: memref<!tpu.dma_semaphore, #tpu.memory_space<semaphore_mem>>, %arg14: memref<!tpu.dma_semaphore, #tpu.memory_space<semaphore_mem>>, %arg15: memref<!tpu.dma_semaphore, #tpu.memory_space<semaphore_mem>>) attributes {dimension_semantics = [#tpu.dimension_semantics<core_parallel>, #tpu.dimension_semantics<subcore_parallel>], iteration_bounds = array<i64: 2, 16>, scalar_prefetch = 0 : i64, scratch_operands = 11 : i64, tpu.core_type = #tpu.core_type<sc_vector_subcore>, window_params = [{transform_indices = #map}, {transform_indices = #map1}, {transform_indices = #map2}]} {
    %mul3A = arith.constant 2 : i32
    %mul3A_0 = arith.muli %arg1, %mul3A : i32
    %add3A = arith.addi %mul3A_0, %arg0 : i32
    %mul3A_1 = arith.constant 640 : i32
    %mul3A_2 = arith.muli %arg1, %mul3A_1 : i32
    %broadcast_in_dim3A = arith.constant 0.000000e+00 : f32
    %broadcast_in_dim3A_3 = vector.broadcast %broadcast_in_dim3A : f32 to vector<16xf32>
    %scan3A = arith.constant 0 : i32
    %scan3A_4 = arith.constant 64 : i32
    %scan3A_5 = arith.addi %scan3A, %scan3A_4 : i32
    %scan3A_6 = arith.constant 1 : i32
    scf.for %scan3A_177 = %scan3A to %scan3A_5 step %scan3A_6  : i32 {
      %mul3A_178 = arith.constant 1 : i32
      %mul3A_179 = arith.muli %scan3A_177, %mul3A_178 : i32
      %add3A_180 = arith.constant 0 : i32
      %add3A_181 = arith.addi %add3A_180, %mul3A_179 : i32
      %swap3A = arith.constant 0 : i32
      %swap3A_182 = arith.index_cast %swap3A : i32 to index
      %swap3A_183 = arith.index_cast %add3A_181 : i32 to index
      %swap3A_184 = arith.constant 0 : index
      %swap3A_185 = tpu.vector_load %arg6[%swap3A_182, %swap3A_183, %swap3A_184] {strides = array<i32>} : memref<2x64x128xf32, #tpu.memory_space<vmem>>, vector<1x1x16xf32>,
      %swap3A_186 = vector.shape_cast %swap3A_185 : vector<1x1x16xf32> to vector<16xf32>
      %swap3A_187 = vector.shape_cast %broadcast_in_dim3A_3 : vector<16xf32> to vector<1x1x16xf32>
      tpu.vector_store %arg6[%swap3A_182, %swap3A_183, %swap3A_184], %swap3A_187 {strides = array<i32>} : memref<2x64x128xf32, #tpu.memory_space<vmem>>, vector<1x1x16xf32>,
      %swap3A_188 = arith.constant 0 : i32
      %swap3A_189 = arith.index_cast %swap3A_188 : i32 to index
      %swap3A_190 = arith.index_cast %add3A_181 : i32 to index
      %swap3A_191 = arith.constant 16 : index
      %swap3A_192 = tpu.vector_load %arg6[%swap3A_189, %swap3A_190, %swap3A_191] {strides = array<i32>} : memref<2x64x128xf32, #tpu.memory_space<vmem>>, vector<1x1x16xf32>,
      %swap3A_193 = vector.shape_cast %swap3A_192 : vector<1x1x16xf32> to vector<16xf32>
      %swap3A_194 = vector.shape_cast %broadcast_in_dim3A_3 : vector<16xf32> to vector<1x1x16xf32>
      tpu.vector_store %arg6[%swap3A_189, %swap3A_190, %swap3A_191], %swap3A_194 {strides = array<i32>} : memref<2x64x128xf32, #tpu.memory_space<vmem>>, vector<1x1x16xf32>,
      %swap3A_195 = arith.constant 0 : i32
      %swap3A_196 = arith.index_cast %swap3A_195 : i32 to index
      %swap3A_197 = arith.index_cast %add3A_181 : i32 to index
      %swap3A_198 = arith.constant 32 : index
      %swap3A_199 = tpu.vector_load %arg6[%swap3A_196, %swap3A_197, %swap3A_198] {strides = array<i32>} : memref<2x64x128xf32, #tpu.memory_space<vmem>>, vector<1x1x16xf32>,
      %swap3A_200 = vector.shape_cast %swap3A_199 : vector<1x1x16xf32> to vector<16xf32>
      %swap3A_201 = vector.shape_cast %broadcast_in_dim3A_3 : vector<16xf32> to vector<1x1x16xf32>
      tpu.vector_store %arg6[%swap3A_196, %swap3A_197, %swap3A_198], %swap3A_201 {strides = array<i32>} : memref<2x64x128xf32, #tpu.memory_space<vmem>>, vector<1x1x16xf32>,
      %swap3A_202 = arith.constant 0 : i32
      %swap3A_203 = arith.index_cast %swap3A_202 : i32 to index
      %swap3A_204 = arith.index_cast %add3A_181 : i32 to index
      %swap3A_205 = arith.constant 48 : index
      %swap3A_206 = tpu.vector_load %arg6[%swap3A_203, %swap3A_204, %swap3A_205] {strides = array<i32>} : memref<2x64x128xf32, #tpu.memory_space<vmem>>, vector<1x1x16xf32>,
      %swap3A_207 = vector.shape_cast %swap3A_206 : vector<1x1x16xf32> to vector<16xf32>
      %swap3A_208 = vector.shape_cast %broadcast_in_dim3A_3 : vector<16xf32> to vector<1x1x16xf32>
      tpu.vector_store %arg6[%swap3A_203, %swap3A_204, %swap3A_205], %swap3A_208 {strides = array<i32>} : memref<2x64x128xf32, #tpu.memory_space<vmem>>, vector<1x1x16xf32>,
      %swap3A_209 = arith.constant 0 : i32
      %swap3A_210 = arith.index_cast %swap3A_209 : i32 to index
      %swap3A_211 = arith.index_cast %add3A_181 : i32 to index
      %swap3A_212 = arith.constant 64 : index
      %swap3A_213 = tpu.vector_load %arg6[%swap3A_210, %swap3A_211, %swap3A_212] {strides = array<i32>} : memref<2x64x128xf32, #tpu.memory_space<vmem>>, vector<1x1x16xf32>,
      %swap3A_214 = vector.shape_cast %swap3A_213 : vector<1x1x16xf32> to vector<16xf32>
      %swap3A_215 = vector.shape_cast %broadcast_in_dim3A_3 : vector<16xf32> to vector<1x1x16xf32>
      tpu.vector_store %arg6[%swap3A_210, %swap3A_211, %swap3A_212], %swap3A_215 {strides = array<i32>} : memref<2x64x128xf32, #tpu.memory_space<vmem>>, vector<1x1x16xf32>,
      %swap3A_216 = arith.constant 0 : i32
      %swap3A_217 = arith.index_cast %swap3A_216 : i32 to index
      %swap3A_218 = arith.index_cast %add3A_181 : i32 to index
      %swap3A_219 = arith.constant 80 : index
      %swap3A_220 = tpu.vector_load %arg6[%swap3A_217, %swap3A_218, %swap3A_219] {strides = array<i32>} : memref<2x64x128xf32, #tpu.memory_space<vmem>>, vector<1x1x16xf32>,
      %swap3A_221 = vector.shape_cast %swap3A_220 : vector<1x1x16xf32> to vector<16xf32>
      %swap3A_222 = vector.shape_cast %broadcast_in_dim3A_3 : vector<16xf32> to vector<1x1x16xf32>
      tpu.vector_store %arg6[%swap3A_217, %swap3A_218, %swap3A_219], %swap3A_222 {strides = array<i32>} : memref<2x64x128xf32, #tpu.memory_space<vmem>>, vector<1x1x16xf32>,
      %swap3A_223 = arith.constant 0 : i32
      %swap3A_224 = arith.index_cast %swap3A_223 : i32 to index
      %swap3A_225 = arith.index_cast %add3A_181 : i32 to index
      %swap3A_226 = arith.constant 96 : index
      %swap3A_227 = tpu.vector_load %arg6[%swap3A_224, %swap3A_225, %swap3A_226] {strides = array<i32>} : memref<2x64x128xf32, #tpu.memory_space<vmem>>, vector<1x1x16xf32>,
      %swap3A_228 = vector.shape_cast %swap3A_227 : vector<1x1x16xf32> to vector<16xf32>
      %swap3A_229 = vector.shape_cast %broadcast_in_dim3A_3 : vector<16xf32> to vector<1x1x16xf32>
      tpu.vector_store %arg6[%swap3A_224, %swap3A_225, %swap3A_226], %swap3A_229 {strides = array<i32>} : memref<2x64x128xf32, #tpu.memory_space<vmem>>, vector<1x1x16xf32>,
      %swap3A_230 = arith.constant 0 : i32
      %swap3A_231 = arith.index_cast %swap3A_230 : i32 to index
      %swap3A_232 = arith.index_cast %add3A_181 : i32 to index
      %swap3A_233 = arith.constant 112 : index
      %swap3A_234 = tpu.vector_load %arg6[%swap3A_231, %swap3A_232, %swap3A_233] {strides = array<i32>} : memref<2x64x128xf32, #tpu.memory_space<vmem>>, vector<1x1x16xf32>,
      %swap3A_235 = vector.shape_cast %swap3A_234 : vector<1x1x16xf32> to vector<16xf32>
      %swap3A_236 = vector.shape_cast %broadcast_in_dim3A_3 : vector<16xf32> to vector<1x1x16xf32>
      tpu.vector_store %arg6[%swap3A_231, %swap3A_232, %swap3A_233], %swap3A_236 {strides = array<i32>} : memref<2x64x128xf32, #tpu.memory_space<vmem>>, vector<1x1x16xf32>,
    }
    %scan3A_7 = arith.constant 64 : i32
    %mul3A_8 = arith.constant 640 : i32
    %mul3A_9 = arith.muli %arg1, %mul3A_8 : i32
    %add3A_10 = arith.constant 0 : i32
    %add3A_11 = arith.addi %mul3A_9, %add3A_10 : i32
    %run_scoped3A = arith.constant 0 : i32
    "tpu.region"() ({
      %run_scoped3A_177 = tpu.sem_alloc : memref<!tpu.dma_semaphore, #tpu.memory_space<semaphore_mem>>
      %dma_start3A_178 = arith.constant 0 : i32
      %dma_start3A_179 = arith.constant 0 : i32
      %dma_start3A_180 = tpu.memref_slice %arg6[%run_scoped3A, %dma_start3A_178, %dma_start3A_179] : memref<2x64x128xf32, #tpu.memory_space<vmem>> -> memref<1x64x128xf32, #tpu.memory_space<vmem>>
      %dma_start3A_181 = tpu.memref_squeeze %dma_start3A_180 : memref<1x64x128xf32, #tpu.memory_space<vmem>> -> memref<64x128xf32, #tpu.memory_space<vmem>>
      %dma_start3A_182 = arith.constant 0 : i32
      %dma_start3A_183 = tpu.memref_slice %arg7[%add3A_11, %dma_start3A_182] : memref<10240x128xf32, #tpu.memory_space<vmem_shared>> -> memref<64x128xf32, #tpu.memory_space<vmem_shared>>
      %dma_start3A_184 = arith.constant 0 : i32
      %dma_start3A_185 = tpu.memref_slice %arg7[%add3A_11, %dma_start3A_184] : memref<10240x128xf32, #tpu.memory_space<vmem_shared>> -> memref<64x128xf32, #tpu.memory_space<vmem_shared>>
      %dma_start3A_186 = arith.constant 0 : i32
      %dma_start3A_187 = arith.constant 0 : i32
      %dma_start3A_188 = tpu.memref_slice %arg6[%run_scoped3A, %dma_start3A_186, %dma_start3A_187] : memref<2x64x128xf32, #tpu.memory_space<vmem>> -> memref<1x64x128xf32, #tpu.memory_space<vmem>>
      %dma_start3A_189 = tpu.memref_squeeze %dma_start3A_188 : memref<1x64x128xf32, #tpu.memory_space<vmem>> -> memref<64x128xf32, #tpu.memory_space<vmem>>
      tpu.enqueue_dma source(%dma_start3A_189 : memref<64x128xf32, #tpu.memory_space<vmem>>) target(%dma_start3A_185 : memref<64x128xf32, #tpu.memory_space<vmem_shared>>) target_semaphore(%run_scoped3A_177 : memref<!tpu.dma_semaphore, #tpu.memory_space<semaphore_mem>>)
      %dma_wait3A_190 = arith.constant 0 : i32
      %dma_wait3A_191 = arith.constant 0 : i32
      %dma_wait3A_192 = tpu.memref_slice %arg6[%run_scoped3A, %dma_wait3A_190, %dma_wait3A_191] : memref<2x64x128xf32, #tpu.memory_space<vmem>> -> memref<1x64x128xf32, #tpu.memory_space<vmem>>
      %dma_wait3A_193 = tpu.memref_squeeze %dma_wait3A_192 : memref<1x64x128xf32, #tpu.memory_space<vmem>> -> memref<64x128xf32, #tpu.memory_space<vmem>>
      %dma_wait3A_194 = arith.constant 0 : i32
      %dma_wait3A_195 = tpu.memref_slice %arg7[%add3A_11, %dma_wait3A_194] : memref<10240x128xf32, #tpu.memory_space<vmem_shared>> -> memref<64x128xf32, #tpu.memory_space<vmem_shared>>
      %dma_wait3A_196 = arith.constant 0 : i32
      %dma_wait3A_197 = tpu.memref_slice %arg7[%add3A_11, %dma_wait3A_196] : memref<10240x128xf32, #tpu.memory_space<vmem_shared>> -> memref<64x128xf32, #tpu.memory_space<vmem_shared>>
      %dma_wait3A_198 = arith.constant 0 : i32
      %dma_wait3A_199 = arith.constant 0 : i32
      %dma_wait3A_200 = tpu.memref_slice %arg6[%run_scoped3A, %dma_wait3A_198, %dma_wait3A_199] : memref<2x64x128xf32, #tpu.memory_space<vmem>> -> memref<1x64x128xf32, #tpu.memory_space<vmem>>
      %dma_wait3A_201 = tpu.memref_squeeze %dma_wait3A_200 : memref<1x64x128xf32, #tpu.memory_space<vmem>> -> memref<64x128xf32, #tpu.memory_space<vmem>>
      tpu.wait_dma2 semaphore(%run_scoped3A_177 : memref<!tpu.dma_semaphore, #tpu.memory_space<semaphore_mem>>) src(%dma_wait3A_201 : memref<64x128xf32, #tpu.memory_space<vmem>>) dst(%dma_wait3A_197 : memref<64x128xf32, #tpu.memory_space<vmem_shared>>)
      tpu.yield
    }) : () -> ()
    %mul3A_12 = arith.constant 640 : i32
    %mul3A_13 = arith.muli %arg1, %mul3A_12 : i32
    %add3A_14 = arith.constant 64 : i32
    %add3A_15 = arith.addi %mul3A_13, %add3A_14 : i32
    %run_scoped3A_16 = arith.constant 0 : i32
    "tpu.region"() ({
      %run_scoped3A_177 = tpu.sem_alloc : memref<!tpu.dma_semaphore, #tpu.memory_space<semaphore_mem>>
      %dma_start3A_178 = arith.constant 0 : i32
      %dma_start3A_179 = arith.constant 0 : i32
      %dma_start3A_180 = tpu.memref_slice %arg6[%run_scoped3A_16, %dma_start3A_178, %dma_start3A_179] : memref<2x64x128xf32, #tpu.memory_space<vmem>> -> memref<1x64x128xf32, #tpu.memory_space<vmem>>
      %dma_start3A_181 = tpu.memref_squeeze %dma_start3A_180 : memref<1x64x128xf32, #tpu.memory_space<vmem>> -> memref<64x128xf32, #tpu.memory_space<vmem>>
      %dma_start3A_182 = arith.constant 0 : i32
      %dma_start3A_183 = tpu.memref_slice %arg7[%add3A_15, %dma_start3A_182] : memref<10240x128xf32, #tpu.memory_space<vmem_shared>> -> memref<64x128xf32, #tpu.memory_space<vmem_shared>>
      %dma_start3A_184 = arith.constant 0 : i32
      %dma_start3A_185 = tpu.memref_slice %arg7[%add3A_15, %dma_start3A_184] : memref<10240x128xf32, #tpu.memory_space<vmem_shared>> -> memref<64x128xf32, #tpu.memory_space<vmem_shared>>
      %dma_start3A_186 = arith.constant 0 : i32
      %dma_start3A_187 = arith.constant 0 : i32
      %dma_start3A_188 = tpu.memref_slice %arg6[%run_scoped3A_16, %dma_start3A_186, %dma_start3A_187] : memref<2x64x128xf32, #tpu.memory_space<vmem>> -> memref<1x64x128xf32, #tpu.memory_space<vmem>>
      %dma_start3A_189 = tpu.memref_squeeze %dma_start3A_188 : memref<1x64x128xf32, #tpu.memory_space<vmem>> -> memref<64x128xf32, #tpu.memory_space<vmem>>
      tpu.enqueue_dma source(%dma_start3A_189 : memref<64x128xf32, #tpu.memory_space<vmem>>) target(%dma_start3A_185 : memref<64x128xf32, #tpu.memory_space<vmem_shared>>) target_semaphore(%run_scoped3A_177 : memref<!tpu.dma_semaphore, #tpu.memory_space<semaphore_mem>>)
      %dma_wait3A_190 = arith.constant 0 : i32
      %dma_wait3A_191 = arith.constant 0 : i32
      %dma_wait3A_192 = tpu.memref_slice %arg6[%run_scoped3A_16, %dma_wait3A_190, %dma_wait3A_191] : memref<2x64x128xf32, #tpu.memory_space<vmem>> -> memref<1x64x128xf32, #tpu.memory_space<vmem>>
      %dma_wait3A_193 = tpu.memref_squeeze %dma_wait3A_192 : memref<1x64x128xf32, #tpu.memory_space<vmem>> -> memref<64x128xf32, #tpu.memory_space<vmem>>
      %dma_wait3A_194 = arith.constant 0 : i32
      %dma_wait3A_195 = tpu.memref_slice %arg7[%add3A_15, %dma_wait3A_194] : memref<10240x128xf32, #tpu.memory_space<vmem_shared>> -> memref<64x128xf32, #tpu.memory_space<vmem_shared>>
      %dma_wait3A_196 = arith.constant 0 : i32
      %dma_wait3A_197 = tpu.memref_slice %arg7[%add3A_15, %dma_wait3A_196] : memref<10240x128xf32, #tpu.memory_space<vmem_shared>> -> memref<64x128xf32, #tpu.memory_space<vmem_shared>>
      %dma_wait3A_198 = arith.constant 0 : i32
      %dma_wait3A_199 = arith.constant 0 : i32
      %dma_wait3A_200 = tpu.memref_slice %arg6[%run_scoped3A_16, %dma_wait3A_198, %dma_wait3A_199] : memref<2x64x128xf32, #tpu.memory_space<vmem>> -> memref<1x64x128xf32, #tpu.memory_space<vmem>>
      %dma_wait3A_201 = tpu.memref_squeeze %dma_wait3A_200 : memref<1x64x128xf32, #tpu.memory_space<vmem>> -> memref<64x128xf32, #tpu.memory_space<vmem>>
      tpu.wait_dma2 semaphore(%run_scoped3A_177 : memref<!tpu.dma_semaphore, #tpu.memory_space<semaphore_mem>>) src(%dma_wait3A_201 : memref<64x128xf32, #tpu.memory_space<vmem>>) dst(%dma_wait3A_197 : memref<64x128xf32, #tpu.memory_space<vmem_shared>>)
      tpu.yield
    }) : () -> ()
    %mul3A_17 = arith.constant 640 : i32
    %mul3A_18 = arith.muli %arg1, %mul3A_17 : i32
    %add3A_19 = arith.constant 128 : i32
    %add3A_20 = arith.addi %mul3A_18, %add3A_19 : i32
    %run_scoped3A_21 = arith.constant 0 : i32
    "tpu.region"() ({
      %run_scoped3A_177 = tpu.sem_alloc : memref<!tpu.dma_semaphore, #tpu.memory_space<semaphore_mem>>
      %dma_start3A_178 = arith.constant 0 : i32
      %dma_start3A_179 = arith.constant 0 : i32
      %dma_start3A_180 = tpu.memref_slice %arg6[%run_scoped3A_21, %dma_start3A_178, %dma_start3A_179] : memref<2x64x128xf32, #tpu.memory_space<vmem>> -> memref<1x64x128xf32, #tpu.memory_space<vmem>>
      %dma_start3A_181 = tpu.memref_squeeze %dma_start3A_180 : memref<1x64x128xf32, #tpu.memory_space<vmem>> -> memref<64x128xf32, #tpu.memory_space<vmem>>
      %dma_start3A_182 = arith.constant 0 : i32
      %dma_start3A_183 = tpu.memref_slice %arg7[%add3A_20, %dma_start3A_182] : memref<10240x128xf32, #tpu.memory_space<vmem_shared>> -> memref<64x128xf32, #tpu.memory_space<vmem_shared>>
      %dma_start3A_184 = arith.constant 0 : i32
      %dma_start3A_185 = tpu.memref_slice %arg7[%add3A_20, %dma_start3A_184] : memref<10240x128xf32, #tpu.memory_space<vmem_shared>> -> memref<64x128xf32, #tpu.memory_space<vmem_shared>>
      %dma_start3A_186 = arith.constant 0 : i32
      %dma_start3A_187 = arith.constant 0 : i32
      %dma_start3A_188 = tpu.memref_slice %arg6[%run_scoped3A_21, %dma_start3A_186, %dma_start3A_187] : memref<2x64x128xf32, #tpu.memory_space<vmem>> -> memref<1x64x128xf32, #tpu.memory_space<vmem>>
      %dma_start3A_189 = tpu.memref_squeeze %dma_start3A_188 : memref<1x64x128xf32, #tpu.memory_space<vmem>> -> memref<64x128xf32, #tpu.memory_space<vmem>>
      tpu.enqueue_dma source(%dma_start3A_189 : memref<64x128xf32, #tpu.memory_space<vmem>>) target(%dma_start3A_185 : memref<64x128xf32, #tpu.memory_space<vmem_shared>>) target_semaphore(%run_scoped3A_177 : memref<!tpu.dma_semaphore, #tpu.memory_space<semaphore_mem>>)
      %dma_wait3A_190 = arith.constant 0 : i32
      %dma_wait3A_191 = arith.constant 0 : i32
      %dma_wait3A_192 = tpu.memref_slice %arg6[%run_scoped3A_21, %dma_wait3A_190, %dma_wait3A_191] : memref<2x64x128xf32, #tpu.memory_space<vmem>> -> memref<1x64x128xf32, #tpu.memory_space<vmem>>
      %dma_wait3A_193 = tpu.memref_squeeze %dma_wait3A_192 : memref<1x64x128xf32, #tpu.memory_space<vmem>> -> memref<64x128xf32, #tpu.memory_space<vmem>>
      %dma_wait3A_194 = arith.constant 0 : i32
      %dma_wait3A_195 = tpu.memref_slice %arg7[%add3A_20, %dma_wait3A_194] : memref<10240x128xf32, #tpu.memory_space<vmem_shared>> -> memref<64x128xf32, #tpu.memory_space<vmem_shared>>
      %dma_wait3A_196 = arith.constant 0 : i32
      %dma_wait3A_197 = tpu.memref_slice %arg7[%add3A_20, %dma_wait3A_196] : memref<10240x128xf32, #tpu.memory_space<vmem_shared>> -> memref<64x128xf32, #tpu.memory_space<vmem_shared>>
      %dma_wait3A_198 = arith.constant 0 : i32
      %dma_wait3A_199 = arith.constant 0 : i32
      %dma_wait3A_200 = tpu.memref_slice %arg6[%run_scoped3A_21, %dma_wait3A_198, %dma_wait3A_199] : memref<2x64x128xf32, #tpu.memory_space<vmem>> -> memref<1x64x128xf32, #tpu.memory_space<vmem>>
      %dma_wait3A_201 = tpu.memref_squeeze %dma_wait3A_200 : memref<1x64x128xf32, #tpu.memory_space<vmem>> -> memref<64x128xf32, #tpu.memory_space<vmem>>
      tpu.wait_dma2 semaphore(%run_scoped3A_177 : memref<!tpu.dma_semaphore, #tpu.memory_space<semaphore_mem>>) src(%dma_wait3A_201 : memref<64x128xf32, #tpu.memory_space<vmem>>) dst(%dma_wait3A_197 : memref<64x128xf32, #tpu.memory_space<vmem_shared>>)
      tpu.yield
    }) : () -> ()
    %mul3A_22 = arith.constant 640 : i32
    %mul3A_23 = arith.muli %arg1, %mul3A_22 : i32
    %add3A_24 = arith.constant 192 : i32
    %add3A_25 = arith.addi %mul3A_23, %add3A_24 : i32
    %run_scoped3A_26 = arith.constant 0 : i32
    "tpu.region"() ({
      %run_scoped3A_177 = tpu.sem_alloc : memref<!tpu.dma_semaphore, #tpu.memory_space<semaphore_mem>>
      %dma_start3A_178 = arith.constant 0 : i32
      %dma_start3A_179 = arith.constant 0 : i32
      %dma_start3A_180 = tpu.memref_slice %arg6[%run_scoped3A_26, %dma_start3A_178, %dma_start3A_179] : memref<2x64x128xf32, #tpu.memory_space<vmem>> -> memref<1x64x128xf32, #tpu.memory_space<vmem>>
      %dma_start3A_181 = tpu.memref_squeeze %dma_start3A_180 : memref<1x64x128xf32, #tpu.memory_space<vmem>> -> memref<64x128xf32, #tpu.memory_space<vmem>>
      %dma_start3A_182 = arith.constant 0 : i32
      %dma_start3A_183 = tpu.memref_slice %arg7[%add3A_25, %dma_start3A_182] : memref<10240x128xf32, #tpu.memory_space<vmem_shared>> -> memref<64x128xf32, #tpu.memory_space<vmem_shared>>
      %dma_start3A_184 = arith.constant 0 : i32
      %dma_start3A_185 = tpu.memref_slice %arg7[%add3A_25, %dma_start3A_184] : memref<10240x128xf32, #tpu.memory_space<vmem_shared>> -> memref<64x128xf32, #tpu.memory_space<vmem_shared>>
      %dma_start3A_186 = arith.constant 0 : i32
      %dma_start3A_187 = arith.constant 0 : i32
      %dma_start3A_188 = tpu.memref_slice %arg6[%run_scoped3A_26, %dma_start3A_186, %dma_start3A_187] : memref<2x64x128xf32, #tpu.memory_space<vmem>> -> memref<1x64x128xf32, #tpu.memory_space<vmem>>
      %dma_start3A_189 = tpu.memref_squeeze %dma_start3A_188 : memref<1x64x128xf32, #tpu.memory_space<vmem>> -> memref<64x128xf32, #tpu.memory_space<vmem>>
      tpu.enqueue_dma source(%dma_start3A_189 : memref<64x128xf32, #tpu.memory_space<vmem>>) target(%dma_start3A_185 : memref<64x128xf32, #tpu.memory_space<vmem_shared>>) target_semaphore(%run_scoped3A_177 : memref<!tpu.dma_semaphore, #tpu.memory_space<semaphore_mem>>)
      %dma_wait3A_190 = arith.constant 0 : i32
      %dma_wait3A_191 = arith.constant 0 : i32
      %dma_wait3A_192 = tpu.memref_slice %arg6[%run_scoped3A_26, %dma_wait3A_190, %dma_wait3A_191] : memref<2x64x128xf32, #tpu.memory_space<vmem>> -> memref<1x64x128xf32, #tpu.memory_space<vmem>>
      %dma_wait3A_193 = tpu.memref_squeeze %dma_wait3A_192 : memref<1x64x128xf32, #tpu.memory_space<vmem>> -> memref<64x128xf32, #tpu.memory_space<vmem>>
      %dma_wait3A_194 = arith.constant 0 : i32
      %dma_wait3A_195 = tpu.memref_slice %arg7[%add3A_25, %dma_wait3A_194] : memref<10240x128xf32, #tpu.memory_space<vmem_shared>> -> memref<64x128xf32, #tpu.memory_space<vmem_shared>>
      %dma_wait3A_196 = arith.constant 0 : i32
      %dma_wait3A_197 = tpu.memref_slice %arg7[%add3A_25, %dma_wait3A_196] : memref<10240x128xf32, #tpu.memory_space<vmem_shared>> -> memref<64x128xf32, #tpu.memory_space<vmem_shared>>
      %dma_wait3A_198 = arith.constant 0 : i32
      %dma_wait3A_199 = arith.constant 0 : i32
      %dma_wait3A_200 = tpu.memref_slice %arg6[%run_scoped3A_26, %dma_wait3A_198, %dma_wait3A_199] : memref<2x64x128xf32, #tpu.memory_space<vmem>> -> memref<1x64x128xf32, #tpu.memory_space<vmem>>
      %dma_wait3A_201 = tpu.memref_squeeze %dma_wait3A_200 : memref<1x64x128xf32, #tpu.memory_space<vmem>> -> memref<64x128xf32, #tpu.memory_space<vmem>>
      tpu.wait_dma2 semaphore(%run_scoped3A_177 : memref<!tpu.dma_semaphore, #tpu.memory_space<semaphore_mem>>) src(%dma_wait3A_201 : memref<64x128xf32, #tpu.memory_space<vmem>>) dst(%dma_wait3A_197 : memref<64x128xf32, #tpu.memory_space<vmem_shared>>)
      tpu.yield
    }) : () -> ()
    %mul3A_27 = arith.constant 640 : i32
    %mul3A_28 = arith.muli %arg1, %mul3A_27 : i32
    %add3A_29 = arith.constant 256 : i32
    %add3A_30 = arith.addi %mul3A_28, %add3A_29 : i32
    %run_scoped3A_31 = arith.constant 0 : i32
    "tpu.region"() ({
      %run_scoped3A_177 = tpu.sem_alloc : memref<!tpu.dma_semaphore, #tpu.memory_space<semaphore_mem>>
      %dma_start3A_178 = arith.constant 0 : i32
      %dma_start3A_179 = arith.constant 0 : i32
      %dma_start3A_180 = tpu.memref_slice %arg6[%run_scoped3A_31, %dma_start3A_178, %dma_start3A_179] : memref<2x64x128xf32, #tpu.memory_space<vmem>> -> memref<1x64x128xf32, #tpu.memory_space<vmem>>
      %dma_start3A_181 = tpu.memref_squeeze %dma_start3A_180 : memref<1x64x128xf32, #tpu.memory_space<vmem>> -> memref<64x128xf32, #tpu.memory_space<vmem>>
      %dma_start3A_182 = arith.constant 0 : i32
      %dma_start3A_183 = tpu.memref_slice %arg7[%add3A_30, %dma_start3A_182] : memref<10240x128xf32, #tpu.memory_space<vmem_shared>> -> memref<64x128xf32, #tpu.memory_space<vmem_shared>>
      %dma_start3A_184 = arith.constant 0 : i32
      %dma_start3A_185 = tpu.memref_slice %arg7[%add3A_30, %dma_start3A_184] : memref<10240x128xf32, #tpu.memory_space<vmem_shared>> -> memref<64x128xf32, #tpu.memory_space<vmem_shared>>
      %dma_start3A_186 = arith.constant 0 : i32
      %dma_start3A_187 = arith.constant 0 : i32
      %dma_start3A_188 = tpu.memref_slice %arg6[%run_scoped3A_31, %dma_start3A_186, %dma_start3A_187] : memref<2x64x128xf32, #tpu.memory_space<vmem>> -> memref<1x64x128xf32, #tpu.memory_space<vmem>>
      %dma_start3A_189 = tpu.memref_squeeze %dma_start3A_188 : memref<1x64x128xf32, #tpu.memory_space<vmem>> -> memref<64x128xf32, #tpu.memory_space<vmem>>
      tpu.enqueue_dma source(%dma_start3A_189 : memref<64x128xf32, #tpu.memory_space<vmem>>) target(%dma_start3A_185 : memref<64x128xf32, #tpu.memory_space<vmem_shared>>) target_semaphore(%run_scoped3A_177 : memref<!tpu.dma_semaphore, #tpu.memory_space<semaphore_mem>>)
      %dma_wait3A_190 = arith.constant 0 : i32
      %dma_wait3A_191 = arith.constant 0 : i32
      %dma_wait3A_192 = tpu.memref_slice %arg6[%run_scoped3A_31, %dma_wait3A_190, %dma_wait3A_191] : memref<2x64x128xf32, #tpu.memory_space<vmem>> -> memref<1x64x128xf32, #tpu.memory_space<vmem>>
      %dma_wait3A_193 = tpu.memref_squeeze %dma_wait3A_192 : memref<1x64x128xf32, #tpu.memory_space<vmem>> -> memref<64x128xf32, #tpu.memory_space<vmem>>
      %dma_wait3A_194 = arith.constant 0 : i32
      %dma_wait3A_195 = tpu.memref_slice %arg7[%add3A_30, %dma_wait3A_194] : memref<10240x128xf32, #tpu.memory_space<vmem_shared>> -> memref<64x128xf32, #tpu.memory_space<vmem_shared>>
      %dma_wait3A_196 = arith.constant 0 : i32
      %dma_wait3A_197 = tpu.memref_slice %arg7[%add3A_30, %dma_wait3A_196] : memref<10240x128xf32, #tpu.memory_space<vmem_shared>> -> memref<64x128xf32, #tpu.memory_space<vmem_shared>>
      %dma_wait3A_198 = arith.constant 0 : i32
      %dma_wait3A_199 = arith.constant 0 : i32
      %dma_wait3A_200 = tpu.memref_slice %arg6[%run_scoped3A_31, %dma_wait3A_198, %dma_wait3A_199] : memref<2x64x128xf32, #tpu.memory_space<vmem>> -> memref<1x64x128xf32, #tpu.memory_space<vmem>>
      %dma_wait3A_201 = tpu.memref_squeeze %dma_wait3A_200 : memref<1x64x128xf32, #tpu.memory_space<vmem>> -> memref<64x128xf32, #tpu.memory_space<vmem>>
      tpu.wait_dma2 semaphore(%run_scoped3A_177 : memref<!tpu.dma_semaphore, #tpu.memory_space<semaphore_mem>>) src(%dma_wait3A_201 : memref<64x128xf32, #tpu.memory_space<vmem>>) dst(%dma_wait3A_197 : memref<64x128xf32, #tpu.memory_space<vmem_shared>>)
      tpu.yield
    }) : () -> ()
    %mul3A_32 = arith.constant 640 : i32
    %mul3A_33 = arith.muli %arg1, %mul3A_32 : i32
    %add3A_34 = arith.constant 320 : i32
    %add3A_35 = arith.addi %mul3A_33, %add3A_34 : i32
    %run_scoped3A_36 = arith.constant 0 : i32
    "tpu.region"() ({
      %run_scoped3A_177 = tpu.sem_alloc : memref<!tpu.dma_semaphore, #tpu.memory_space<semaphore_mem>>
      %dma_start3A_178 = arith.constant 0 : i32
      %dma_start3A_179 = arith.constant 0 : i32
      %dma_start3A_180 = tpu.memref_slice %arg6[%run_scoped3A_36, %dma_start3A_178, %dma_start3A_179] : memref<2x64x128xf32, #tpu.memory_space<vmem>> -> memref<1x64x128xf32, #tpu.memory_space<vmem>>
      %dma_start3A_181 = tpu.memref_squeeze %dma_start3A_180 : memref<1x64x128xf32, #tpu.memory_space<vmem>> -> memref<64x128xf32, #tpu.memory_space<vmem>>
      %dma_start3A_182 = arith.constant 0 : i32
      %dma_start3A_183 = tpu.memref_slice %arg7[%add3A_35, %dma_start3A_182] : memref<10240x128xf32, #tpu.memory_space<vmem_shared>> -> memref<64x128xf32, #tpu.memory_space<vmem_shared>>
      %dma_start3A_184 = arith.constant 0 : i32
      %dma_start3A_185 = tpu.memref_slice %arg7[%add3A_35, %dma_start3A_184] : memref<10240x128xf32, #tpu.memory_space<vmem_shared>> -> memref<64x128xf32, #tpu.memory_space<vmem_shared>>
      %dma_start3A_186 = arith.constant 0 : i32
      %dma_start3A_187 = arith.constant 0 : i32
      %dma_start3A_188 = tpu.memref_slice %arg6[%run_scoped3A_36, %dma_start3A_186, %dma_start3A_187] : memref<2x64x128xf32, #tpu.memory_space<vmem>> -> memref<1x64x128xf32, #tpu.memory_space<vmem>>
      %dma_start3A_189 = tpu.memref_squeeze %dma_start3A_188 : memref<1x64x128xf32, #tpu.memory_space<vmem>> -> memref<64x128xf32, #tpu.memory_space<vmem>>
      tpu.enqueue_dma source(%dma_start3A_189 : memref<64x128xf32, #tpu.memory_space<vmem>>) target(%dma_start3A_185 : memref<64x128xf32, #tpu.memory_space<vmem_shared>>) target_semaphore(%run_scoped3A_177 : memref<!tpu.dma_semaphore, #tpu.memory_space<semaphore_mem>>)
      %dma_wait3A_190 = arith.constant 0 : i32
      %dma_wait3A_191 = arith.constant 0 : i32
      %dma_wait3A_192 = tpu.memref_slice %arg6[%run_scoped3A_36, %dma_wait3A_190, %dma_wait3A_191] : memref<2x64x128xf32, #tpu.memory_space<vmem>> -> memref<1x64x128xf32, #tpu.memory_space<vmem>>
      %dma_wait3A_193 = tpu.memref_squeeze %dma_wait3A_192 : memref<1x64x128xf32, #tpu.memory_space<vmem>> -> memref<64x128xf32, #tpu.memory_space<vmem>>
      %dma_wait3A_194 = arith.constant 0 : i32
      %dma_wait3A_195 = tpu.memref_slice %arg7[%add3A_35, %dma_wait3A_194] : memref<10240x128xf32, #tpu.memory_space<vmem_shared>> -> memref<64x128xf32, #tpu.memory_space<vmem_shared>>
      %dma_wait3A_196 = arith.constant 0 : i32
      %dma_wait3A_197 = tpu.memref_slice %arg7[%add3A_35, %dma_wait3A_196] : memref<10240x128xf32, #tpu.memory_space<vmem_shared>> -> memref<64x128xf32, #tpu.memory_space<vmem_shared>>
      %dma_wait3A_198 = arith.constant 0 : i32
      %dma_wait3A_199 = arith.constant 0 : i32
      %dma_wait3A_200 = tpu.memref_slice %arg6[%run_scoped3A_36, %dma_wait3A_198, %dma_wait3A_199] : memref<2x64x128xf32, #tpu.memory_space<vmem>> -> memref<1x64x128xf32, #tpu.memory_space<vmem>>
      %dma_wait3A_201 = tpu.memref_squeeze %dma_wait3A_200 : memref<1x64x128xf32, #tpu.memory_space<vmem>> -> memref<64x128xf32, #tpu.memory_space<vmem>>
      tpu.wait_dma2 semaphore(%run_scoped3A_177 : memref<!tpu.dma_semaphore, #tpu.memory_space<semaphore_mem>>) src(%dma_wait3A_201 : memref<64x128xf32, #tpu.memory_space<vmem>>) dst(%dma_wait3A_197 : memref<64x128xf32, #tpu.memory_space<vmem_shared>>)
      tpu.yield
    }) : () -> ()
    %mul3A_37 = arith.constant 640 : i32
    %mul3A_38 = arith.muli %arg1, %mul3A_37 : i32
    %add3A_39 = arith.constant 384 : i32
    %add3A_40 = arith.addi %mul3A_38, %add3A_39 : i32
    %run_scoped3A_41 = arith.constant 0 : i32
    "tpu.region"() ({
      %run_scoped3A_177 = tpu.sem_alloc : memref<!tpu.dma_semaphore, #tpu.memory_space<semaphore_mem>>
      %dma_start3A_178 = arith.constant 0 : i32
      %dma_start3A_179 = arith.constant 0 : i32
      %dma_start3A_180 = tpu.memref_slice %arg6[%run_scoped3A_41, %dma_start3A_178, %dma_start3A_179] : memref<2x64x128xf32, #tpu.memory_space<vmem>> -> memref<1x64x128xf32, #tpu.memory_space<vmem>>
      %dma_start3A_181 = tpu.memref_squeeze %dma_start3A_180 : memref<1x64x128xf32, #tpu.memory_space<vmem>> -> memref<64x128xf32, #tpu.memory_space<vmem>>
      %dma_start3A_182 = arith.constant 0 : i32
      %dma_start3A_183 = tpu.memref_slice %arg7[%add3A_40, %dma_start3A_182] : memref<10240x128xf32, #tpu.memory_space<vmem_shared>> -> memref<64x128xf32, #tpu.memory_space<vmem_shared>>
      %dma_start3A_184 = arith.constant 0 : i32
      %dma_start3A_185 = tpu.memref_slice %arg7[%add3A_40, %dma_start3A_184] : memref<10240x128xf32, #tpu.memory_space<vmem_shared>> -> memref<64x128xf32, #tpu.memory_space<vmem_shared>>
      %dma_start3A_186 = arith.constant 0 : i32
      %dma_start3A_187 = arith.constant 0 : i32
      %dma_start3A_188 = tpu.memref_slice %arg6[%run_scoped3A_41, %dma_start3A_186, %dma_start3A_187] : memref<2x64x128xf32, #tpu.memory_space<vmem>> -> memref<1x64x128xf32, #tpu.memory_space<vmem>>
      %dma_start3A_189 = tpu.memref_squeeze %dma_start3A_188 : memref<1x64x128xf32, #tpu.memory_space<vmem>> -> memref<64x128xf32, #tpu.memory_space<vmem>>
      tpu.enqueue_dma source(%dma_start3A_189 : memref<64x128xf32, #tpu.memory_space<vmem>>) target(%dma_start3A_185 : memref<64x128xf32, #tpu.memory_space<vmem_shared>>) target_semaphore(%run_scoped3A_177 : memref<!tpu.dma_semaphore, #tpu.memory_space<semaphore_mem>>)
      %dma_wait3A_190 = arith.constant 0 : i32
      %dma_wait3A_191 = arith.constant 0 : i32
      %dma_wait3A_192 = tpu.memref_slice %arg6[%run_scoped3A_41, %dma_wait3A_190, %dma_wait3A_191] : memref<2x64x128xf32, #tpu.memory_space<vmem>> -> memref<1x64x128xf32, #tpu.memory_space<vmem>>
      %dma_wait3A_193 = tpu.memref_squeeze %dma_wait3A_192 : memref<1x64x128xf32, #tpu.memory_space<vmem>> -> memref<64x128xf32, #tpu.memory_space<vmem>>
      %dma_wait3A_194 = arith.constant 0 : i32
      %dma_wait3A_195 = tpu.memref_slice %arg7[%add3A_40, %dma_wait3A_194] : memref<10240x128xf32, #tpu.memory_space<vmem_shared>> -> memref<64x128xf32, #tpu.memory_space<vmem_shared>>
      %dma_wait3A_196 = arith.constant 0 : i32
      %dma_wait3A_197 = tpu.memref_slice %arg7[%add3A_40, %dma_wait3A_196] : memref<10240x128xf32, #tpu.memory_space<vmem_shared>> -> memref<64x128xf32, #tpu.memory_space<vmem_shared>>
      %dma_wait3A_198 = arith.constant 0 : i32
      %dma_wait3A_199 = arith.constant 0 : i32
      %dma_wait3A_200 = tpu.memref_slice %arg6[%run_scoped3A_41, %dma_wait3A_198, %dma_wait3A_199] : memref<2x64x128xf32, #tpu.memory_space<vmem>> -> memref<1x64x128xf32, #tpu.memory_space<vmem>>
      %dma_wait3A_201 = tpu.memref_squeeze %dma_wait3A_200 : memref<1x64x128xf32, #tpu.memory_space<vmem>> -> memref<64x128xf32, #tpu.memory_space<vmem>>
      tpu.wait_dma2 semaphore(%run_scoped3A_177 : memref<!tpu.dma_semaphore, #tpu.memory_space<semaphore_mem>>) src(%dma_wait3A_201 : memref<64x128xf32, #tpu.memory_space<vmem>>) dst(%dma_wait3A_197 : memref<64x128xf32, #tpu.memory_space<vmem_shared>>)
      tpu.yield
    }) : () -> ()
    %mul3A_42 = arith.constant 640 : i32
    %mul3A_43 = arith.muli %arg1, %mul3A_42 : i32
    %add3A_44 = arith.constant 448 : i32
    %add3A_45 = arith.addi %mul3A_43, %add3A_44 : i32
    %run_scoped3A_46 = arith.constant 0 : i32
    "tpu.region"() ({
      %run_scoped3A_177 = tpu.sem_alloc : memref<!tpu.dma_semaphore, #tpu.memory_space<semaphore_mem>>
      %dma_start3A_178 = arith.constant 0 : i32
      %dma_start3A_179 = arith.constant 0 : i32
      %dma_start3A_180 = tpu.memref_slice %arg6[%run_scoped3A_46, %dma_start3A_178, %dma_start3A_179] : memref<2x64x128xf32, #tpu.memory_space<vmem>> -> memref<1x64x128xf32, #tpu.memory_space<vmem>>
      %dma_start3A_181 = tpu.memref_squeeze %dma_start3A_180 : memref<1x64x128xf32, #tpu.memory_space<vmem>> -> memref<64x128xf32, #tpu.memory_space<vmem>>
      %dma_start3A_182 = arith.constant 0 : i32
      %dma_start3A_183 = tpu.memref_slice %arg7[%add3A_45, %dma_start3A_182] : memref<10240x128xf32, #tpu.memory_space<vmem_shared>> -> memref<64x128xf32, #tpu.memory_space<vmem_shared>>
      %dma_start3A_184 = arith.constant 0 : i32
      %dma_start3A_185 = tpu.memref_slice %arg7[%add3A_45, %dma_start3A_184] : memref<10240x128xf32, #tpu.memory_space<vmem_shared>> -> memref<64x128xf32, #tpu.memory_space<vmem_shared>>
      %dma_start3A_186 = arith.constant 0 : i32
      %dma_start3A_187 = arith.constant 0 : i32
      %dma_start3A_188 = tpu.memref_slice %arg6[%run_scoped3A_46, %dma_start3A_186, %dma_start3A_187] : memref<2x64x128xf32, #tpu.memory_space<vmem>> -> memref<1x64x128xf32, #tpu.memory_space<vmem>>
      %dma_start3A_189 = tpu.memref_squeeze %dma_start3A_188 : memref<1x64x128xf32, #tpu.memory_space<vmem>> -> memref<64x128xf32, #tpu.memory_space<vmem>>
      tpu.enqueue_dma source(%dma_start3A_189 : memref<64x128xf32, #tpu.memory_space<vmem>>) target(%dma_start3A_185 : memref<64x128xf32, #tpu.memory_space<vmem_shared>>) target_semaphore(%run_scoped3A_177 : memref<!tpu.dma_semaphore, #tpu.memory_space<semaphore_mem>>)
      %dma_wait3A_190 = arith.constant 0 : i32
      %dma_wait3A_191 = arith.constant 0 : i32
      %dma_wait3A_192 = tpu.memref_slice %arg6[%run_scoped3A_46, %dma_wait3A_190, %dma_wait3A_191] : memref<2x64x128xf32, #tpu.memory_space<vmem>> -> memref<1x64x128xf32, #tpu.memory_space<vmem>>
      %dma_wait3A_193 = tpu.memref_squeeze %dma_wait3A_192 : memref<1x64x128xf32, #tpu.memory_space<vmem>> -> memref<64x128xf32, #tpu.memory_space<vmem>>
      %dma_wait3A_194 = arith.constant 0 : i32
      %dma_wait3A_195 = tpu.memref_slice %arg7[%add3A_45, %dma_wait3A_194] : memref<10240x128xf32, #tpu.memory_space<vmem_shared>> -> memref<64x128xf32, #tpu.memory_space<vmem_shared>>
      %dma_wait3A_196 = arith.constant 0 : i32
      %dma_wait3A_197 = tpu.memref_slice %arg7[%add3A_45, %dma_wait3A_196] : memref<10240x128xf32, #tpu.memory_space<vmem_shared>> -> memref<64x128xf32, #tpu.memory_space<vmem_shared>>
      %dma_wait3A_198 = arith.constant 0 : i32
      %dma_wait3A_199 = arith.constant 0 : i32
      %dma_wait3A_200 = tpu.memref_slice %arg6[%run_scoped3A_46, %dma_wait3A_198, %dma_wait3A_199] : memref<2x64x128xf32, #tpu.memory_space<vmem>> -> memref<1x64x128xf32, #tpu.memory_space<vmem>>
      %dma_wait3A_201 = tpu.memref_squeeze %dma_wait3A_200 : memref<1x64x128xf32, #tpu.memory_space<vmem>> -> memref<64x128xf32, #tpu.memory_space<vmem>>
      tpu.wait_dma2 semaphore(%run_scoped3A_177 : memref<!tpu.dma_semaphore, #tpu.memory_space<semaphore_mem>>) src(%dma_wait3A_201 : memref<64x128xf32, #tpu.memory_space<vmem>>) dst(%dma_wait3A_197 : memref<64x128xf32, #tpu.memory_space<vmem_shared>>)
      tpu.yield
    }) : () -> ()
    %mul3A_47 = arith.constant 640 : i32
    %mul3A_48 = arith.muli %arg1, %mul3A_47 : i32
    %add3A_49 = arith.constant 512 : i32
    %add3A_50 = arith.addi %mul3A_48, %add3A_49 : i32
    %run_scoped3A_51 = arith.constant 0 : i32
    "tpu.region"() ({
      %run_scoped3A_177 = tpu.sem_alloc : memref<!tpu.dma_semaphore, #tpu.memory_space<semaphore_mem>>
      %dma_start3A_178 = arith.constant 0 : i32
      %dma_start3A_179 = arith.constant 0 : i32
      %dma_start3A_180 = tpu.memref_slice %arg6[%run_scoped3A_51, %dma_start3A_178, %dma_start3A_179] : memref<2x64x128xf32, #tpu.memory_space<vmem>> -> memref<1x64x128xf32, #tpu.memory_space<vmem>>
      %dma_start3A_181 = tpu.memref_squeeze %dma_start3A_180 : memref<1x64x128xf32, #tpu.memory_space<vmem>> -> memref<64x128xf32, #tpu.memory_space<vmem>>
      %dma_start3A_182 = arith.constant 0 : i32
      %dma_start3A_183 = tpu.memref_slice %arg7[%add3A_50, %dma_start3A_182] : memref<10240x128xf32, #tpu.memory_space<vmem_shared>> -> memref<64x128xf32, #tpu.memory_space<vmem_shared>>
      %dma_start3A_184 = arith.constant 0 : i32
      %dma_start3A_185 = tpu.memref_slice %arg7[%add3A_50, %dma_start3A_184] : memref<10240x128xf32, #tpu.memory_space<vmem_shared>> -> memref<64x128xf32, #tpu.memory_space<vmem_shared>>
      %dma_start3A_186 = arith.constant 0 : i32
      %dma_start3A_187 = arith.constant 0 : i32
      %dma_start3A_188 = tpu.memref_slice %arg6[%run_scoped3A_51, %dma_start3A_186, %dma_start3A_187] : memref<2x64x128xf32, #tpu.memory_space<vmem>> -> memref<1x64x128xf32, #tpu.memory_space<vmem>>
      %dma_start3A_189 = tpu.memref_squeeze %dma_start3A_188 : memref<1x64x128xf32, #tpu.memory_space<vmem>> -> memref<64x128xf32, #tpu.memory_space<vmem>>
      tpu.enqueue_dma source(%dma_start3A_189 : memref<64x128xf32, #tpu.memory_space<vmem>>) target(%dma_start3A_185 : memref<64x128xf32, #tpu.memory_space<vmem_shared>>) target_semaphore(%run_scoped3A_177 : memref<!tpu.dma_semaphore, #tpu.memory_space<semaphore_mem>>)
      %dma_wait3A_190 = arith.constant 0 : i32
      %dma_wait3A_191 = arith.constant 0 : i32
      %dma_wait3A_192 = tpu.memref_slice %arg6[%run_scoped3A_51, %dma_wait3A_190, %dma_wait3A_191] : memref<2x64x128xf32, #tpu.memory_space<vmem>> -> memref<1x64x128xf32, #tpu.memory_space<vmem>>
      %dma_wait3A_193 = tpu.memref_squeeze %dma_wait3A_192 : memref<1x64x128xf32, #tpu.memory_space<vmem>> -> memref<64x128xf32, #tpu.memory_space<vmem>>
      %dma_wait3A_194 = arith.constant 0 : i32
      %dma_wait3A_195 = tpu.memref_slice %arg7[%add3A_50, %dma_wait3A_194] : memref<10240x128xf32, #tpu.memory_space<vmem_shared>> -> memref<64x128xf32, #tpu.memory_space<vmem_shared>>
      %dma_wait3A_196 = arith.constant 0 : i32
      %dma_wait3A_197 = tpu.memref_slice %arg7[%add3A_50, %dma_wait3A_196] : memref<10240x128xf32, #tpu.memory_space<vmem_shared>> -> memref<64x128xf32, #tpu.memory_space<vmem_shared>>
      %dma_wait3A_198 = arith.constant 0 : i32
      %dma_wait3A_199 = arith.constant 0 : i32
      %dma_wait3A_200 = tpu.memref_slice %arg6[%run_scoped3A_51, %dma_wait3A_198, %dma_wait3A_199] : memref<2x64x128xf32, #tpu.memory_space<vmem>> -> memref<1x64x128xf32, #tpu.memory_space<vmem>>
      %dma_wait3A_201 = tpu.memref_squeeze %dma_wait3A_200 : memref<1x64x128xf32, #tpu.memory_space<vmem>> -> memref<64x128xf32, #tpu.memory_space<vmem>>
      tpu.wait_dma2 semaphore(%run_scoped3A_177 : memref<!tpu.dma_semaphore, #tpu.memory_space<semaphore_mem>>) src(%dma_wait3A_201 : memref<64x128xf32, #tpu.memory_space<vmem>>) dst(%dma_wait3A_197 : memref<64x128xf32, #tpu.memory_space<vmem_shared>>)
      tpu.yield
    }) : () -> ()
    %mul3A_52 = arith.constant 640 : i32
    %mul3A_53 = arith.muli %arg1, %mul3A_52 : i32
    %add3A_54 = arith.constant 576 : i32
    %add3A_55 = arith.addi %mul3A_53, %add3A_54 : i32
    %run_scoped3A_56 = arith.constant 0 : i32
    "tpu.region"() ({
      %run_scoped3A_177 = tpu.sem_alloc : memref<!tpu.dma_semaphore, #tpu.memory_space<semaphore_mem>>
      %dma_start3A_178 = arith.constant 0 : i32
      %dma_start3A_179 = arith.constant 0 : i32
      %dma_start3A_180 = tpu.memref_slice %arg6[%run_scoped3A_56, %dma_start3A_178, %dma_start3A_179] : memref<2x64x128xf32, #tpu.memory_space<vmem>> -> memref<1x64x128xf32, #tpu.memory_space<vmem>>
      %dma_start3A_181 = tpu.memref_squeeze %dma_start3A_180 : memref<1x64x128xf32, #tpu.memory_space<vmem>> -> memref<64x128xf32, #tpu.memory_space<vmem>>
      %dma_start3A_182 = arith.constant 0 : i32
      %dma_start3A_183 = tpu.memref_slice %arg7[%add3A_55, %dma_start3A_182] : memref<10240x128xf32, #tpu.memory_space<vmem_shared>> -> memref<64x128xf32, #tpu.memory_space<vmem_shared>>
      %dma_start3A_184 = arith.constant 0 : i32
      %dma_start3A_185 = tpu.memref_slice %arg7[%add3A_55, %dma_start3A_184] : memref<10240x128xf32, #tpu.memory_space<vmem_shared>> -> memref<64x128xf32, #tpu.memory_space<vmem_shared>>
      %dma_start3A_186 = arith.constant 0 : i32
      %dma_start3A_187 = arith.constant 0 : i32
      %dma_start3A_188 = tpu.memref_slice %arg6[%run_scoped3A_56, %dma_start3A_186, %dma_start3A_187] : memref<2x64x128xf32, #tpu.memory_space<vmem>> -> memref<1x64x128xf32, #tpu.memory_space<vmem>>
      %dma_start3A_189 = tpu.memref_squeeze %dma_start3A_188 : memref<1x64x128xf32, #tpu.memory_space<vmem>> -> memref<64x128xf32, #tpu.memory_space<vmem>>
      tpu.enqueue_dma source(%dma_start3A_189 : memref<64x128xf32, #tpu.memory_space<vmem>>) target(%dma_start3A_185 : memref<64x128xf32, #tpu.memory_space<vmem_shared>>) target_semaphore(%run_scoped3A_177 : memref<!tpu.dma_semaphore, #tpu.memory_space<semaphore_mem>>)
      %dma_wait3A_190 = arith.constant 0 : i32
      %dma_wait3A_191 = arith.constant 0 : i32
      %dma_wait3A_192 = tpu.memref_slice %arg6[%run_scoped3A_56, %dma_wait3A_190, %dma_wait3A_191] : memref<2x64x128xf32, #tpu.memory_space<vmem>> -> memref<1x64x128xf32, #tpu.memory_space<vmem>>
      %dma_wait3A_193 = tpu.memref_squeeze %dma_wait3A_192 : memref<1x64x128xf32, #tpu.memory_space<vmem>> -> memref<64x128xf32, #tpu.memory_space<vmem>>
      %dma_wait3A_194 = arith.constant 0 : i32
      %dma_wait3A_195 = tpu.memref_slice %arg7[%add3A_55, %dma_wait3A_194] : memref<10240x128xf32, #tpu.memory_space<vmem_shared>> -> memref<64x128xf32, #tpu.memory_space<vmem_shared>>
      %dma_wait3A_196 = arith.constant 0 : i32
      %dma_wait3A_197 = tpu.memref_slice %arg7[%add3A_55, %dma_wait3A_196] : memref<10240x128xf32, #tpu.memory_space<vmem_shared>> -> memref<64x128xf32, #tpu.memory_space<vmem_shared>>
      %dma_wait3A_198 = arith.constant 0 : i32
      %dma_wait3A_199 = arith.constant 0 : i32
      %dma_wait3A_200 = tpu.memref_slice %arg6[%run_scoped3A_56, %dma_wait3A_198, %dma_wait3A_199] : memref<2x64x128xf32, #tpu.memory_space<vmem>> -> memref<1x64x128xf32, #tpu.memory_space<vmem>>
      %dma_wait3A_201 = tpu.memref_squeeze %dma_wait3A_200 : memref<1x64x128xf32, #tpu.memory_space<vmem>> -> memref<64x128xf32, #tpu.memory_space<vmem>>
      tpu.wait_dma2 semaphore(%run_scoped3A_177 : memref<!tpu.dma_semaphore, #tpu.memory_space<semaphore_mem>>) src(%dma_wait3A_201 : memref<64x128xf32, #tpu.memory_space<vmem>>) dst(%dma_wait3A_197 : memref<64x128xf32, #tpu.memory_space<vmem_shared>>)
      tpu.yield
    }) : () -> ()
    %barrier3A = arith.constant 0 : index
    tpu.barrier barrier_id(%barrier3A)
    %dma_start3A = arith.constant 0 : i32
    %dma_start3A_57 = arith.constant 0 : i32
    %dma_start3A_58 = arith.constant 0 : i32
    %dma_start3A_59 = arith.constant 0 : i32
    %dma_start3A_60 = tpu.memref_slice %arg5[%dma_start3A_57, %dma_start3A_58, %dma_start3A_59] : memref<4x2x64xi32, #tpu.memory_space<vmem>> -> memref<1x2x64xi32, #tpu.memory_space<vmem>>
    %dma_start3A_61 = tpu.memref_squeeze %dma_start3A_60 : memref<1x2x64xi32, #tpu.memory_space<vmem>> -> memref<2x64xi32, #tpu.memory_space<vmem>>
    %dma_start3A_62 = arith.constant 0 : i32
    %dma_start3A_63 = arith.constant 0 : i32
    %dma_start3A_64 = tpu.memref_slice %arg3[%add3A, %dma_start3A, %dma_start3A_62, %dma_start3A_63] : memref<32x160x2x64xi32, #tpu.memory_space<hbm>> -> memref<1x1x2x64xi32, #tpu.memory_space<hbm>>
    %dma_start3A_65 = tpu.memref_squeeze %dma_start3A_64 : memref<1x1x2x64xi32, #tpu.memory_space<hbm>> -> memref<2x64xi32, #tpu.memory_space<hbm>>
    %dma_start3A_66 = arith.constant 0 : i32
    %dma_start3A_67 = arith.constant 0 : i32
    %dma_start3A_68 = tpu.memref_slice %arg5[%dma_start3A_57, %dma_start3A_66, %dma_start3A_67] : memref<4x2x64xi32, #tpu.memory_space<vmem>> -> memref<1x2x64xi32, #tpu.memory_space<vmem>>
    %dma_start3A_69 = tpu.memref_squeeze %dma_start3A_68 : memref<1x2x64xi32, #tpu.memory_space<vmem>> -> memref<2x64xi32, #tpu.memory_space<vmem>>
    %dma_start3A_70 = arith.constant 0 : i32
    %dma_start3A_71 = arith.constant 0 : i32
    %dma_start3A_72 = tpu.memref_slice %arg3[%add3A, %dma_start3A, %dma_start3A_70, %dma_start3A_71] : memref<32x160x2x64xi32, #tpu.memory_space<hbm>> -> memref<1x1x2x64xi32, #tpu.memory_space<hbm>>
    %dma_start3A_73 = tpu.memref_squeeze %dma_start3A_72 : memref<1x1x2x64xi32, #tpu.memory_space<hbm>> -> memref<2x64xi32, #tpu.memory_space<hbm>>
    tpu.enqueue_dma source(%dma_start3A_73 : memref<2x64xi32, #tpu.memory_space<hbm>>) target(%dma_start3A_69 : memref<2x64xi32, #tpu.memory_space<vmem>>) target_semaphore(%arg8 : memref<!tpu.dma_semaphore, #tpu.memory_space<semaphore_mem>>)
    %dma_start3A_74 = arith.constant 1 : i32
    %dma_start3A_75 = arith.constant 1 : i32
    %dma_start3A_76 = arith.constant 0 : i32
    %dma_start3A_77 = arith.constant 0 : i32
    %dma_start3A_78 = tpu.memref_slice %arg5[%dma_start3A_75, %dma_start3A_76, %dma_start3A_77] : memref<4x2x64xi32, #tpu.memory_space<vmem>> -> memref<1x2x64xi32, #tpu.memory_space<vmem>>
    %dma_start3A_79 = tpu.memref_squeeze %dma_start3A_78 : memref<1x2x64xi32, #tpu.memory_space<vmem>> -> memref<2x64xi32, #tpu.memory_space<vmem>>
    %dma_start3A_80 = arith.constant 0 : i32
    %dma_start3A_81 = arith.constant 0 : i32
    %dma_start3A_82 = tpu.memref_slice %arg3[%add3A, %dma_start3A_74, %dma_start3A_80, %dma_start3A_81] : memref<32x160x2x64xi32, #tpu.memory_space<hbm>> -> memref<1x1x2x64xi32, #tpu.memory_space<hbm>>
    %dma_start3A_83 = tpu.memref_squeeze %dma_start3A_82 : memref<1x1x2x64xi32, #tpu.memory_space<hbm>> -> memref<2x64xi32, #tpu.memory_space<hbm>>
    %dma_start3A_84 = arith.constant 0 : i32
    %dma_start3A_85 = arith.constant 0 : i32
    %dma_start3A_86 = tpu.memref_slice %arg5[%dma_start3A_75, %dma_start3A_84, %dma_start3A_85] : memref<4x2x64xi32, #tpu.memory_space<vmem>> -> memref<1x2x64xi32, #tpu.memory_space<vmem>>
    %dma_start3A_87 = tpu.memref_squeeze %dma_start3A_86 : memref<1x2x64xi32, #tpu.memory_space<vmem>> -> memref<2x64xi32, #tpu.memory_space<vmem>>
    %dma_start3A_88 = arith.constant 0 : i32
    %dma_start3A_89 = arith.constant 0 : i32
    %dma_start3A_90 = tpu.memref_slice %arg3[%add3A, %dma_start3A_74, %dma_start3A_88, %dma_start3A_89] : memref<32x160x2x64xi32, #tpu.memory_space<hbm>> -> memref<1x1x2x64xi32, #tpu.memory_space<hbm>>
    %dma_start3A_91 = tpu.memref_squeeze %dma_start3A_90 : memref<1x1x2x64xi32, #tpu.memory_space<hbm>> -> memref<2x64xi32, #tpu.memory_space<hbm>>
    tpu.enqueue_dma source(%dma_start3A_91 : memref<2x64xi32, #tpu.memory_space<hbm>>) target(%dma_start3A_87 : memref<2x64xi32, #tpu.memory_space<vmem>>) target_semaphore(%arg9 : memref<!tpu.dma_semaphore, #tpu.memory_space<semaphore_mem>>)
    %dma_start3A_92 = arith.constant 2 : i32
    %dma_start3A_93 = arith.constant 2 : i32
    %dma_start3A_94 = arith.constant 0 : i32
    %dma_start3A_95 = arith.constant 0 : i32
    %dma_start3A_96 = tpu.memref_slice %arg5[%dma_start3A_93, %dma_start3A_94, %dma_start3A_95] : memref<4x2x64xi32, #tpu.memory_space<vmem>> -> memref<1x2x64xi32, #tpu.memory_space<vmem>>
    %dma_start3A_97 = tpu.memref_squeeze %dma_start3A_96 : memref<1x2x64xi32, #tpu.memory_space<vmem>> -> memref<2x64xi32, #tpu.memory_space<vmem>>
    %dma_start3A_98 = arith.constant 0 : i32
    %dma_start3A_99 = arith.constant 0 : i32
    %dma_start3A_100 = tpu.memref_slice %arg3[%add3A, %dma_start3A_92, %dma_start3A_98, %dma_start3A_99] : memref<32x160x2x64xi32, #tpu.memory_space<hbm>> -> memref<1x1x2x64xi32, #tpu.memory_space<hbm>>
    %dma_start3A_101 = tpu.memref_squeeze %dma_start3A_100 : memref<1x1x2x64xi32, #tpu.memory_space<hbm>> -> memref<2x64xi32, #tpu.memory_space<hbm>>
    %dma_start3A_102 = arith.constant 0 : i32
    %dma_start3A_103 = arith.constant 0 : i32
    %dma_start3A_104 = tpu.memref_slice %arg5[%dma_start3A_93, %dma_start3A_102, %dma_start3A_103] : memref<4x2x64xi32, #tpu.memory_space<vmem>> -> memref<1x2x64xi32, #tpu.memory_space<vmem>>
    %dma_start3A_105 = tpu.memref_squeeze %dma_start3A_104 : memref<1x2x64xi32, #tpu.memory_space<vmem>> -> memref<2x64xi32, #tpu.memory_space<vmem>>
    %dma_start3A_106 = arith.constant 0 : i32
    %dma_start3A_107 = arith.constant 0 : i32
    %dma_start3A_108 = tpu.memref_slice %arg3[%add3A, %dma_start3A_92, %dma_start3A_106, %dma_start3A_107] : memref<32x160x2x64xi32, #tpu.memory_space<hbm>> -> memref<1x1x2x64xi32, #tpu.memory_space<hbm>>
    %dma_start3A_109 = tpu.memref_squeeze %dma_start3A_108 : memref<1x1x2x64xi32, #tpu.memory_space<hbm>> -> memref<2x64xi32, #tpu.memory_space<hbm>>
    tpu.enqueue_dma source(%dma_start3A_109 : memref<2x64xi32, #tpu.memory_space<hbm>>) target(%dma_start3A_105 : memref<2x64xi32, #tpu.memory_space<vmem>>) target_semaphore(%arg10 : memref<!tpu.dma_semaphore, #tpu.memory_space<semaphore_mem>>)
    %dma_start3A_110 = arith.constant 3 : i32
    %dma_start3A_111 = arith.constant 3 : i32
    %dma_start3A_112 = arith.constant 0 : i32
    %dma_start3A_113 = arith.constant 0 : i32
    %dma_start3A_114 = tpu.memref_slice %arg5[%dma_start3A_111, %dma_start3A_112, %dma_start3A_113] : memref<4x2x64xi32, #tpu.memory_space<vmem>> -> memref<1x2x64xi32, #tpu.memory_space<vmem>>
    %dma_start3A_115 = tpu.memref_squeeze %dma_start3A_114 : memref<1x2x64xi32, #tpu.memory_space<vmem>> -> memref<2x64xi32, #tpu.memory_space<vmem>>
    %dma_start3A_116 = arith.constant 0 : i32
    %dma_start3A_117 = arith.constant 0 : i32
    %dma_start3A_118 = tpu.memref_slice %arg3[%add3A, %dma_start3A_110, %dma_start3A_116, %dma_start3A_117] : memref<32x160x2x64xi32, #tpu.memory_space<hbm>> -> memref<1x1x2x64xi32, #tpu.memory_space<hbm>>
    %dma_start3A_119 = tpu.memref_squeeze %dma_start3A_118 : memref<1x1x2x64xi32, #tpu.memory_space<hbm>> -> memref<2x64xi32, #tpu.memory_space<hbm>>
    %dma_start3A_120 = arith.constant 0 : i32
    %dma_start3A_121 = arith.constant 0 : i32
    %dma_start3A_122 = tpu.memref_slice %arg5[%dma_start3A_111, %dma_start3A_120, %dma_start3A_121] : memref<4x2x64xi32, #tpu.memory_space<vmem>> -> memref<1x2x64xi32, #tpu.memory_space<vmem>>
    %dma_start3A_123 = tpu.memref_squeeze %dma_start3A_122 : memref<1x2x64xi32, #tpu.memory_space<vmem>> -> memref<2x64xi32, #tpu.memory_space<vmem>>
    %dma_start3A_124 = arith.constant 0 : i32
    %dma_start3A_125 = arith.constant 0 : i32
    %dma_start3A_126 = tpu.memref_slice %arg3[%add3A, %dma_start3A_110, %dma_start3A_124, %dma_start3A_125] : memref<32x160x2x64xi32, #tpu.memory_space<hbm>> -> memref<1x1x2x64xi32, #tpu.memory_space<hbm>>
    %dma_start3A_127 = tpu.memref_squeeze %dma_start3A_126 : memref<1x1x2x64xi32, #tpu.memory_space<hbm>> -> memref<2x64xi32, #tpu.memory_space<hbm>>
    tpu.enqueue_dma source(%dma_start3A_127 : memref<2x64xi32, #tpu.memory_space<hbm>>) target(%dma_start3A_123 : memref<2x64xi32, #tpu.memory_space<vmem>>) target_semaphore(%arg11 : memref<!tpu.dma_semaphore, #tpu.memory_space<semaphore_mem>>)
    %dma_wait3A = arith.constant 0 : i32
    %dma_wait3A_128 = arith.constant 0 : i32
    %dma_wait3A_129 = arith.constant 0 : i32
    %dma_wait3A_130 = arith.constant 0 : i32
    %dma_wait3A_131 = tpu.memref_slice %arg5[%dma_wait3A_128, %dma_wait3A_129, %dma_wait3A_130] : memref<4x2x64xi32, #tpu.memory_space<vmem>> -> memref<1x2x64xi32, #tpu.memory_space<vmem>>
    %dma_wait3A_132 = tpu.memref_squeeze %dma_wait3A_131 : memref<1x2x64xi32, #tpu.memory_space<vmem>> -> memref<2x64xi32, #tpu.memory_space<vmem>>
    %dma_wait3A_133 = arith.constant 0 : i32
    %dma_wait3A_134 = arith.constant 0 : i32
    %dma_wait3A_135 = tpu.memref_slice %arg3[%add3A, %dma_wait3A, %dma_wait3A_133, %dma_wait3A_134] : memref<32x160x2x64xi32, #tpu.memory_space<hbm>> -> memref<1x1x2x64xi32, #tpu.memory_space<hbm>>
    %dma_wait3A_136 = tpu.memref_squeeze %dma_wait3A_135 : memref<1x1x2x64xi32, #tpu.memory_space<hbm>> -> memref<2x64xi32, #tpu.memory_space<hbm>>
    %dma_wait3A_137 = arith.constant 0 : i32
    %dma_wait3A_138 = arith.constant 0 : i32
    %dma_wait3A_139 = tpu.memref_slice %arg5[%dma_wait3A_128, %dma_wait3A_137, %dma_wait3A_138] : memref<4x2x64xi32, #tpu.memory_space<vmem>> -> memref<1x2x64xi32, #tpu.memory_space<vmem>>
    %dma_wait3A_140 = tpu.memref_squeeze %dma_wait3A_139 : memref<1x2x64xi32, #tpu.memory_space<vmem>> -> memref<2x64xi32, #tpu.memory_space<vmem>>
    %dma_wait3A_141 = arith.constant 0 : i32
    %dma_wait3A_142 = arith.constant 0 : i32
    %dma_wait3A_143 = tpu.memref_slice %arg3[%add3A, %dma_wait3A, %dma_wait3A_141, %dma_wait3A_142] : memref<32x160x2x64xi32, #tpu.memory_space<hbm>> -> memref<1x1x2x64xi32, #tpu.memory_space<hbm>>
    %dma_wait3A_144 = tpu.memref_squeeze %dma_wait3A_143 : memref<1x1x2x64xi32, #tpu.memory_space<hbm>> -> memref<2x64xi32, #tpu.memory_space<hbm>>
    tpu.wait_dma2 semaphore(%arg8 : memref<!tpu.dma_semaphore, #tpu.memory_space<semaphore_mem>>) src(%dma_wait3A_144 : memref<2x64xi32, #tpu.memory_space<hbm>>) dst(%dma_wait3A_140 : memref<2x64xi32, #tpu.memory_space<vmem>>)
    %dma_start3A_145 = arith.constant 0 : i32
    %dma_start3A_146 = arith.constant 0 : i32
    %dma_start3A_147 = arith.constant 0 : i32
    %dma_start3A_148 = arith.constant 0 : i32
    %dma_start3A_149 = arith.constant 0 : i32
    %dma_start3A_150 = tpu.memref_slice %arg6[%dma_start3A_147, %dma_start3A_148, %dma_start3A_149] : memref<2x64x128xf32, #tpu.memory_space<vmem>> -> memref<1x64x128xf32, #tpu.memory_space<vmem>>
    %dma_start3A_151 = tpu.memref_squeeze %dma_start3A_150 : memref<1x64x128xf32, #tpu.memory_space<vmem>> -> memref<64x128xf32, #tpu.memory_space<vmem>>
    %dma_start3A_152 = arith.constant 0 : i32
    %dma_start3A_153 = tpu.memref_slice %arg5[%dma_start3A_145, %dma_start3A_146, %dma_start3A_152] : memref<4x2x64xi32, #tpu.memory_space<vmem>> -> memref<1x1x64xi32, #tpu.memory_space<vmem>>
    %dma_start3A_154 = tpu.memref_squeeze %dma_start3A_153 : memref<1x1x64xi32, #tpu.memory_space<vmem>> -> memref<64xi32, #tpu.memory_space<vmem>>
    %dma_start3A_155 = arith.constant 0 : i32
    %dma_start3A_156 = arith.constant 0 : i32
    %dma_start3A_157 = tpu.memref_slice %arg2[%dma_start3A_155, %dma_start3A_156] : memref<10240x128xf32, #tpu.memory_space<hbm>> -> memref<10240x128xf32, #tpu.memory_space<hbm>>
    tpu.enqueue_indirect_dma source(%dma_start3A_157 : memref<10240x128xf32, #tpu.memory_space<hbm>>) target(%dma_start3A_151 : memref<64x128xf32, #tpu.memory_space<vmem>>) offsets(%dma_start3A_154 : memref<64xi32, #tpu.memory_space<vmem>>) semaphore(%arg12 : memref<!tpu.dma_semaphore, #tpu.memory_space<semaphore_mem>>)
    %scan3A_158 = arith.constant 0 : i32
    %scan3A_159 = arith.constant 40 : i32
    %scan3A_160 = arith.addi %scan3A_158, %scan3A_159 : i32
    %scan3A_161 = arith.constant 1 : i32
    scf.for %scan3A_177 = %scan3A_158 to %scan3A_160 step %scan3A_161  : i32 {
      %mul3A_178 = arith.constant 4 : i32
      %mul3A_179 = arith.muli %scan3A_177, %mul3A_178 : i32
      %add3A_180 = arith.constant 0 : i32
      %add3A_181 = arith.addi %add3A_180, %mul3A_179 : i32
      %add3A_182 = arith.constant 0 : i32
      %add3A_183 = arith.addi %add3A_181, %add3A_182 : i32
      %dma_wait3A_184 = arith.constant 0 : i32
      %dma_wait3A_185 = arith.constant 0 : i32
      %dma_wait3A_186 = arith.constant 0 : i32
      %dma_wait3A_187 = arith.constant 0 : i32
      %dma_wait3A_188 = arith.constant 0 : i32
      %dma_wait3A_189 = tpu.memref_slice %arg6[%dma_wait3A_186, %dma_wait3A_187, %dma_wait3A_188] : memref<2x64x128xf32, #tpu.memory_space<vmem>> -> memref<1x64x128xf32, #tpu.memory_space<vmem>>
      %dma_wait3A_190 = tpu.memref_squeeze %dma_wait3A_189 : memref<1x64x128xf32, #tpu.memory_space<vmem>> -> memref<64x128xf32, #tpu.memory_space<vmem>>
      %dma_wait3A_191 = arith.constant 0 : i32
      %dma_wait3A_192 = tpu.memref_slice %arg5[%dma_wait3A_184, %dma_wait3A_185, %dma_wait3A_191] : memref<4x2x64xi32, #tpu.memory_space<vmem>> -> memref<1x1x64xi32, #tpu.memory_space<vmem>>
      %dma_wait3A_193 = tpu.memref_squeeze %dma_wait3A_192 : memref<1x1x64xi32, #tpu.memory_space<vmem>> -> memref<64xi32, #tpu.memory_space<vmem>>
      %dma_wait3A_194 = arith.constant 0 : i32
      %dma_wait3A_195 = arith.constant 0 : i32
      %dma_wait3A_196 = tpu.memref_slice %arg2[%dma_wait3A_194, %dma_wait3A_195] : memref<10240x128xf32, #tpu.memory_space<hbm>> -> memref<10240x128xf32, #tpu.memory_space<hbm>>
      tpu.wait_indirect_dma semaphore(%arg12 : memref<!tpu.dma_semaphore, #tpu.memory_space<semaphore_mem>>) src(%dma_wait3A_196 : memref<10240x128xf32, #tpu.memory_space<hbm>>) dst(%dma_wait3A_190 : memref<64x128xf32, #tpu.memory_space<vmem>>)
      %dma_start3A_197 = arith.constant 0 : i32
      %dma_start3A_198 = arith.constant 0 : i32
      %dma_start3A_199 = arith.constant 1 : i32
      %dma_start3A_200 = arith.constant 0 : i32
      %dma_start3A_201 = arith.constant 0 : i32
      %dma_start3A_202 = tpu.memref_slice %arg6[%dma_start3A_197, %dma_start3A_200, %dma_start3A_201] : memref<2x64x128xf32, #tpu.memory_space<vmem>> -> memref<1x64x128xf32, #tpu.memory_space<vmem>>
      %dma_start3A_203 = tpu.memref_squeeze %dma_start3A_202 : memref<1x64x128xf32, #tpu.memory_space<vmem>> -> memref<64x128xf32, #tpu.memory_space<vmem>>
      %dma_start3A_204 = arith.constant 0 : i32
      %dma_start3A_205 = tpu.memref_slice %arg5[%dma_start3A_198, %dma_start3A_199, %dma_start3A_204] : memref<4x2x64xi32, #tpu.memory_space<vmem>> -> memref<1x1x64xi32, #tpu.memory_space<vmem>>
      %dma_start3A_206 = tpu.memref_squeeze %dma_start3A_205 : memref<1x1x64xi32, #tpu.memory_space<vmem>> -> memref<64xi32, #tpu.memory_space<vmem>>
      %dma_start3A_207 = arith.constant 0 : i32
      %dma_start3A_208 = arith.constant 0 : i32
      %dma_start3A_209 = tpu.memref_slice %arg7[%dma_start3A_207, %dma_start3A_208] : memref<10240x128xf32, #tpu.memory_space<vmem_shared>> -> memref<10240x128xf32, #tpu.memory_space<vmem_shared>>
      tpu.enqueue_indirect_dma source(%dma_start3A_203 : memref<64x128xf32, #tpu.memory_space<vmem>>) target(%dma_start3A_209 : memref<10240x128xf32, #tpu.memory_space<vmem_shared>>) offsets(%dma_start3A_206 : memref<64xi32, #tpu.memory_space<vmem>>) semaphore(%arg14 : memref<!tpu.dma_semaphore, #tpu.memory_space<semaphore_mem>>) {add = true}
      %ge3A = arith.constant 1 : i32
      %ge3A_210 = arith.cmpi sge, %add3A_183, %ge3A : i32
      %convert_element_type3A = arith.extui %ge3A_210 : i1 to i32
      %cond3A = arith.constant 0 : i32
      %cond3A_211 = arith.cmpi ne, %convert_element_type3A, %cond3A : i32
      scf.if %cond3A_211 {
        %dma_wait3A_338 = arith.constant 1 : i32
        %dma_wait3A_339 = arith.constant 3 : i32
        %dma_wait3A_340 = arith.constant 1 : i32
        %dma_wait3A_341 = arith.constant 0 : i32
        %dma_wait3A_342 = arith.constant 0 : i32
        %dma_wait3A_343 = tpu.memref_slice %arg6[%dma_wait3A_338, %dma_wait3A_341, %dma_wait3A_342] : memref<2x64x128xf32, #tpu.memory_space<vmem>> -> memref<1x64x128xf32, #tpu.memory_space<vmem>>
        %dma_wait3A_344 = tpu.memref_squeeze %dma_wait3A_343 : memref<1x64x128xf32, #tpu.memory_space<vmem>> -> memref<64x128xf32, #tpu.memory_space<vmem>>
        %dma_wait3A_345 = arith.constant 0 : i32
        %dma_wait3A_346 = tpu.memref_slice %arg5[%dma_wait3A_339, %dma_wait3A_340, %dma_wait3A_345] : memref<4x2x64xi32, #tpu.memory_space<vmem>> -> memref<1x1x64xi32, #tpu.memory_space<vmem>>
        %dma_wait3A_347 = tpu.memref_squeeze %dma_wait3A_346 : memref<1x1x64xi32, #tpu.memory_space<vmem>> -> memref<64xi32, #tpu.memory_space<vmem>>
        %dma_wait3A_348 = arith.constant 0 : i32
        %dma_wait3A_349 = arith.constant 0 : i32
        %dma_wait3A_350 = tpu.memref_slice %arg7[%dma_wait3A_348, %dma_wait3A_349] : memref<10240x128xf32, #tpu.memory_space<vmem_shared>> -> memref<10240x128xf32, #tpu.memory_space<vmem_shared>>
        tpu.wait_indirect_dma semaphore(%arg15 : memref<!tpu.dma_semaphore, #tpu.memory_space<semaphore_mem>>) src(%dma_wait3A_344 : memref<64x128xf32, #tpu.memory_space<vmem>>) dst(%dma_wait3A_350 : memref<10240x128xf32, #tpu.memory_space<vmem_shared>>)
        %add3A_351 = arith.constant 3 : i32
        %add3A_352 = arith.addi %add3A_183, %add3A_351 : i32
        %lt3A_353 = arith.constant 160 : i32
        %lt3A_354 = arith.cmpi slt, %add3A_352, %lt3A_353 : i32
        %convert_element_type3A_355 = arith.extui %lt3A_354 : i1 to i32
        %cond3A_356 = arith.constant 0 : i32
        %cond3A_357 = arith.cmpi ne, %convert_element_type3A_355, %cond3A_356 : i32
        scf.if %cond3A_357 {
          %add3A_358 = arith.constant 3 : i32
          %add3A_359 = arith.addi %add3A_183, %add3A_358 : i32
          %dma_start3A_360 = arith.constant 3 : i32
          %dma_start3A_361 = arith.constant 0 : i32
          %dma_start3A_362 = arith.constant 0 : i32
          %dma_start3A_363 = tpu.memref_slice %arg5[%dma_start3A_360, %dma_start3A_361, %dma_start3A_362] : memref<4x2x64xi32, #tpu.memory_space<vmem>> -> memref<1x2x64xi32, #tpu.memory_space<vmem>>
          %dma_start3A_364 = tpu.memref_squeeze %dma_start3A_363 : memref<1x2x64xi32, #tpu.memory_space<vmem>> -> memref<2x64xi32, #tpu.memory_space<vmem>>
          %dma_start3A_365 = arith.constant 0 : i32
          %dma_start3A_366 = arith.constant 0 : i32
          %dma_start3A_367 = tpu.memref_slice %arg3[%add3A, %add3A_359, %dma_start3A_365, %dma_start3A_366] : memref<32x160x2x64xi32, #tpu.memory_space<hbm>> -> memref<1x1x2x64xi32, #tpu.memory_space<hbm>>
          %dma_start3A_368 = tpu.memref_squeeze %dma_start3A_367 : memref<1x1x2x64xi32, #tpu.memory_space<hbm>> -> memref<2x64xi32, #tpu.memory_space<hbm>>
          %dma_start3A_369 = arith.constant 0 : i32
          %dma_start3A_370 = arith.constant 0 : i32
          %dma_start3A_371 = tpu.memref_slice %arg5[%dma_start3A_360, %dma_start3A_369, %dma_start3A_370] : memref<4x2x64xi32, #tpu.memory_space<vmem>> -> memref<1x2x64xi32, #tpu.memory_space<vmem>>
          %dma_start3A_372 = tpu.memref_squeeze %dma_start3A_371 : memref<1x2x64xi32, #tpu.memory_space<vmem>> -> memref<2x64xi32, #tpu.memory_space<vmem>>
          %dma_start3A_373 = arith.constant 0 : i32
          %dma_start3A_374 = arith.constant 0 : i32
          %dma_start3A_375 = tpu.memref_slice %arg3[%add3A, %add3A_359, %dma_start3A_373, %dma_start3A_374] : memref<32x160x2x64xi32, #tpu.memory_space<hbm>> -> memref<1x1x2x64xi32, #tpu.memory_space<hbm>>
          %dma_start3A_376 = tpu.memref_squeeze %dma_start3A_375 : memref<1x1x2x64xi32, #tpu.memory_space<hbm>> -> memref<2x64xi32, #tpu.memory_space<hbm>>
          tpu.enqueue_dma source(%dma_start3A_376 : memref<2x64xi32, #tpu.memory_space<hbm>>) target(%dma_start3A_372 : memref<2x64xi32, #tpu.memory_space<vmem>>) target_semaphore(%arg11 : memref<!tpu.dma_semaphore, #tpu.memory_space<semaphore_mem>>)
        } else {
        }
      } else {
      }
      %add3A_212 = arith.constant 1 : i32
      %add3A_213 = arith.addi %add3A_183, %add3A_212 : i32
      %lt3A = arith.constant 160 : i32
      %lt3A_214 = arith.cmpi slt, %add3A_213, %lt3A : i32
      %convert_element_type3A_215 = arith.extui %lt3A_214 : i1 to i32
      %cond3A_216 = arith.constant 0 : i32
      %cond3A_217 = arith.cmpi ne, %convert_element_type3A_215, %cond3A_216 : i32
      scf.if %cond3A_217 {
        %add3A_338 = arith.constant 1 : i32
        %add3A_339 = arith.addi %add3A_183, %add3A_338 : i32
        %dma_wait3A_340 = arith.constant 1 : i32
        %dma_wait3A_341 = arith.constant 0 : i32
        %dma_wait3A_342 = arith.constant 0 : i32
        %dma_wait3A_343 = tpu.memref_slice %arg5[%dma_wait3A_340, %dma_wait3A_341, %dma_wait3A_342] : memref<4x2x64xi32, #tpu.memory_space<vmem>> -> memref<1x2x64xi32, #tpu.memory_space<vmem>>
        %dma_wait3A_344 = tpu.memref_squeeze %dma_wait3A_343 : memref<1x2x64xi32, #tpu.memory_space<vmem>> -> memref<2x64xi32, #tpu.memory_space<vmem>>
        %dma_wait3A_345 = arith.constant 0 : i32
        %dma_wait3A_346 = arith.constant 0 : i32
        %dma_wait3A_347 = tpu.memref_slice %arg3[%add3A, %add3A_339, %dma_wait3A_345, %dma_wait3A_346] : memref<32x160x2x64xi32, #tpu.memory_space<hbm>> -> memref<1x1x2x64xi32, #tpu.memory_space<hbm>>
        %dma_wait3A_348 = tpu.memref_squeeze %dma_wait3A_347 : memref<1x1x2x64xi32, #tpu.memory_space<hbm>> -> memref<2x64xi32, #tpu.memory_space<hbm>>
        %dma_wait3A_349 = arith.constant 0 : i32
        %dma_wait3A_350 = arith.constant 0 : i32
        %dma_wait3A_351 = tpu.memref_slice %arg5[%dma_wait3A_340, %dma_wait3A_349, %dma_wait3A_350] : memref<4x2x64xi32, #tpu.memory_space<vmem>> -> memref<1x2x64xi32, #tpu.memory_space<vmem>>
        %dma_wait3A_352 = tpu.memref_squeeze %dma_wait3A_351 : memref<1x2x64xi32, #tpu.memory_space<vmem>> -> memref<2x64xi32, #tpu.memory_space<vmem>>
        %dma_wait3A_353 = arith.constant 0 : i32
        %dma_wait3A_354 = arith.constant 0 : i32
        %dma_wait3A_355 = tpu.memref_slice %arg3[%add3A, %add3A_339, %dma_wait3A_353, %dma_wait3A_354] : memref<32x160x2x64xi32, #tpu.memory_space<hbm>> -> memref<1x1x2x64xi32, #tpu.memory_space<hbm>>
        %dma_wait3A_356 = tpu.memref_squeeze %dma_wait3A_355 : memref<1x1x2x64xi32, #tpu.memory_space<hbm>> -> memref<2x64xi32, #tpu.memory_space<hbm>>
        tpu.wait_dma2 semaphore(%arg9 : memref<!tpu.dma_semaphore, #tpu.memory_space<semaphore_mem>>) src(%dma_wait3A_356 : memref<2x64xi32, #tpu.memory_space<hbm>>) dst(%dma_wait3A_352 : memref<2x64xi32, #tpu.memory_space<vmem>>)
        %dma_start3A_357 = arith.constant 1 : i32
        %dma_start3A_358 = arith.constant 0 : i32
        %dma_start3A_359 = arith.constant 1 : i32
        %dma_start3A_360 = arith.constant 0 : i32
        %dma_start3A_361 = arith.constant 0 : i32
        %dma_start3A_362 = tpu.memref_slice %arg6[%dma_start3A_359, %dma_start3A_360, %dma_start3A_361] : memref<2x64x128xf32, #tpu.memory_space<vmem>> -> memref<1x64x128xf32, #tpu.memory_space<vmem>>
        %dma_start3A_363 = tpu.memref_squeeze %dma_start3A_362 : memref<1x64x128xf32, #tpu.memory_space<vmem>> -> memref<64x128xf32, #tpu.memory_space<vmem>>
        %dma_start3A_364 = arith.constant 0 : i32
        %dma_start3A_365 = tpu.memref_slice %arg5[%dma_start3A_357, %dma_start3A_358, %dma_start3A_364] : memref<4x2x64xi32, #tpu.memory_space<vmem>> -> memref<1x1x64xi32, #tpu.memory_space<vmem>>
        %dma_start3A_366 = tpu.memref_squeeze %dma_start3A_365 : memref<1x1x64xi32, #tpu.memory_space<vmem>> -> memref<64xi32, #tpu.memory_space<vmem>>
        %dma_start3A_367 = arith.constant 0 : i32
        %dma_start3A_368 = arith.constant 0 : i32
        %dma_start3A_369 = tpu.memref_slice %arg2[%dma_start3A_367, %dma_start3A_368] : memref<10240x128xf32, #tpu.memory_space<hbm>> -> memref<10240x128xf32, #tpu.memory_space<hbm>>
        tpu.enqueue_indirect_dma source(%dma_start3A_369 : memref<10240x128xf32, #tpu.memory_space<hbm>>) target(%dma_start3A_363 : memref<64x128xf32, #tpu.memory_space<vmem>>) offsets(%dma_start3A_366 : memref<64xi32, #tpu.memory_space<vmem>>) semaphore(%arg13 : memref<!tpu.dma_semaphore, #tpu.memory_space<semaphore_mem>>)
      } else {
      }
      %add3A_218 = arith.constant 1 : i32
      %add3A_219 = arith.addi %add3A_181, %add3A_218 : i32
      %dma_wait3A_220 = arith.constant 1 : i32
      %dma_wait3A_221 = arith.constant 0 : i32
      %dma_wait3A_222 = arith.constant 1 : i32
      %dma_wait3A_223 = arith.constant 0 : i32
      %dma_wait3A_224 = arith.constant 0 : i32
      %dma_wait3A_225 = tpu.memref_slice %arg6[%dma_wait3A_222, %dma_wait3A_223, %dma_wait3A_224] : memref<2x64x128xf32, #tpu.memory_space<vmem>> -> memref<1x64x128xf32, #tpu.memory_space<vmem>>
      %dma_wait3A_226 = tpu.memref_squeeze %dma_wait3A_225 : memref<1x64x128xf32, #tpu.memory_space<vmem>> -> memref<64x128xf32, #tpu.memory_space<vmem>>
      %dma_wait3A_227 = arith.constant 0 : i32
      %dma_wait3A_228 = tpu.memref_slice %arg5[%dma_wait3A_220, %dma_wait3A_221, %dma_wait3A_227] : memref<4x2x64xi32, #tpu.memory_space<vmem>> -> memref<1x1x64xi32, #tpu.memory_space<vmem>>
      %dma_wait3A_229 = tpu.memref_squeeze %dma_wait3A_228 : memref<1x1x64xi32, #tpu.memory_space<vmem>> -> memref<64xi32, #tpu.memory_space<vmem>>
      %dma_wait3A_230 = arith.constant 0 : i32
      %dma_wait3A_231 = arith.constant 0 : i32
      %dma_wait3A_232 = tpu.memref_slice %arg2[%dma_wait3A_230, %dma_wait3A_231] : memref<10240x128xf32, #tpu.memory_space<hbm>> -> memref<10240x128xf32, #tpu.memory_space<hbm>>
      tpu.wait_indirect_dma semaphore(%arg13 : memref<!tpu.dma_semaphore, #tpu.memory_space<semaphore_mem>>) src(%dma_wait3A_232 : memref<10240x128xf32, #tpu.memory_space<hbm>>) dst(%dma_wait3A_226 : memref<64x128xf32, #tpu.memory_space<vmem>>)
      %dma_start3A_233 = arith.constant 1 : i32
      %dma_start3A_234 = arith.constant 1 : i32
      %dma_start3A_235 = arith.constant 1 : i32
      %dma_start3A_236 = arith.constant 0 : i32
      %dma_start3A_237 = arith.constant 0 : i32
      %dma_start3A_238 = tpu.memref_slice %arg6[%dma_start3A_233, %dma_start3A_236, %dma_start3A_237] : memref<2x64x128xf32, #tpu.memory_space<vmem>> -> memref<1x64x128xf32, #tpu.memory_space<vmem>>
      %dma_start3A_239 = tpu.memref_squeeze %dma_start3A_238 : memref<1x64x128xf32, #tpu.memory_space<vmem>> -> memref<64x128xf32, #tpu.memory_space<vmem>>
      %dma_start3A_240 = arith.constant 0 : i32
      %dma_start3A_241 = tpu.memref_slice %arg5[%dma_start3A_234, %dma_start3A_235, %dma_start3A_240] : memref<4x2x64xi32, #tpu.memory_space<vmem>> -> memref<1x1x64xi32, #tpu.memory_space<vmem>>
      %dma_start3A_242 = tpu.memref_squeeze %dma_start3A_241 : memref<1x1x64xi32, #tpu.memory_space<vmem>> -> memref<64xi32, #tpu.memory_space<vmem>>
      %dma_start3A_243 = arith.constant 0 : i32
      %dma_start3A_244 = arith.constant 0 : i32
      %dma_start3A_245 = tpu.memref_slice %arg7[%dma_start3A_243, %dma_start3A_244] : memref<10240x128xf32, #tpu.memory_space<vmem_shared>> -> memref<10240x128xf32, #tpu.memory_space<vmem_shared>>
      tpu.enqueue_indirect_dma source(%dma_start3A_239 : memref<64x128xf32, #tpu.memory_space<vmem>>) target(%dma_start3A_245 : memref<10240x128xf32, #tpu.memory_space<vmem_shared>>) offsets(%dma_start3A_242 : memref<64xi32, #tpu.memory_space<vmem>>) semaphore(%arg15 : memref<!tpu.dma_semaphore, #tpu.memory_space<semaphore_mem>>) {add = true}
      %ge3A_246 = arith.constant 1 : i32
      %ge3A_247 = arith.cmpi sge, %add3A_219, %ge3A_246 : i32
      %convert_element_type3A_248 = arith.extui %ge3A_247 : i1 to i32
      %cond3A_249 = arith.constant 0 : i32
      %cond3A_250 = arith.cmpi ne, %convert_element_type3A_248, %cond3A_249 : i32
      scf.if %cond3A_250 {
        %dma_wait3A_338 = arith.constant 0 : i32
        %dma_wait3A_339 = arith.constant 0 : i32
        %dma_wait3A_340 = arith.constant 1 : i32
        %dma_wait3A_341 = arith.constant 0 : i32
        %dma_wait3A_342 = arith.constant 0 : i32
        %dma_wait3A_343 = tpu.memref_slice %arg6[%dma_wait3A_338, %dma_wait3A_341, %dma_wait3A_342] : memref<2x64x128xf32, #tpu.memory_space<vmem>> -> memref<1x64x128xf32, #tpu.memory_space<vmem>>
        %dma_wait3A_344 = tpu.memref_squeeze %dma_wait3A_343 : memref<1x64x128xf32, #tpu.memory_space<vmem>> -> memref<64x128xf32, #tpu.memory_space<vmem>>
        %dma_wait3A_345 = arith.constant 0 : i32
        %dma_wait3A_346 = tpu.memref_slice %arg5[%dma_wait3A_339, %dma_wait3A_340, %dma_wait3A_345] : memref<4x2x64xi32, #tpu.memory_space<vmem>> -> memref<1x1x64xi32, #tpu.memory_space<vmem>>
        %dma_wait3A_347 = tpu.memref_squeeze %dma_wait3A_346 : memref<1x1x64xi32, #tpu.memory_space<vmem>> -> memref<64xi32, #tpu.memory_space<vmem>>
        %dma_wait3A_348 = arith.constant 0 : i32
        %dma_wait3A_349 = arith.constant 0 : i32
        %dma_wait3A_350 = tpu.memref_slice %arg7[%dma_wait3A_348, %dma_wait3A_349] : memref<10240x128xf32, #tpu.memory_space<vmem_shared>> -> memref<10240x128xf32, #tpu.memory_space<vmem_shared>>
        tpu.wait_indirect_dma semaphore(%arg14 : memref<!tpu.dma_semaphore, #tpu.memory_space<semaphore_mem>>) src(%dma_wait3A_344 : memref<64x128xf32, #tpu.memory_space<vmem>>) dst(%dma_wait3A_350 : memref<10240x128xf32, #tpu.memory_space<vmem_shared>>)
        %add3A_351 = arith.constant 3 : i32
        %add3A_352 = arith.addi %add3A_219, %add3A_351 : i32
        %lt3A_353 = arith.constant 160 : i32
        %lt3A_354 = arith.cmpi slt, %add3A_352, %lt3A_353 : i32
        %convert_element_type3A_355 = arith.extui %lt3A_354 : i1 to i32
        %cond3A_356 = arith.constant 0 : i32
        %cond3A_357 = arith.cmpi ne, %convert_element_type3A_355, %cond3A_356 : i32
        scf.if %cond3A_357 {
          %add3A_358 = arith.constant 3 : i32
          %add3A_359 = arith.addi %add3A_219, %add3A_358 : i32
          %dma_start3A_360 = arith.constant 0 : i32
          %dma_start3A_361 = arith.constant 0 : i32
          %dma_start3A_362 = arith.constant 0 : i32
          %dma_start3A_363 = tpu.memref_slice %arg5[%dma_start3A_360, %dma_start3A_361, %dma_start3A_362] : memref<4x2x64xi32, #tpu.memory_space<vmem>> -> memref<1x2x64xi32, #tpu.memory_space<vmem>>
          %dma_start3A_364 = tpu.memref_squeeze %dma_start3A_363 : memref<1x2x64xi32, #tpu.memory_space<vmem>> -> memref<2x64xi32, #tpu.memory_space<vmem>>
          %dma_start3A_365 = arith.constant 0 : i32
          %dma_start3A_366 = arith.constant 0 : i32
          %dma_start3A_367 = tpu.memref_slice %arg3[%add3A, %add3A_359, %dma_start3A_365, %dma_start3A_366] : memref<32x160x2x64xi32, #tpu.memory_space<hbm>> -> memref<1x1x2x64xi32, #tpu.memory_space<hbm>>
          %dma_start3A_368 = tpu.memref_squeeze %dma_start3A_367 : memref<1x1x2x64xi32, #tpu.memory_space<hbm>> -> memref<2x64xi32, #tpu.memory_space<hbm>>
          %dma_start3A_369 = arith.constant 0 : i32
          %dma_start3A_370 = arith.constant 0 : i32
          %dma_start3A_371 = tpu.memref_slice %arg5[%dma_start3A_360, %dma_start3A_369, %dma_start3A_370] : memref<4x2x64xi32, #tpu.memory_space<vmem>> -> memref<1x2x64xi32, #tpu.memory_space<vmem>>
          %dma_start3A_372 = tpu.memref_squeeze %dma_start3A_371 : memref<1x2x64xi32, #tpu.memory_space<vmem>> -> memref<2x64xi32, #tpu.memory_space<vmem>>
          %dma_start3A_373 = arith.constant 0 : i32
          %dma_start3A_374 = arith.constant 0 : i32
          %dma_start3A_375 = tpu.memref_slice %arg3[%add3A, %add3A_359, %dma_start3A_373, %dma_start3A_374] : memref<32x160x2x64xi32, #tpu.memory_space<hbm>> -> memref<1x1x2x64xi32, #tpu.memory_space<hbm>>
          %dma_start3A_376 = tpu.memref_squeeze %dma_start3A_375 : memref<1x1x2x64xi32, #tpu.memory_space<hbm>> -> memref<2x64xi32, #tpu.memory_space<hbm>>
          tpu.enqueue_dma source(%dma_start3A_376 : memref<2x64xi32, #tpu.memory_space<hbm>>) target(%dma_start3A_372 : memref<2x64xi32, #tpu.memory_space<vmem>>) target_semaphore(%arg8 : memref<!tpu.dma_semaphore, #tpu.memory_space<semaphore_mem>>)
        } else {
        }
      } else {
      }
      %add3A_251 = arith.constant 1 : i32
      %add3A_252 = arith.addi %add3A_219, %add3A_251 : i32
      %lt3A_253 = arith.constant 160 : i32
      %lt3A_254 = arith.cmpi slt, %add3A_252, %lt3A_253 : i32
      %convert_element_type3A_255 = arith.extui %lt3A_254 : i1 to i32
      %cond3A_256 = arith.constant 0 : i32
      %cond3A_257 = arith.cmpi ne, %convert_element_type3A_255, %cond3A_256 : i32
      scf.if %cond3A_257 {
        %add3A_338 = arith.constant 1 : i32
        %add3A_339 = arith.addi %add3A_219, %add3A_338 : i32
        %dma_wait3A_340 = arith.constant 2 : i32
        %dma_wait3A_341 = arith.constant 0 : i32
        %dma_wait3A_342 = arith.constant 0 : i32
        %dma_wait3A_343 = tpu.memref_slice %arg5[%dma_wait3A_340, %dma_wait3A_341, %dma_wait3A_342] : memref<4x2x64xi32, #tpu.memory_space<vmem>> -> memref<1x2x64xi32, #tpu.memory_space<vmem>>
        %dma_wait3A_344 = tpu.memref_squeeze %dma_wait3A_343 : memref<1x2x64xi32, #tpu.memory_space<vmem>> -> memref<2x64xi32, #tpu.memory_space<vmem>>
        %dma_wait3A_345 = arith.constant 0 : i32
        %dma_wait3A_346 = arith.constant 0 : i32
        %dma_wait3A_347 = tpu.memref_slice %arg3[%add3A, %add3A_339, %dma_wait3A_345, %dma_wait3A_346] : memref<32x160x2x64xi32, #tpu.memory_space<hbm>> -> memref<1x1x2x64xi32, #tpu.memory_space<hbm>>
        %dma_wait3A_348 = tpu.memref_squeeze %dma_wait3A_347 : memref<1x1x2x64xi32, #tpu.memory_space<hbm>> -> memref<2x64xi32, #tpu.memory_space<hbm>>
        %dma_wait3A_349 = arith.constant 0 : i32
        %dma_wait3A_350 = arith.constant 0 : i32
        %dma_wait3A_351 = tpu.memref_slice %arg5[%dma_wait3A_340, %dma_wait3A_349, %dma_wait3A_350] : memref<4x2x64xi32, #tpu.memory_space<vmem>> -> memref<1x2x64xi32, #tpu.memory_space<vmem>>
        %dma_wait3A_352 = tpu.memref_squeeze %dma_wait3A_351 : memref<1x2x64xi32, #tpu.memory_space<vmem>> -> memref<2x64xi32, #tpu.memory_space<vmem>>
        %dma_wait3A_353 = arith.constant 0 : i32
        %dma_wait3A_354 = arith.constant 0 : i32
        %dma_wait3A_355 = tpu.memref_slice %arg3[%add3A, %add3A_339, %dma_wait3A_353, %dma_wait3A_354] : memref<32x160x2x64xi32, #tpu.memory_space<hbm>> -> memref<1x1x2x64xi32, #tpu.memory_space<hbm>>
        %dma_wait3A_356 = tpu.memref_squeeze %dma_wait3A_355 : memref<1x1x2x64xi32, #tpu.memory_space<hbm>> -> memref<2x64xi32, #tpu.memory_space<hbm>>
        tpu.wait_dma2 semaphore(%arg10 : memref<!tpu.dma_semaphore, #tpu.memory_space<semaphore_mem>>) src(%dma_wait3A_356 : memref<2x64xi32, #tpu.memory_space<hbm>>) dst(%dma_wait3A_352 : memref<2x64xi32, #tpu.memory_space<vmem>>)
        %dma_start3A_357 = arith.constant 2 : i32
        %dma_start3A_358 = arith.constant 0 : i32
        %dma_start3A_359 = arith.constant 0 : i32
        %dma_start3A_360 = arith.constant 0 : i32
        %dma_start3A_361 = arith.constant 0 : i32
        %dma_start3A_362 = tpu.memref_slice %arg6[%dma_start3A_359, %dma_start3A_360, %dma_start3A_361] : memref<2x64x128xf32, #tpu.memory_space<vmem>> -> memref<1x64x128xf32, #tpu.memory_space<vmem>>
        %dma_start3A_363 = tpu.memref_squeeze %dma_start3A_362 : memref<1x64x128xf32, #tpu.memory_space<vmem>> -> memref<64x128xf32, #tpu.memory_space<vmem>>
        %dma_start3A_364 = arith.constant 0 : i32
        %dma_start3A_365 = tpu.memref_slice %arg5[%dma_start3A_357, %dma_start3A_358, %dma_start3A_364] : memref<4x2x64xi32, #tpu.memory_space<vmem>> -> memref<1x1x64xi32, #tpu.memory_space<vmem>>
        %dma_start3A_366 = tpu.memref_squeeze %dma_start3A_365 : memref<1x1x64xi32, #tpu.memory_space<vmem>> -> memref<64xi32, #tpu.memory_space<vmem>>
        %dma_start3A_367 = arith.constant 0 : i32
        %dma_start3A_368 = arith.constant 0 : i32
        %dma_start3A_369 = tpu.memref_slice %arg2[%dma_start3A_367, %dma_start3A_368] : memref<10240x128xf32, #tpu.memory_space<hbm>> -> memref<10240x128xf32, #tpu.memory_space<hbm>>
        tpu.enqueue_indirect_dma source(%dma_start3A_369 : memref<10240x128xf32, #tpu.memory_space<hbm>>) target(%dma_start3A_363 : memref<64x128xf32, #tpu.memory_space<vmem>>) offsets(%dma_start3A_366 : memref<64xi32, #tpu.memory_space<vmem>>) semaphore(%arg12 : memref<!tpu.dma_semaphore, #tpu.memory_space<semaphore_mem>>)
      } else {
      }
      %add3A_258 = arith.constant 2 : i32
      %add3A_259 = arith.addi %add3A_181, %add3A_258 : i32
      %dma_wait3A_260 = arith.constant 2 : i32
      %dma_wait3A_261 = arith.constant 0 : i32
      %dma_wait3A_262 = arith.constant 0 : i32
      %dma_wait3A_263 = arith.constant 0 : i32
      %dma_wait3A_264 = arith.constant 0 : i32
      %dma_wait3A_265 = tpu.memref_slice %arg6[%dma_wait3A_262, %dma_wait3A_263, %dma_wait3A_264] : memref<2x64x128xf32, #tpu.memory_space<vmem>> -> memref<1x64x128xf32, #tpu.memory_space<vmem>>
      %dma_wait3A_266 = tpu.memref_squeeze %dma_wait3A_265 : memref<1x64x128xf32, #tpu.memory_space<vmem>> -> memref<64x128xf32, #tpu.memory_space<vmem>>
      %dma_wait3A_267 = arith.constant 0 : i32
      %dma_wait3A_268 = tpu.memref_slice %arg5[%dma_wait3A_260, %dma_wait3A_261, %dma_wait3A_267] : memref<4x2x64xi32, #tpu.memory_space<vmem>> -> memref<1x1x64xi32, #tpu.memory_space<vmem>>
      %dma_wait3A_269 = tpu.memref_squeeze %dma_wait3A_268 : memref<1x1x64xi32, #tpu.memory_space<vmem>> -> memref<64xi32, #tpu.memory_space<vmem>>
      %dma_wait3A_270 = arith.constant 0 : i32
      %dma_wait3A_271 = arith.constant 0 : i32
      %dma_wait3A_272 = tpu.memref_slice %arg2[%dma_wait3A_270, %dma_wait3A_271] : memref<10240x128xf32, #tpu.memory_space<hbm>> -> memref<10240x128xf32, #tpu.memory_space<hbm>>
      tpu.wait_indirect_dma semaphore(%arg12 : memref<!tpu.dma_semaphore, #tpu.memory_space<semaphore_mem>>) src(%dma_wait3A_272 : memref<10240x128xf32, #tpu.memory_space<hbm>>) dst(%dma_wait3A_266 : memref<64x128xf32, #tpu.memory_space<vmem>>)
      %dma_start3A_273 = arith.constant 0 : i32
      %dma_start3A_274 = arith.constant 2 : i32
      %dma_start3A_275 = arith.constant 1 : i32
      %dma_start3A_276 = arith.constant 0 : i32
      %dma_start3A_277 = arith.constant 0 : i32
      %dma_start3A_278 = tpu.memref_slice %arg6[%dma_start3A_273, %dma_start3A_276, %dma_start3A_277] : memref<2x64x128xf32, #tpu.memory_space<vmem>> -> memref<1x64x128xf32, #tpu.memory_space<vmem>>
      %dma_start3A_279 = tpu.memref_squeeze %dma_start3A_278 : memref<1x64x128xf32, #tpu.memory_space<vmem>> -> memref<64x128xf32, #tpu.memory_space<vmem>>
      %dma_start3A_280 = arith.constant 0 : i32
      %dma_start3A_281 = tpu.memref_slice %arg5[%dma_start3A_274, %dma_start3A_275, %dma_start3A_280] : memref<4x2x64xi32, #tpu.memory_space<vmem>> -> memref<1x1x64xi32, #tpu.memory_space<vmem>>
      %dma_start3A_282 = tpu.memref_squeeze %dma_start3A_281 : memref<1x1x64xi32, #tpu.memory_space<vmem>> -> memref<64xi32, #tpu.memory_space<vmem>>
      %dma_start3A_283 = arith.constant 0 : i32
      %dma_start3A_284 = arith.constant 0 : i32
      %dma_start3A_285 = tpu.memref_slice %arg7[%dma_start3A_283, %dma_start3A_284] : memref<10240x128xf32, #tpu.memory_space<vmem_shared>> -> memref<10240x128xf32, #tpu.memory_space<vmem_shared>>
      tpu.enqueue_indirect_dma source(%dma_start3A_279 : memref<64x128xf32, #tpu.memory_space<vmem>>) target(%dma_start3A_285 : memref<10240x128xf32, #tpu.memory_space<vmem_shared>>) offsets(%dma_start3A_282 : memref<64xi32, #tpu.memory_space<vmem>>) semaphore(%arg14 : memref<!tpu.dma_semaphore, #tpu.memory_space<semaphore_mem>>) {add = true}
      %ge3A_286 = arith.constant 1 : i32
      %ge3A_287 = arith.cmpi sge, %add3A_259, %ge3A_286 : i32
      %convert_element_type3A_288 = arith.extui %ge3A_287 : i1 to i32
      %cond3A_289 = arith.constant 0 : i32
      %cond3A_290 = arith.cmpi ne, %convert_element_type3A_288, %cond3A_289 : i32
      scf.if %cond3A_290 {
        %dma_wait3A_338 = arith.constant 1 : i32
        %dma_wait3A_339 = arith.constant 1 : i32
        %dma_wait3A_340 = arith.constant 1 : i32
        %dma_wait3A_341 = arith.constant 0 : i32
        %dma_wait3A_342 = arith.constant 0 : i32
        %dma_wait3A_343 = tpu.memref_slice %arg6[%dma_wait3A_338, %dma_wait3A_341, %dma_wait3A_342] : memref<2x64x128xf32, #tpu.memory_space<vmem>> -> memref<1x64x128xf32, #tpu.memory_space<vmem>>
        %dma_wait3A_344 = tpu.memref_squeeze %dma_wait3A_343 : memref<1x64x128xf32, #tpu.memory_space<vmem>> -> memref<64x128xf32, #tpu.memory_space<vmem>>
        %dma_wait3A_345 = arith.constant 0 : i32
        %dma_wait3A_346 = tpu.memref_slice %arg5[%dma_wait3A_339, %dma_wait3A_340, %dma_wait3A_345] : memref<4x2x64xi32, #tpu.memory_space<vmem>> -> memref<1x1x64xi32, #tpu.memory_space<vmem>>
        %dma_wait3A_347 = tpu.memref_squeeze %dma_wait3A_346 : memref<1x1x64xi32, #tpu.memory_space<vmem>> -> memref<64xi32, #tpu.memory_space<vmem>>
        %dma_wait3A_348 = arith.constant 0 : i32
        %dma_wait3A_349 = arith.constant 0 : i32
        %dma_wait3A_350 = tpu.memref_slice %arg7[%dma_wait3A_348, %dma_wait3A_349] : memref<10240x128xf32, #tpu.memory_space<vmem_shared>> -> memref<10240x128xf32, #tpu.memory_space<vmem_shared>>
        tpu.wait_indirect_dma semaphore(%arg15 : memref<!tpu.dma_semaphore, #tpu.memory_space<semaphore_mem>>) src(%dma_wait3A_344 : memref<64x128xf32, #tpu.memory_space<vmem>>) dst(%dma_wait3A_350 : memref<10240x128xf32, #tpu.memory_space<vmem_shared>>)
        %add3A_351 = arith.constant 3 : i32
        %add3A_352 = arith.addi %add3A_259, %add3A_351 : i32
        %lt3A_353 = arith.constant 160 : i32
        %lt3A_354 = arith.cmpi slt, %add3A_352, %lt3A_353 : i32
        %convert_element_type3A_355 = arith.extui %lt3A_354 : i1 to i32
        %cond3A_356 = arith.constant 0 : i32
        %cond3A_357 = arith.cmpi ne, %convert_element_type3A_355, %cond3A_356 : i32
        scf.if %cond3A_357 {
          %add3A_358 = arith.constant 3 : i32
          %add3A_359 = arith.addi %add3A_259, %add3A_358 : i32
          %dma_start3A_360 = arith.constant 1 : i32
          %dma_start3A_361 = arith.constant 0 : i32
          %dma_start3A_362 = arith.constant 0 : i32
          %dma_start3A_363 = tpu.memref_slice %arg5[%dma_start3A_360, %dma_start3A_361, %dma_start3A_362] : memref<4x2x64xi32, #tpu.memory_space<vmem>> -> memref<1x2x64xi32, #tpu.memory_space<vmem>>
          %dma_start3A_364 = tpu.memref_squeeze %dma_start3A_363 : memref<1x2x64xi32, #tpu.memory_space<vmem>> -> memref<2x64xi32, #tpu.memory_space<vmem>>
          %dma_start3A_365 = arith.constant 0 : i32
          %dma_start3A_366 = arith.constant 0 : i32
          %dma_start3A_367 = tpu.memref_slice %arg3[%add3A, %add3A_359, %dma_start3A_365, %dma_start3A_366] : memref<32x160x2x64xi32, #tpu.memory_space<hbm>> -> memref<1x1x2x64xi32, #tpu.memory_space<hbm>>
          %dma_start3A_368 = tpu.memref_squeeze %dma_start3A_367 : memref<1x1x2x64xi32, #tpu.memory_space<hbm>> -> memref<2x64xi32, #tpu.memory_space<hbm>>
          %dma_start3A_369 = arith.constant 0 : i32
          %dma_start3A_370 = arith.constant 0 : i32
          %dma_start3A_371 = tpu.memref_slice %arg5[%dma_start3A_360, %dma_start3A_369, %dma_start3A_370] : memref<4x2x64xi32, #tpu.memory_space<vmem>> -> memref<1x2x64xi32, #tpu.memory_space<vmem>>
          %dma_start3A_372 = tpu.memref_squeeze %dma_start3A_371 : memref<1x2x64xi32, #tpu.memory_space<vmem>> -> memref<2x64xi32, #tpu.memory_space<vmem>>
          %dma_start3A_373 = arith.constant 0 : i32
          %dma_start3A_374 = arith.constant 0 : i32
          %dma_start3A_375 = tpu.memref_slice %arg3[%add3A, %add3A_359, %dma_start3A_373, %dma_start3A_374] : memref<32x160x2x64xi32, #tpu.memory_space<hbm>> -> memref<1x1x2x64xi32, #tpu.memory_space<hbm>>
          %dma_start3A_376 = tpu.memref_squeeze %dma_start3A_375 : memref<1x1x2x64xi32, #tpu.memory_space<hbm>> -> memref<2x64xi32, #tpu.memory_space<hbm>>
          tpu.enqueue_dma source(%dma_start3A_376 : memref<2x64xi32, #tpu.memory_space<hbm>>) target(%dma_start3A_372 : memref<2x64xi32, #tpu.memory_space<vmem>>) target_semaphore(%arg9 : memref<!tpu.dma_semaphore, #tpu.memory_space<semaphore_mem>>)
        } else {
        }
      } else {
      }
      %add3A_291 = arith.constant 1 : i32
      %add3A_292 = arith.addi %add3A_259, %add3A_291 : i32
      %lt3A_293 = arith.constant 160 : i32
      %lt3A_294 = arith.cmpi slt, %add3A_292, %lt3A_293 : i32
      %convert_element_type3A_295 = arith.extui %lt3A_294 : i1 to i32
      %cond3A_296 = arith.constant 0 : i32
      %cond3A_297 = arith.cmpi ne, %convert_element_type3A_295, %cond3A_296 : i32
      scf.if %cond3A_297 {
        %add3A_338 = arith.constant 1 : i32
        %add3A_339 = arith.addi %add3A_259, %add3A_338 : i32
        %dma_wait3A_340 = arith.constant 3 : i32
        %dma_wait3A_341 = arith.constant 0 : i32
        %dma_wait3A_342 = arith.constant 0 : i32
        %dma_wait3A_343 = tpu.memref_slice %arg5[%dma_wait3A_340, %dma_wait3A_341, %dma_wait3A_342] : memref<4x2x64xi32, #tpu.memory_space<vmem>> -> memref<1x2x64xi32, #tpu.memory_space<vmem>>
        %dma_wait3A_344 = tpu.memref_squeeze %dma_wait3A_343 : memref<1x2x64xi32, #tpu.memory_space<vmem>> -> memref<2x64xi32, #tpu.memory_space<vmem>>
        %dma_wait3A_345 = arith.constant 0 : i32
        %dma_wait3A_346 = arith.constant 0 : i32
        %dma_wait3A_347 = tpu.memref_slice %arg3[%add3A, %add3A_339, %dma_wait3A_345, %dma_wait3A_346] : memref<32x160x2x64xi32, #tpu.memory_space<hbm>> -> memref<1x1x2x64xi32, #tpu.memory_space<hbm>>
        %dma_wait3A_348 = tpu.memref_squeeze %dma_wait3A_347 : memref<1x1x2x64xi32, #tpu.memory_space<hbm>> -> memref<2x64xi32, #tpu.memory_space<hbm>>
        %dma_wait3A_349 = arith.constant 0 : i32
        %dma_wait3A_350 = arith.constant 0 : i32
        %dma_wait3A_351 = tpu.memref_slice %arg5[%dma_wait3A_340, %dma_wait3A_349, %dma_wait3A_350] : memref<4x2x64xi32, #tpu.memory_space<vmem>> -> memref<1x2x64xi32, #tpu.memory_space<vmem>>
        %dma_wait3A_352 = tpu.memref_squeeze %dma_wait3A_351 : memref<1x2x64xi32, #tpu.memory_space<vmem>> -> memref<2x64xi32, #tpu.memory_space<vmem>>
        %dma_wait3A_353 = arith.constant 0 : i32
        %dma_wait3A_354 = arith.constant 0 : i32
        %dma_wait3A_355 = tpu.memref_slice %arg3[%add3A, %add3A_339, %dma_wait3A_353, %dma_wait3A_354] : memref<32x160x2x64xi32, #tpu.memory_space<hbm>> -> memref<1x1x2x64xi32, #tpu.memory_space<hbm>>
        %dma_wait3A_356 = tpu.memref_squeeze %dma_wait3A_355 : memref<1x1x2x64xi32, #tpu.memory_space<hbm>> -> memref<2x64xi32, #tpu.memory_space<hbm>>
        tpu.wait_dma2 semaphore(%arg11 : memref<!tpu.dma_semaphore, #tpu.memory_space<semaphore_mem>>) src(%dma_wait3A_356 : memref<2x64xi32, #tpu.memory_space<hbm>>) dst(%dma_wait3A_352 : memref<2x64xi32, #tpu.memory_space<vmem>>)
        %dma_start3A_357 = arith.constant 3 : i32
        %dma_start3A_358 = arith.constant 0 : i32
        %dma_start3A_359 = arith.constant 1 : i32
        %dma_start3A_360 = arith.constant 0 : i32
        %dma_start3A_361 = arith.constant 0 : i32
        %dma_start3A_362 = tpu.memref_slice %arg6[%dma_start3A_359, %dma_start3A_360, %dma_start3A_361] : memref<2x64x128xf32, #tpu.memory_space<vmem>> -> memref<1x64x128xf32, #tpu.memory_space<vmem>>
        %dma_start3A_363 = tpu.memref_squeeze %dma_start3A_362 : memref<1x64x128xf32, #tpu.memory_space<vmem>> -> memref<64x128xf32, #tpu.memory_space<vmem>>
        %dma_start3A_364 = arith.constant 0 : i32
        %dma_start3A_365 = tpu.memref_slice %arg5[%dma_start3A_357, %dma_start3A_358, %dma_start3A_364] : memref<4x2x64xi32, #tpu.memory_space<vmem>> -> memref<1x1x64xi32, #tpu.memory_space<vmem>>
        %dma_start3A_366 = tpu.memref_squeeze %dma_start3A_365 : memref<1x1x64xi32, #tpu.memory_space<vmem>> -> memref<64xi32, #tpu.memory_space<vmem>>
        %dma_start3A_367 = arith.constant 0 : i32
        %dma_start3A_368 = arith.constant 0 : i32
        %dma_start3A_369 = tpu.memref_slice %arg2[%dma_start3A_367, %dma_start3A_368] : memref<10240x128xf32, #tpu.memory_space<hbm>> -> memref<10240x128xf32, #tpu.memory_space<hbm>>
        tpu.enqueue_indirect_dma source(%dma_start3A_369 : memref<10240x128xf32, #tpu.memory_space<hbm>>) target(%dma_start3A_363 : memref<64x128xf32, #tpu.memory_space<vmem>>) offsets(%dma_start3A_366 : memref<64xi32, #tpu.memory_space<vmem>>) semaphore(%arg13 : memref<!tpu.dma_semaphore, #tpu.memory_space<semaphore_mem>>)
      } else {
      }
      %add3A_298 = arith.constant 3 : i32
      %add3A_299 = arith.addi %add3A_181, %add3A_298 : i32
      %dma_wait3A_300 = arith.constant 3 : i32
      %dma_wait3A_301 = arith.constant 0 : i32
      %dma_wait3A_302 = arith.constant 1 : i32
      %dma_wait3A_303 = arith.constant 0 : i32
      %dma_wait3A_304 = arith.constant 0 : i32
      %dma_wait3A_305 = tpu.memref_slice %arg6[%dma_wait3A_302, %dma_wait3A_303, %dma_wait3A_304] : memref<2x64x128xf32, #tpu.memory_space<vmem>> -> memref<1x64x128xf32, #tpu.memory_space<vmem>>
      %dma_wait3A_306 = tpu.memref_squeeze %dma_wait3A_305 : memref<1x64x128xf32, #tpu.memory_space<vmem>> -> memref<64x128xf32, #tpu.memory_space<vmem>>
      %dma_wait3A_307 = arith.constant 0 : i32
      %dma_wait3A_308 = tpu.memref_slice %arg5[%dma_wait3A_300, %dma_wait3A_301, %dma_wait3A_307] : memref<4x2x64xi32, #tpu.memory_space<vmem>> -> memref<1x1x64xi32, #tpu.memory_space<vmem>>
      %dma_wait3A_309 = tpu.memref_squeeze %dma_wait3A_308 : memref<1x1x64xi32, #tpu.memory_space<vmem>> -> memref<64xi32, #tpu.memory_space<vmem>>
      %dma_wait3A_310 = arith.constant 0 : i32
      %dma_wait3A_311 = arith.constant 0 : i32
      %dma_wait3A_312 = tpu.memref_slice %arg2[%dma_wait3A_310, %dma_wait3A_311] : memref<10240x128xf32, #tpu.memory_space<hbm>> -> memref<10240x128xf32, #tpu.memory_space<hbm>>
      tpu.wait_indirect_dma semaphore(%arg13 : memref<!tpu.dma_semaphore, #tpu.memory_space<semaphore_mem>>) src(%dma_wait3A_312 : memref<10240x128xf32, #tpu.memory_space<hbm>>) dst(%dma_wait3A_306 : memref<64x128xf32, #tpu.memory_space<vmem>>)
      %dma_start3A_313 = arith.constant 1 : i32
      %dma_start3A_314 = arith.constant 3 : i32
      %dma_start3A_315 = arith.constant 1 : i32
      %dma_start3A_316 = arith.constant 0 : i32
      %dma_start3A_317 = arith.constant 0 : i32
      %dma_start3A_318 = tpu.memref_slice %arg6[%dma_start3A_313, %dma_start3A_316, %dma_start3A_317] : memref<2x64x128xf32, #tpu.memory_space<vmem>> -> memref<1x64x128xf32, #tpu.memory_space<vmem>>
      %dma_start3A_319 = tpu.memref_squeeze %dma_start3A_318 : memref<1x64x128xf32, #tpu.memory_space<vmem>> -> memref<64x128xf32, #tpu.memory_space<vmem>>
      %dma_start3A_320 = arith.constant 0 : i32
      %dma_start3A_321 = tpu.memref_slice %arg5[%dma_start3A_314, %dma_start3A_315, %dma_start3A_320] : memref<4x2x64xi32, #tpu.memory_space<vmem>> -> memref<1x1x64xi32, #tpu.memory_space<vmem>>
      %dma_start3A_322 = tpu.memref_squeeze %dma_start3A_321 : memref<1x1x64xi32, #tpu.memory_space<vmem>> -> memref<64xi32, #tpu.memory_space<vmem>>
      %dma_start3A_323 = arith.constant 0 : i32
      %dma_start3A_324 = arith.constant 0 : i32
      %dma_start3A_325 = tpu.memref_slice %arg7[%dma_start3A_323, %dma_start3A_324] : memref<10240x128xf32, #tpu.memory_space<vmem_shared>> -> memref<10240x128xf32, #tpu.memory_space<vmem_shared>>
      tpu.enqueue_indirect_dma source(%dma_start3A_319 : memref<64x128xf32, #tpu.memory_space<vmem>>) target(%dma_start3A_325 : memref<10240x128xf32, #tpu.memory_space<vmem_shared>>) offsets(%dma_start3A_322 : memref<64xi32, #tpu.memory_space<vmem>>) semaphore(%arg15 : memref<!tpu.dma_semaphore, #tpu.memory_space<semaphore_mem>>) {add = true}
      %ge3A_326 = arith.constant 1 : i32
      %ge3A_327 = arith.cmpi sge, %add3A_299, %ge3A_326 : i32
      %convert_element_type3A_328 = arith.extui %ge3A_327 : i1 to i32
      %cond3A_329 = arith.constant 0 : i32
      %cond3A_330 = arith.cmpi ne, %convert_element_type3A_328, %cond3A_329 : i32
      scf.if %cond3A_330 {
        %dma_wait3A_338 = arith.constant 0 : i32
        %dma_wait3A_339 = arith.constant 2 : i32
        %dma_wait3A_340 = arith.constant 1 : i32
        %dma_wait3A_341 = arith.constant 0 : i32
        %dma_wait3A_342 = arith.constant 0 : i32
        %dma_wait3A_343 = tpu.memref_slice %arg6[%dma_wait3A_338, %dma_wait3A_341, %dma_wait3A_342] : memref<2x64x128xf32, #tpu.memory_space<vmem>> -> memref<1x64x128xf32, #tpu.memory_space<vmem>>
        %dma_wait3A_344 = tpu.memref_squeeze %dma_wait3A_343 : memref<1x64x128xf32, #tpu.memory_space<vmem>> -> memref<64x128xf32, #tpu.memory_space<vmem>>
        %dma_wait3A_345 = arith.constant 0 : i32
        %dma_wait3A_346 = tpu.memref_slice %arg5[%dma_wait3A_339, %dma_wait3A_340, %dma_wait3A_345] : memref<4x2x64xi32, #tpu.memory_space<vmem>> -> memref<1x1x64xi32, #tpu.memory_space<vmem>>
        %dma_wait3A_347 = tpu.memref_squeeze %dma_wait3A_346 : memref<1x1x64xi32, #tpu.memory_space<vmem>> -> memref<64xi32, #tpu.memory_space<vmem>>
        %dma_wait3A_348 = arith.constant 0 : i32
        %dma_wait3A_349 = arith.constant 0 : i32
        %dma_wait3A_350 = tpu.memref_slice %arg7[%dma_wait3A_348, %dma_wait3A_349] : memref<10240x128xf32, #tpu.memory_space<vmem_shared>> -> memref<10240x128xf32, #tpu.memory_space<vmem_shared>>
        tpu.wait_indirect_dma semaphore(%arg14 : memref<!tpu.dma_semaphore, #tpu.memory_space<semaphore_mem>>) src(%dma_wait3A_344 : memref<64x128xf32, #tpu.memory_space<vmem>>) dst(%dma_wait3A_350 : memref<10240x128xf32, #tpu.memory_space<vmem_shared>>)
        %add3A_351 = arith.constant 3 : i32
        %add3A_352 = arith.addi %add3A_299, %add3A_351 : i32
        %lt3A_353 = arith.constant 160 : i32
        %lt3A_354 = arith.cmpi slt, %add3A_352, %lt3A_353 : i32
        %convert_element_type3A_355 = arith.extui %lt3A_354 : i1 to i32
        %cond3A_356 = arith.constant 0 : i32
        %cond3A_357 = arith.cmpi ne, %convert_element_type3A_355, %cond3A_356 : i32
        scf.if %cond3A_357 {
          %add3A_358 = arith.constant 3 : i32
          %add3A_359 = arith.addi %add3A_299, %add3A_358 : i32
          %dma_start3A_360 = arith.constant 2 : i32
          %dma_start3A_361 = arith.constant 0 : i32
          %dma_start3A_362 = arith.constant 0 : i32
          %dma_start3A_363 = tpu.memref_slice %arg5[%dma_start3A_360, %dma_start3A_361, %dma_start3A_362] : memref<4x2x64xi32, #tpu.memory_space<vmem>> -> memref<1x2x64xi32, #tpu.memory_space<vmem>>
          %dma_start3A_364 = tpu.memref_squeeze %dma_start3A_363 : memref<1x2x64xi32, #tpu.memory_space<vmem>> -> memref<2x64xi32, #tpu.memory_space<vmem>>
          %dma_start3A_365 = arith.constant 0 : i32
          %dma_start3A_366 = arith.constant 0 : i32
          %dma_start3A_367 = tpu.memref_slice %arg3[%add3A, %add3A_359, %dma_start3A_365, %dma_start3A_366] : memref<32x160x2x64xi32, #tpu.memory_space<hbm>> -> memref<1x1x2x64xi32, #tpu.memory_space<hbm>>
          %dma_start3A_368 = tpu.memref_squeeze %dma_start3A_367 : memref<1x1x2x64xi32, #tpu.memory_space<hbm>> -> memref<2x64xi32, #tpu.memory_space<hbm>>
          %dma_start3A_369 = arith.constant 0 : i32
          %dma_start3A_370 = arith.constant 0 : i32
          %dma_start3A_371 = tpu.memref_slice %arg5[%dma_start3A_360, %dma_start3A_369, %dma_start3A_370] : memref<4x2x64xi32, #tpu.memory_space<vmem>> -> memref<1x2x64xi32, #tpu.memory_space<vmem>>
          %dma_start3A_372 = tpu.memref_squeeze %dma_start3A_371 : memref<1x2x64xi32, #tpu.memory_space<vmem>> -> memref<2x64xi32, #tpu.memory_space<vmem>>
          %dma_start3A_373 = arith.constant 0 : i32
          %dma_start3A_374 = arith.constant 0 : i32
          %dma_start3A_375 = tpu.memref_slice %arg3[%add3A, %add3A_359, %dma_start3A_373, %dma_start3A_374] : memref<32x160x2x64xi32, #tpu.memory_space<hbm>> -> memref<1x1x2x64xi32, #tpu.memory_space<hbm>>
          %dma_start3A_376 = tpu.memref_squeeze %dma_start3A_375 : memref<1x1x2x64xi32, #tpu.memory_space<hbm>> -> memref<2x64xi32, #tpu.memory_space<hbm>>
          tpu.enqueue_dma source(%dma_start3A_376 : memref<2x64xi32, #tpu.memory_space<hbm>>) target(%dma_start3A_372 : memref<2x64xi32, #tpu.memory_space<vmem>>) target_semaphore(%arg10 : memref<!tpu.dma_semaphore, #tpu.memory_space<semaphore_mem>>)
        } else {
        }
      } else {
      }
      %add3A_331 = arith.constant 1 : i32
      %add3A_332 = arith.addi %add3A_299, %add3A_331 : i32
      %lt3A_333 = arith.constant 160 : i32
      %lt3A_334 = arith.cmpi slt, %add3A_332, %lt3A_333 : i32
      %convert_element_type3A_335 = arith.extui %lt3A_334 : i1 to i32
      %cond3A_336 = arith.constant 0 : i32
      %cond3A_337 = arith.cmpi ne, %convert_element_type3A_335, %cond3A_336 : i32
      scf.if %cond3A_337 {
        %add3A_338 = arith.constant 1 : i32
        %add3A_339 = arith.addi %add3A_299, %add3A_338 : i32
        %dma_wait3A_340 = arith.constant 0 : i32
        %dma_wait3A_341 = arith.constant 0 : i32
        %dma_wait3A_342 = arith.constant 0 : i32
        %dma_wait3A_343 = tpu.memref_slice %arg5[%dma_wait3A_340, %dma_wait3A_341, %dma_wait3A_342] : memref<4x2x64xi32, #tpu.memory_space<vmem>> -> memref<1x2x64xi32, #tpu.memory_space<vmem>>
        %dma_wait3A_344 = tpu.memref_squeeze %dma_wait3A_343 : memref<1x2x64xi32, #tpu.memory_space<vmem>> -> memref<2x64xi32, #tpu.memory_space<vmem>>
        %dma_wait3A_345 = arith.constant 0 : i32
        %dma_wait3A_346 = arith.constant 0 : i32
        %dma_wait3A_347 = tpu.memref_slice %arg3[%add3A, %add3A_339, %dma_wait3A_345, %dma_wait3A_346] : memref<32x160x2x64xi32, #tpu.memory_space<hbm>> -> memref<1x1x2x64xi32, #tpu.memory_space<hbm>>
        %dma_wait3A_348 = tpu.memref_squeeze %dma_wait3A_347 : memref<1x1x2x64xi32, #tpu.memory_space<hbm>> -> memref<2x64xi32, #tpu.memory_space<hbm>>
        %dma_wait3A_349 = arith.constant 0 : i32
        %dma_wait3A_350 = arith.constant 0 : i32
        %dma_wait3A_351 = tpu.memref_slice %arg5[%dma_wait3A_340, %dma_wait3A_349, %dma_wait3A_350] : memref<4x2x64xi32, #tpu.memory_space<vmem>> -> memref<1x2x64xi32, #tpu.memory_space<vmem>>
        %dma_wait3A_352 = tpu.memref_squeeze %dma_wait3A_351 : memref<1x2x64xi32, #tpu.memory_space<vmem>> -> memref<2x64xi32, #tpu.memory_space<vmem>>
        %dma_wait3A_353 = arith.constant 0 : i32
        %dma_wait3A_354 = arith.constant 0 : i32
        %dma_wait3A_355 = tpu.memref_slice %arg3[%add3A, %add3A_339, %dma_wait3A_353, %dma_wait3A_354] : memref<32x160x2x64xi32, #tpu.memory_space<hbm>> -> memref<1x1x2x64xi32, #tpu.memory_space<hbm>>
        %dma_wait3A_356 = tpu.memref_squeeze %dma_wait3A_355 : memref<1x1x2x64xi32, #tpu.memory_space<hbm>> -> memref<2x64xi32, #tpu.memory_space<hbm>>
        tpu.wait_dma2 semaphore(%arg8 : memref<!tpu.dma_semaphore, #tpu.memory_space<semaphore_mem>>) src(%dma_wait3A_356 : memref<2x64xi32, #tpu.memory_space<hbm>>) dst(%dma_wait3A_352 : memref<2x64xi32, #tpu.memory_space<vmem>>)
        %dma_start3A_357 = arith.constant 0 : i32
        %dma_start3A_358 = arith.constant 0 : i32
        %dma_start3A_359 = arith.constant 0 : i32
        %dma_start3A_360 = arith.constant 0 : i32
        %dma_start3A_361 = arith.constant 0 : i32
        %dma_start3A_362 = tpu.memref_slice %arg6[%dma_start3A_359, %dma_start3A_360, %dma_start3A_361] : memref<2x64x128xf32, #tpu.memory_space<vmem>> -> memref<1x64x128xf32, #tpu.memory_space<vmem>>
        %dma_start3A_363 = tpu.memref_squeeze %dma_start3A_362 : memref<1x64x128xf32, #tpu.memory_space<vmem>> -> memref<64x128xf32, #tpu.memory_space<vmem>>
        %dma_start3A_364 = arith.constant 0 : i32
        %dma_start3A_365 = tpu.memref_slice %arg5[%dma_start3A_357, %dma_start3A_358, %dma_start3A_364] : memref<4x2x64xi32, #tpu.memory_space<vmem>> -> memref<1x1x64xi32, #tpu.memory_space<vmem>>
        %dma_start3A_366 = tpu.memref_squeeze %dma_start3A_365 : memref<1x1x64xi32, #tpu.memory_space<vmem>> -> memref<64xi32, #tpu.memory_space<vmem>>
        %dma_start3A_367 = arith.constant 0 : i32
        %dma_start3A_368 = arith.constant 0 : i32
        %dma_start3A_369 = tpu.memref_slice %arg2[%dma_start3A_367, %dma_start3A_368] : memref<10240x128xf32, #tpu.memory_space<hbm>> -> memref<10240x128xf32, #tpu.memory_space<hbm>>
        tpu.enqueue_indirect_dma source(%dma_start3A_369 : memref<10240x128xf32, #tpu.memory_space<hbm>>) target(%dma_start3A_363 : memref<64x128xf32, #tpu.memory_space<vmem>>) offsets(%dma_start3A_366 : memref<64xi32, #tpu.memory_space<vmem>>) semaphore(%arg12 : memref<!tpu.dma_semaphore, #tpu.memory_space<semaphore_mem>>)
      } else {
      }
    }
    %scan3A_162 = arith.constant 40 : i32
    %dma_wait3A_163 = arith.constant 1 : i32
    %dma_wait3A_164 = arith.constant 3 : i32
    %dma_wait3A_165 = arith.constant 1 : i32
    %dma_wait3A_166 = arith.constant 0 : i32
    %dma_wait3A_167 = arith.constant 0 : i32
    %dma_wait3A_168 = tpu.memref_slice %arg6[%dma_wait3A_163, %dma_wait3A_166, %dma_wait3A_167] : memref<2x64x128xf32, #tpu.memory_space<vmem>> -> memref<1x64x128xf32, #tpu.memory_space<vmem>>
    %dma_wait3A_169 = tpu.memref_squeeze %dma_wait3A_168 : memref<1x64x128xf32, #tpu.memory_space<vmem>> -> memref<64x128xf32, #tpu.memory_space<vmem>>
    %dma_wait3A_170 = arith.constant 0 : i32
    %dma_wait3A_171 = tpu.memref_slice %arg5[%dma_wait3A_164, %dma_wait3A_165, %dma_wait3A_170] : memref<4x2x64xi32, #tpu.memory_space<vmem>> -> memref<1x1x64xi32, #tpu.memory_space<vmem>>
    %dma_wait3A_172 = tpu.memref_squeeze %dma_wait3A_171 : memref<1x1x64xi32, #tpu.memory_space<vmem>> -> memref<64xi32, #tpu.memory_space<vmem>>
    %dma_wait3A_173 = arith.constant 0 : i32
    %dma_wait3A_174 = arith.constant 0 : i32
    %dma_wait3A_175 = tpu.memref_slice %arg7[%dma_wait3A_173, %dma_wait3A_174] : memref<10240x128xf32, #tpu.memory_space<vmem_shared>> -> memref<10240x128xf32, #tpu.memory_space<vmem_shared>>
    tpu.wait_indirect_dma semaphore(%arg15 : memref<!tpu.dma_semaphore, #tpu.memory_space<semaphore_mem>>) src(%dma_wait3A_169 : memref<64x128xf32, #tpu.memory_space<vmem>>) dst(%dma_wait3A_175 : memref<10240x128xf32, #tpu.memory_space<vmem_shared>>)
    %barrier3A_176 = arith.constant 0 : index
    tpu.barrier barrier_id(%barrier3A_176)
    "tpu.region"() ({
      %run_scoped3A_177 = tpu.sem_alloc : memref<!tpu.dma_semaphore, #tpu.memory_space<semaphore_mem>>
      %dma_start3A_178 = arith.constant 0 : i32
      %dma_start3A_179 = tpu.memref_slice %arg4[%arg0, %mul3A_2, %dma_start3A_178] : memref<2x10240x128xf32, #tpu.memory_space<hbm>> -> memref<1x640x128xf32, #tpu.memory_space<hbm>>
      %dma_start3A_180 = tpu.memref_squeeze %dma_start3A_179 : memref<1x640x128xf32, #tpu.memory_space<hbm>> -> memref<640x128xf32, #tpu.memory_space<hbm>>
      %dma_start3A_181 = arith.constant 0 : i32
      %dma_start3A_182 = tpu.memref_slice %arg7[%mul3A_2, %dma_start3A_181] : memref<10240x128xf32, #tpu.memory_space<vmem_shared>> -> memref<640x128xf32, #tpu.memory_space<vmem_shared>>
      tpu.enqueue_dma source(%dma_start3A_182 : memref<640x128xf32, #tpu.memory_space<vmem_shared>>) target(%dma_start3A_180 : memref<640x128xf32, #tpu.memory_space<hbm>>) target_semaphore(%run_scoped3A_177 : memref<!tpu.dma_semaphore, #tpu.memory_space<semaphore_mem>>)
      %dma_wait3A_183 = arith.constant 0 : i32
      %dma_wait3A_184 = tpu.memref_slice %arg4[%arg0, %mul3A_2, %dma_wait3A_183] : memref<2x10240x128xf32, #tpu.memory_space<hbm>> -> memref<1x640x128xf32, #tpu.memory_space<hbm>>
      %dma_wait3A_185 = tpu.memref_squeeze %dma_wait3A_184 : memref<1x640x128xf32, #tpu.memory_space<hbm>> -> memref<640x128xf32, #tpu.memory_space<hbm>>
      %dma_wait3A_186 = arith.constant 0 : i32
      %dma_wait3A_187 = tpu.memref_slice %arg7[%mul3A_2, %dma_wait3A_186] : memref<10240x128xf32, #tpu.memory_space<vmem_shared>> -> memref<640x128xf32, #tpu.memory_space<vmem_shared>>
      tpu.wait_dma2 semaphore(%run_scoped3A_177 : memref<!tpu.dma_semaphore, #tpu.memory_space<semaphore_mem>>) src(%dma_wait3A_187 : memref<640x128xf32, #tpu.memory_space<vmem_shared>>) dst(%dma_wait3A_185 : memref<640x128xf32, #tpu.memory_space<hbm>>)
      tpu.yield
    }) : () -> ()
    return
  }
}

module attributes {stable_mosaic.version = 14 : i64} {
  func.func @_mm0_body(%arg0: i32, %arg1: memref<2560x128xf32, #tpu.memory_space<vmem>>, %arg2: memref<128x128xf32, #tpu.memory_space<vmem>>, %arg3: memref<128x128xf32, #tpu.memory_space<vmem>>, %arg4: memref<2560x128xf32, #tpu.memory_space<vmem>>, %arg5: memref<2560x128xf32, #tpu.memory_space<vmem>>) attributes {dimension_semantics = [#tpu.dimension_semantics<arbitrary>], iteration_bounds = array<i64: 4>, scalar_prefetch = 0 : i64, scratch_operands = 0 : i64, tpu.core_type = #tpu.core_type<tc>, window_params = [{transform_indices = @transform_0, window_bounds = array<i64: 2560, 128>}, {pipeline_mode = #tpu.pipeline_mode<synchronous>, transform_indices = @transform_1, window_bounds = array<i64: 128, 128>}, {pipeline_mode = #tpu.pipeline_mode<synchronous>, transform_indices = @transform_2, window_bounds = array<i64: 128, 128>}, {transform_indices = @transform_3, window_bounds = array<i64: 2560, 128>}, {transform_indices = @transform_4, window_bounds = array<i64: 2560, 128>}]} {
    %get3A = arith.constant 0 : index
    %get3A_0 = arith.constant 0 : index
    %get3A_1 = vector.load %arg1[%get3A, %get3A_0] : memref<2560x128xf32, #tpu.memory_space<vmem>>, vector<2560x128xf32>
    %get3A_2 = arith.constant 0 : index
    %get3A_3 = arith.constant 0 : index
    %get3A_4 = vector.load %arg2[%get3A_2, %get3A_3] : memref<128x128xf32, #tpu.memory_space<vmem>>, vector<128x128xf32>
    %dot_general3A = arith.constant dense<0.000000e+00> : vector<2560x128xf32>
    %dot_general3A_5 = tpu.matmul %get3A_1, %get3A_4, %dot_general3A {dimension_numbers = #tpu.dot_dimension_numbers<[1], [1], [0], [0], [0, 0, 1, 0], [], []>, transpose_lhs_hint = false} : vector<2560x128xf32>, vector<128x128xf32>, vector<2560x128xf32> -> vector<2560x128xf32>
    %swap3A = arith.constant 0 : index
    %swap3A_6 = arith.constant 0 : index
    %swap3A_7 = vector.load %arg4[%swap3A, %swap3A_6] : memref<2560x128xf32, #tpu.memory_space<vmem>>, vector<2560x128xf32>
    tpu.vector_store %arg4[%swap3A, %swap3A_6], %dot_general3A_5 {strides = array<i32>} : memref<2560x128xf32, #tpu.memory_space<vmem>>, vector<2560x128xf32>,
    %get3A_8 = arith.constant 0 : index
    %get3A_9 = arith.constant 0 : index
    %get3A_10 = vector.load %arg3[%get3A_8, %get3A_9] : memref<128x128xf32, #tpu.memory_space<vmem>>, vector<128x128xf32>
    %dot_general3A_11 = arith.constant dense<0.000000e+00> : vector<2560x128xf32>
    %dot_general3A_12 = tpu.matmul %get3A_1, %get3A_10, %dot_general3A_11 {dimension_numbers = #tpu.dot_dimension_numbers<[1], [1], [0], [0], [0, 0, 1, 0], [], []>, transpose_lhs_hint = false} : vector<2560x128xf32>, vector<128x128xf32>, vector<2560x128xf32> -> vector<2560x128xf32>
    %swap3A_13 = arith.constant 0 : index
    %swap3A_14 = arith.constant 0 : index
    %swap3A_15 = vector.load %arg5[%swap3A_13, %swap3A_14] : memref<2560x128xf32, #tpu.memory_space<vmem>>, vector<2560x128xf32>
    tpu.vector_store %arg5[%swap3A_13, %swap3A_14], %dot_general3A_12 {strides = array<i32>} : memref<2560x128xf32, #tpu.memory_space<vmem>>, vector<2560x128xf32>,
    return
  }
  func.func @transform_0(%arg0: i32) -> (i32, i32) {
    %c0_i32 = arith.constant 0 : i32
    %c0_i32_0 = arith.constant 0 : i32
    return %arg0, %c0_i32 : i32, i32
  }
  func.func @transform_1(%arg0: i32) -> (i32, i32) {
    %c0_i32 = arith.constant 0 : i32
    %c0_i32_0 = arith.constant 0 : i32
    %c0_i32_1 = arith.constant 0 : i32
    return %c0_i32, %c0_i32_0 : i32, i32
  }
  func.func @transform_2(%arg0: i32) -> (i32, i32) {
    %c0_i32 = arith.constant 0 : i32
    %c0_i32_0 = arith.constant 0 : i32
    %c0_i32_1 = arith.constant 0 : i32
    return %c0_i32, %c0_i32_0 : i32, i32
  }
  func.func @transform_3(%arg0: i32) -> (i32, i32) {
    %c0_i32 = arith.constant 0 : i32
    %c0_i32_0 = arith.constant 0 : i32
    return %arg0, %c0_i32 : i32, i32
  }
  func.func @transform_4(%arg0: i32) -> (i32, i32) {
    %c0_i32 = arith.constant 0 : i32
    %c0_i32_0 = arith.constant 0 : i32
    return %arg0, %c0_i32 : i32, i32
  }
}

module attributes {stable_mosaic.version = 14 : i64} {
  func.func @_mid_body(%arg0: i32, %arg1: memref<2560x128xf32, #tpu.memory_space<vmem>>, %arg2: memref<2x2560x128xf32, #tpu.memory_space<vmem>>, %arg3: memref<2x2560xf32, #tpu.memory_space<vmem>>, %arg4: memref<1x128xf32, #tpu.memory_space<vmem>>, %arg5: memref<16x128xf32, #tpu.memory_space<vmem>>, %arg6: memref<1x16xf32, #tpu.memory_space<vmem>>, %arg7: memref<2560x128xf32, #tpu.memory_space<vmem>>, %arg8: memref<2560x16xf32, #tpu.memory_space<vmem>>) attributes {dimension_semantics = [#tpu.dimension_semantics<arbitrary>], iteration_bounds = array<i64: 4>, scalar_prefetch = 0 : i64, scratch_operands = 0 : i64, tpu.core_type = #tpu.core_type<tc>, window_params = [{transform_indices = @transform_0, window_bounds = array<i64: 2560, 128>}, {transform_indices = @transform_1, window_bounds = array<i64: 2, 2560, 128>}, {transform_indices = @transform_2, window_bounds = array<i64: 2, 2560>}, {pipeline_mode = #tpu.pipeline_mode<synchronous>, transform_indices = @transform_3, window_bounds = array<i64: 1, 128>}, {pipeline_mode = #tpu.pipeline_mode<synchronous>, transform_indices = @transform_4, window_bounds = array<i64: 16, 128>}, {pipeline_mode = #tpu.pipeline_mode<synchronous>, transform_indices = @transform_5, window_bounds = array<i64: 1, 16>}, {transform_indices = @transform_6, window_bounds = array<i64: 2560, 128>}, {transform_indices = @transform_7, window_bounds = array<i64: 2560, 16>}]} {
    %get3A = arith.constant 0 : index
    %get3A_0 = arith.constant 0 : index
    %get3A_1 = vector.load %arg3[%get3A, %get3A_0] : memref<2x2560xf32, #tpu.memory_space<vmem>>, vector<1x2560xf32>
    %get3A_2 = vector.shape_cast %get3A_1 : vector<1x2560xf32> to vector<2560xf32>
    %get3A_3 = arith.constant 1 : index
    %get3A_4 = arith.constant 0 : index
    %get3A_5 = vector.load %arg3[%get3A_3, %get3A_4] : memref<2x2560xf32, #tpu.memory_space<vmem>>, vector<1x2560xf32>
    %get3A_6 = vector.shape_cast %get3A_5 : vector<1x2560xf32> to vector<2560xf32>
    %add3A = arith.addf %get3A_2, %get3A_6 : vector<2560xf32>
    %max3A = arith.constant 1.000000e+00 : f32
    %max3A_7 = vector.broadcast %max3A : f32 to vector<2560xf32>
    %max3A_8 = arith.maximumf %add3A, %max3A_7 : vector<2560xf32>
    %div3A = arith.constant 1.000000e+00 : f32
    %div3A_9 = vector.broadcast %div3A : f32 to vector<2560xf32>
    %div3A_10 = arith.divf %div3A_9, %max3A_8 : vector<2560xf32>
    %get3A_11 = arith.constant 0 : index
    %get3A_12 = arith.constant 0 : index
    %get3A_13 = vector.load %arg1[%get3A_11, %get3A_12] : memref<2560x128xf32, #tpu.memory_space<vmem>>, vector<2560x128xf32>
    %get3A_14 = arith.constant 0 : index
    %get3A_15 = arith.constant 0 : index
    %get3A_16 = arith.constant 0 : index
    %get3A_17 = vector.load %arg2[%get3A_14, %get3A_15, %get3A_16] : memref<2x2560x128xf32, #tpu.memory_space<vmem>>, vector<1x2560x128xf32>
    %get3A_18 = vector.shape_cast %get3A_17 : vector<1x2560x128xf32> to vector<2560x128xf32>
    %get3A_19 = arith.constant 1 : index
    %get3A_20 = arith.constant 0 : index
    %get3A_21 = arith.constant 0 : index
    %get3A_22 = vector.load %arg2[%get3A_19, %get3A_20, %get3A_21] : memref<2x2560x128xf32, #tpu.memory_space<vmem>>, vector<1x2560x128xf32>
    %get3A_23 = vector.shape_cast %get3A_22 : vector<1x2560x128xf32> to vector<2560x128xf32>
    %add3A_24 = arith.addf %get3A_18, %get3A_23 : vector<2560x128xf32>
    %broadcast_in_dim3A = vector.shape_cast %div3A_10 : vector<2560xf32> to vector<2560x1xf32>
    %mul3A = vector.broadcast %broadcast_in_dim3A : vector<2560x1xf32> to vector<2560x128xf32>
    %mul3A_25 = arith.mulf %add3A_24, %mul3A : vector<2560x128xf32>
    %add3A_26 = arith.addf %get3A_13, %mul3A_25 : vector<2560x128xf32>
    %get3A_27 = arith.constant 0 : index
    %get3A_28 = arith.constant 0 : index
    %get3A_29 = vector.load %arg4[%get3A_27, %get3A_28] : memref<1x128xf32, #tpu.memory_space<vmem>>, vector<1x128xf32>
    %add3A_30 = vector.broadcast %get3A_29 : vector<1x128xf32> to vector<2560x128xf32>
    %add3A_31 = arith.addf %add3A_26, %add3A_30 : vector<2560x128xf32>
    %max3A_32 = arith.constant 0.000000e+00 : f32
    %max3A_33 = vector.broadcast %max3A_32 : f32 to vector<2560x128xf32>
    %max3A_34 = arith.maximumf %add3A_31, %max3A_33 : vector<2560x128xf32>
    %swap3A = arith.constant 0 : index
    %swap3A_35 = arith.constant 0 : index
    %swap3A_36 = vector.load %arg7[%swap3A, %swap3A_35] : memref<2560x128xf32, #tpu.memory_space<vmem>>, vector<2560x128xf32>
    tpu.vector_store %arg7[%swap3A, %swap3A_35], %max3A_34 {strides = array<i32>} : memref<2560x128xf32, #tpu.memory_space<vmem>>, vector<2560x128xf32>,
    %get3A_37 = arith.constant 0 : index
    %get3A_38 = arith.constant 0 : index
    %get3A_39 = vector.load %arg5[%get3A_37, %get3A_38] : memref<16x128xf32, #tpu.memory_space<vmem>>, vector<16x128xf32>
    %dot_general3A = arith.constant dense<0.000000e+00> : vector<2560x16xf32>
    %dot_general3A_40 = tpu.matmul %max3A_34, %get3A_39, %dot_general3A {dimension_numbers = #tpu.dot_dimension_numbers<[1], [1], [0], [0], [0, 0, 1, 0], [], []>, transpose_lhs_hint = false} : vector<2560x128xf32>, vector<16x128xf32>, vector<2560x16xf32> -> vector<2560x16xf32>
    %get3A_41 = arith.constant 0 : index
    %get3A_42 = arith.constant 0 : index
    %get3A_43 = vector.load %arg6[%get3A_41, %get3A_42] : memref<1x16xf32, #tpu.memory_space<vmem>>, vector<1x16xf32>
    %add3A_44 = vector.broadcast %get3A_43 : vector<1x16xf32> to vector<2560x16xf32>
    %add3A_45 = arith.addf %dot_general3A_40, %add3A_44 : vector<2560x16xf32>
    %swap3A_46 = arith.constant 0 : index
    %swap3A_47 = arith.constant 0 : index
    %swap3A_48 = vector.load %arg8[%swap3A_46, %swap3A_47] : memref<2560x16xf32, #tpu.memory_space<vmem>>, vector<2560x16xf32>
    tpu.vector_store %arg8[%swap3A_46, %swap3A_47], %add3A_45 {strides = array<i32>} : memref<2560x16xf32, #tpu.memory_space<vmem>>, vector<2560x16xf32>,
    return
  }
  func.func @transform_0(%arg0: i32) -> (i32, i32) {
    %c0_i32 = arith.constant 0 : i32
    %c0_i32_0 = arith.constant 0 : i32
    return %arg0, %c0_i32 : i32, i32
  }
  func.func @transform_1(%arg0: i32) -> (i32, i32, i32) {
    %c0_i32 = arith.constant 0 : i32
    %c0_i32_0 = arith.constant 0 : i32
    %c0_i32_1 = arith.constant 0 : i32
    return %c0_i32, %arg0, %c0_i32_0 : i32, i32, i32
  }
  func.func @transform_2(%arg0: i32) -> (i32, i32) {
    %c0_i32 = arith.constant 0 : i32
    %c0_i32_0 = arith.constant 0 : i32
    return %c0_i32, %arg0 : i32, i32
  }
  func.func @transform_3(%arg0: i32) -> (i32, i32) {
    %c0_i32 = arith.constant 0 : i32
    %c0_i32_0 = arith.constant 0 : i32
    %c0_i32_1 = arith.constant 0 : i32
    return %c0_i32, %c0_i32_0 : i32, i32
  }
  func.func @transform_4(%arg0: i32) -> (i32, i32) {
    %c0_i32 = arith.constant 0 : i32
    %c0_i32_0 = arith.constant 0 : i32
    %c0_i32_1 = arith.constant 0 : i32
    return %c0_i32, %c0_i32_0 : i32, i32
  }
  func.func @transform_5(%arg0: i32) -> (i32, i32) {
    %c0_i32 = arith.constant 0 : i32
    %c0_i32_0 = arith.constant 0 : i32
    %c0_i32_1 = arith.constant 0 : i32
    return %c0_i32, %c0_i32_0 : i32, i32
  }
  func.func @transform_6(%arg0: i32) -> (i32, i32) {
    %c0_i32 = arith.constant 0 : i32
    %c0_i32_0 = arith.constant 0 : i32
    return %arg0, %c0_i32 : i32, i32
  }
  func.func @transform_7(%arg0: i32) -> (i32, i32) {
    %c0_i32 = arith.constant 0 : i32
    %c0_i32_0 = arith.constant 0 : i32
    return %arg0, %c0_i32 : i32, i32
  }
}

module attributes {stable_mosaic.version = 14 : i64} {
  func.func @_fin_body(%arg0: i32, %arg1: memref<2560x16xf32, #tpu.memory_space<vmem>>, %arg2: memref<2x2560x128xf32, #tpu.memory_space<vmem>>, %arg3: memref<2x2560xf32, #tpu.memory_space<vmem>>, %arg4: memref<16x128xf32, #tpu.memory_space<vmem>>, %arg5: memref<2560x16xf32, #tpu.memory_space<vmem>>) attributes {dimension_semantics = [#tpu.dimension_semantics<arbitrary>], iteration_bounds = array<i64: 4>, scalar_prefetch = 0 : i64, scratch_operands = 0 : i64, tpu.core_type = #tpu.core_type<tc>, window_params = [{transform_indices = @transform_0, window_bounds = array<i64: 2560, 16>}, {transform_indices = @transform_1, window_bounds = array<i64: 2, 2560, 128>}, {transform_indices = @transform_2, window_bounds = array<i64: 2, 2560>}, {pipeline_mode = #tpu.pipeline_mode<synchronous>, transform_indices = @transform_3, window_bounds = array<i64: 16, 128>}, {transform_indices = @transform_4, window_bounds = array<i64: 2560, 16>}]} {
    %get3A = arith.constant 0 : index
    %get3A_0 = arith.constant 0 : index
    %get3A_1 = vector.load %arg3[%get3A, %get3A_0] : memref<2x2560xf32, #tpu.memory_space<vmem>>, vector<1x2560xf32>
    %get3A_2 = vector.shape_cast %get3A_1 : vector<1x2560xf32> to vector<2560xf32>
    %get3A_3 = arith.constant 1 : index
    %get3A_4 = arith.constant 0 : index
    %get3A_5 = vector.load %arg3[%get3A_3, %get3A_4] : memref<2x2560xf32, #tpu.memory_space<vmem>>, vector<1x2560xf32>
    %get3A_6 = vector.shape_cast %get3A_5 : vector<1x2560xf32> to vector<2560xf32>
    %add3A = arith.addf %get3A_2, %get3A_6 : vector<2560xf32>
    %max3A = arith.constant 1.000000e+00 : f32
    %max3A_7 = vector.broadcast %max3A : f32 to vector<2560xf32>
    %max3A_8 = arith.maximumf %add3A, %max3A_7 : vector<2560xf32>
    %div3A = arith.constant 1.000000e+00 : f32
    %div3A_9 = vector.broadcast %div3A : f32 to vector<2560xf32>
    %div3A_10 = arith.divf %div3A_9, %max3A_8 : vector<2560xf32>
    %get3A_11 = arith.constant 0 : index
    %get3A_12 = arith.constant 0 : index
    %get3A_13 = arith.constant 0 : index
    %get3A_14 = vector.load %arg2[%get3A_11, %get3A_12, %get3A_13] : memref<2x2560x128xf32, #tpu.memory_space<vmem>>, vector<1x2560x128xf32>
    %get3A_15 = vector.shape_cast %get3A_14 : vector<1x2560x128xf32> to vector<2560x128xf32>
    %get3A_16 = arith.constant 1 : index
    %get3A_17 = arith.constant 0 : index
    %get3A_18 = arith.constant 0 : index
    %get3A_19 = vector.load %arg2[%get3A_16, %get3A_17, %get3A_18] : memref<2x2560x128xf32, #tpu.memory_space<vmem>>, vector<1x2560x128xf32>
    %get3A_20 = vector.shape_cast %get3A_19 : vector<1x2560x128xf32> to vector<2560x128xf32>
    %add3A_21 = arith.addf %get3A_15, %get3A_20 : vector<2560x128xf32>
    %broadcast_in_dim3A = vector.shape_cast %div3A_10 : vector<2560xf32> to vector<2560x1xf32>
    %mul3A = vector.broadcast %broadcast_in_dim3A : vector<2560x1xf32> to vector<2560x128xf32>
    %mul3A_22 = arith.mulf %add3A_21, %mul3A : vector<2560x128xf32>
    %get3A_23 = arith.constant 0 : index
    %get3A_24 = arith.constant 0 : index
    %get3A_25 = vector.load %arg1[%get3A_23, %get3A_24] : memref<2560x16xf32, #tpu.memory_space<vmem>>, vector<2560x16xf32>
    %get3A_26 = arith.constant 0 : index
    %get3A_27 = arith.constant 0 : index
    %get3A_28 = vector.load %arg4[%get3A_26, %get3A_27] : memref<16x128xf32, #tpu.memory_space<vmem>>, vector<16x128xf32>
    %dot_general3A = arith.constant dense<0.000000e+00> : vector<2560x16xf32>
    %dot_general3A_29 = tpu.matmul %mul3A_22, %get3A_28, %dot_general3A {dimension_numbers = #tpu.dot_dimension_numbers<[1], [1], [0], [0], [0, 0, 1, 0], [], []>, transpose_lhs_hint = false} : vector<2560x128xf32>, vector<16x128xf32>, vector<2560x16xf32> -> vector<2560x16xf32>
    %add3A_30 = arith.addf %get3A_25, %dot_general3A_29 : vector<2560x16xf32>
    %swap3A = arith.constant 0 : index
    %swap3A_31 = arith.constant 0 : index
    %swap3A_32 = vector.load %arg5[%swap3A, %swap3A_31] : memref<2560x16xf32, #tpu.memory_space<vmem>>, vector<2560x16xf32>
    tpu.vector_store %arg5[%swap3A, %swap3A_31], %add3A_30 {strides = array<i32>} : memref<2560x16xf32, #tpu.memory_space<vmem>>, vector<2560x16xf32>,
    return
  }
  func.func @transform_0(%arg0: i32) -> (i32, i32) {
    %c0_i32 = arith.constant 0 : i32
    %c0_i32_0 = arith.constant 0 : i32
    return %arg0, %c0_i32 : i32, i32
  }
  func.func @transform_1(%arg0: i32) -> (i32, i32, i32) {
    %c0_i32 = arith.constant 0 : i32
    %c0_i32_0 = arith.constant 0 : i32
    %c0_i32_1 = arith.constant 0 : i32
    return %c0_i32, %arg0, %c0_i32_0 : i32, i32, i32
  }
  func.func @transform_2(%arg0: i32) -> (i32, i32) {
    %c0_i32 = arith.constant 0 : i32
    %c0_i32_0 = arith.constant 0 : i32
    return %c0_i32, %arg0 : i32, i32
  }
  func.func @transform_3(%arg0: i32) -> (i32, i32) {
    %c0_i32 = arith.constant 0 : i32
    %c0_i32_0 = arith.constant 0 : i32
    %c0_i32_1 = arith.constant 0 : i32
    return %c0_i32, %c0_i32_0 : i32, i32
  }
  func.func @transform_4(%arg0: i32) -> (i32, i32) {
    %c0_i32 = arith.constant 0 : i32
    %c0_i32_0 = arith.constant 0 : i32
    return %arg0, %c0_i32 : i32, i32
  }
}

</mosaic_0001>

<sc_bundles>
// kernel: kernel.10.cloned.1.call-start
scs
__scs_entry_jumppad:
0x0: {  	(pc) =	sbr.rel $0x88, $3  }
0x1: {  	(tag) =	ssettag $0x0;
	lr =	simm.s32 $0x1  }
0x2: {  	[smem:$0x3F99] =	sst lr;
	_ =	strace $0xD0000000  }
0x3: {  	_ = 	snop  }
0x4: {  	_ = 	snop  }
0x5: {  	_ = 	snop  }
0x6: {  	_ = 	snop  }
0x7: {  	_ = 	snop  }
__scs_overlays_trampoline_lowered:
0x8: {  	[smem:$0x3FA8] =	sst s0  }
0x9: {  	[smem:$0x3FA9] =	sst s1  }
0xa: {  	[smem:$0x3FAA] =	sst s2  }
0xb: {  	[smem:$0x3FAB] =	sst s3  }
0xc: {  	[smem:$0x3FAC] =	sst s4  }
0xd: {  	[smem:$0x3FAD] =	sst s5  }
0xe: {  	[smem:$0x3FAE] =	sst s6  }
0xf: {  	[smem:$0x3FAF] =	sst s7  }
0x10: {  	[smem:$0x3FB0] =	sst s8  }
0x11: {  	[smem:$0x3FB1] =	sst s9;
	s0 =	simm.s32 @!p0 $0x0  }
0x12: {  	s1 =	sld [smem:$0x3F97];
	s0 =	simm.s32 @p0 $0x1  }
0x13: {  	[smem:$0x3FB2] =	sst s0;
	s0 =	simm.s32 @!p1 $0x0  }
0x14: {  	s2 =	sld [smem:$0x3F96];
	s0 =	simm.s32 @p1 $0x1  }
0x15: {  	[smem:$0x3FB3] =	sst s0;
	s0 =	simm.s32 @!p2 $0x0  }
0x16: {  	s3 =	sld [smem:$0x3FDB];
	s0 =	simm.s32 @p2 $0x1  }
0x17: {  	s4 =	simm.s32 $0x1BF5;
	[smem:$0x3FB5] =	sst s0  }
0x18: {  	s0 =	sld [smem:$0x3F98];
	_ =	swait.ge [sflag:s4], $0x0  }
0x19: {  	s7 =	sld [smem:$0x3F99]  }
0x1a: {  	s8 =	sadd.s32 $0xFFFFE003, lr  }
0x1b: {  	s9 =	sadd.s32 $0xFFFFFEF7, lr;
	s5 =	simm.s32 $0xFFFFFFFF;
	p2 =	slt.u32 s8, $0xFFFFF086  }
0x1c: {  	p1 =	slt.u32 s9, $0xF7A;
	s5 =	simm.s32 @!p2 $0x0  }
0x1d: {  	s5 =	simm.s32 @p1 $0x1;
	p0 =	seq.s32 s7, s2  }
0x1e: {  	s7 =	smul.u32 @!p0 $0xF7A, s2;
	p2 =	seq.s32 @!p0 s5, $0x0  }
0x1f: {  	s9 =	smul.u32 $0xF7A, s1;
	s8 =	simm.s32 @!p0 $0x1BF5;
	p2 =	por !p2, p0  }
0x20: {  	[sflag:s8] =	ssyncset.s32 @!p0 $0xFFFFF086;
	s6 =	sadd.s32 @!p0 s3, s7;
	s7 =	simm.s32 @!p0 $0x108  }
0x21: {  	s3 =	sadd.s32 s3, s9;
	s6 =	sadd.s32 @!p0 $0x88, s6;
	s7 =	simm.s32 @p2 $0x1082  }
0x22: {  	[simem:s7], [sflag:s8] =	dma.local @!p0 [hbm:s6], $0xF7A  }
0x23: {  	s9 =	sor.u32 $0xD0000000, s2;
	s6 =	simm.s32 $0x108;
	_ =	swait.ge @!p0 [sflag:s8], $0x0  }
0x24: {  	s3 =	sadd.s32 $0x88, s3;
	s6 =	simm.s32 @!p1 $0x1082;
	[sflag:s4] =	ssyncset.s32 $0xFFFFF086  }
0x25: {  	[simem:s6], [sflag:s4] =	dma.local [hbm:s3], $0xF7A  }
0x26: {  	[smem:$0x3F99] =	sst s1;
	(tag) =	ssettag s2;
	_ =	strace s9  }
0x27: {  	s1 =	sld [smem:$0x3FA9]  }
0x28: {  	s2 =	sld [smem:$0x3FAA]  }
0x29: {  	s4 =	sld [smem:$0x3FAC]  }
0x2a: {  	p0 =	seq.s32 s5, $0x0;
	s5 =	sld [smem:$0x3FAD]  }
0x2b: {  	s6 =	sld [smem:$0x3FAE]  }
0x2c: {  	s7 =	sld [smem:$0x3FAF]  }
0x2d: {  	s3 =	simm.s32 $0x108;
	s8 =	sld [smem:$0x3FB0]  }
0x2e: {  	s3 =	simm.s32 @!p0 $0x1082;
	s9 =	sld [smem:$0x3FB1]  }
0x2f: {  	lr =	sadd.s32 s0, s3;
	s0 =	sld [smem:$0x3FA8]  }
0x30: {  	s3 =	sld [smem:$0x3FAB]  }
0x31: {  	[smem:$0x3FB4] =	sst s10  }
0x32: {  	s10 =	sld [smem:$0x3FB2];
	_ =	sdelay $0x3  }
0x33: {  	p0 =	seq.s32 s10, $0x1;
	s10 =	sld [smem:$0x3FB4];
	_ =	sdelay $0x3  }
0x34: {  	[smem:$0x3FB4] =	sst s10  }
0x35: {  	s10 =	sld [smem:$0x3FB3];
	_ =	sdelay $0x3  }
0x36: {  	p1 =	seq.s32 s10, $0x1;
	s10 =	sld [smem:$0x3FB4];
	_ =	sdelay $0x3  }
0x37: {  	[smem:$0x3FB4] =	sst s10  }
0x38: {  	s10 =	sld [smem:$0x3FB5]  }
0x39: {  	_ = 	snop;
	(pc) =	sbr.ind lr, $3  }
0x3a: {  	_ = 	snop  }
0x3b: {  	_ = 	snop  }
0x3c: {  	p2 =	seq.s32 s10, $0x1;
	s10 =	sld [smem:$0x3FB4]  }
0x3d: {  	_ =	shalt  }
0x3e: {  	_ =	shalt  }
0x3f: {  	_ =	shalt  }
0x40: {  	_ =	shalt  }
0x41: {  	_ =	shalt  }
0x42: {  	_ =	shalt  }
0x43: {  	_ =	shalt  }
0x44: {  	_ =	shalt  }
0x45: {  	_ =	shalt  }
0x46: {  	_ =	shalt  }
0x47: {  	_ =	shalt  }
0x48: {  	_ =	shalt  }
0x49: {  	_ =	shalt  }
0x4a: {  	_ =	shalt  }
0x4b: {  	_ =	shalt  }
0x4c: {  	_ =	shalt  }
0x4d: {  	_ =	shalt  }
0x4e: {  	_ =	shalt  }
0x4f: {  	_ =	shalt  }
0x50: {  	_ =	shalt  }
0x51: {  	_ =	shalt  }
0x52: {  	_ =	shalt  }
0x53: {  	_ =	shalt  }
0x54: {  	_ =	shalt  }
0x55: {  	_ =	shalt  }
0x56: {  	_ =	shalt  }
0x57: {  	_ =	shalt  }
0x58: {  	_ =	shalt  }
0x59: {  	_ =	shalt  }
0x5a: {  	_ =	shalt  }
0x5b: {  	_ =	shalt  }
0x5c: {  	_ =	shalt  }
0x5d: {  	_ =	shalt  }
0x5e: {  	_ =	shalt  }
0x5f: {  	_ =	shalt  }
0x60: {  	_ =	shalt  }
0x61: {  	_ =	shalt  }
0x62: {  	_ =	shalt  }
0x63: {  	_ =	shalt  }
0x64: {  	_ =	shalt  }
0x65: {  	_ =	shalt  }
0x66: {  	_ =	shalt  }
0x67: {  	_ =	shalt  }
0x68: {  	_ =	shalt  }
0x69: {  	_ =	shalt  }
0x6a: {  	_ =	shalt  }
0x6b: {  	_ =	shalt  }
0x6c: {  	_ =	shalt  }
0x6d: {  	_ =	shalt  }
0x6e: {  	_ =	shalt  }
0x6f: {  	_ =	shalt  }
0x70: {  	_ =	shalt  }
0x71: {  	_ =	shalt  }
0x72: {  	_ =	shalt  }
0x73: {  	_ =	shalt  }
0x74: {  	_ =	shalt  }
0x75: {  	_ =	shalt  }
0x76: {  	_ =	shalt  }
0x77: {  	_ =	shalt  }
0x78: {  	_ =	shalt  }
0x79: {  	_ =	shalt  }
0x7a: {  	_ =	shalt  }
0x7b: {  	_ =	shalt  }
0x7c: {  	_ =	shalt  }
0x7d: {  	_ =	shalt  }
0x7e: {  	_ =	shalt  }
0x7f: {  	_ =	shalt  }
0x80: {  	_ =	shalt  }
0x81: {  	_ =	shalt  }
0x82: {  	_ =	shalt  }
0x83: {  	_ =	shalt  }
0x84: {  	_ =	shalt  }
0x85: {  	_ =	shalt  }
0x86: {  	_ =	shalt  }
0x87: {  	_ =	shalt  }
.Lfunc_end0:
.L_simem_size_0:
called_computation.1_lowered:
.L_overlay_start_0:
0x88: {  	s2 =	sld [smem:$0x3FD9]  }
0x89: {  	s3 =	sld [smem:$0x3FFE];
	_ =	sdelay $0x1  }
0x8a: {  	s1 =	srdreg.scid  }
0x8b: {  	s0 =	sand.u32 $0x1, s1  }
0x8c: {  	s16 =	sshll.u32 s0, $0xA;
	s2 =	sadd.s32 s3, s2  }
0x8d: {  	s2 =	sadd.s32 s2, s16  }
0x8e: {  	[smem:$0x3FC0] =	sst s2  }
0x8f: {  	_ = 	snop  }
0x90: {  	(tm) =	ssettm $0x1  }
0x91: {  	s17 =	sld [smem:$0x3FFB];
	_ =	sdelay $0x3  }
0x92: {  	_ =	strace s17  }
0x93: {  	s2 =	sld [smem:$0x3FFC];
	_ =	sdelay $0x3  }
0x94: {  	_ =	strace s2  }
0x95: {  	s2 =	sld [smem:$0x3FFD];
	_ =	sdelay $0x3  }
0x96: {  	_ =	strace s2  }
0x97: {  	_ =	strace $0x8FFFFFFF  }
0x98: {  	s18 =	sld [smem:$0x3FDB];
	_ =	sdelay $0x1  }
0x99: {  	s19 =	simm.s32 $_scs_section_size  }
0x9a: {  	s4 =	simm.s32 $_size__tile_overlayer_lowered;
	s5 =	simm.s32 $_tile_overlayer_lowered  }
0x9b: {  	s22 =	simm.s32 $0x1BFF;
	s21 =	sshll.u32 s5, $0x1;
	s2 =	sadd.s32 s19, s18  }
0x9c: {  	s6 =	simm.s32 $0x0;
	s20 =	sshll.u32 s4, $0x1;
	s4 =	sadd.s32 s21, s2  }
0x9d: {  	[timem:s6], [sflag:s22] =	dma.local [hbm:s4], s20  }
0x9e: {  	_ =	swait.ge [sflag:s22], s20  }
0x9f: {  	s3 =	ssub.s32 $0x0, s20;
	[sflag:s22] =	ssyncset.done $0x0  }
0xa0: {  	[sflag:s22] =	ssyncadd.s32 s3;
	_ =	sdelay $0x1  }
0xa1: {  	s23 =	simm.s32 $0x1B8B  }
0xa2: {  	_ =	swait.ge [sflag:s23], $0x1  }
0xa3: {  	[sflag:s23] =	ssyncset.done $0x0  }
0xa4: {  	s25 =	simm.s32 $0x1B8E;
	s24 =	sld [smem:$0x3FFE];
	[sflag:s23] =	ssyncadd.s32 $0xFFFFFFFF  }
0xa5: {  	s26 =	simm.s32 $execute0_lowered;
	[smem:$0x3FD2] =	sst s25  }
0xa6: {  	s4 =	sshll.u32 s26, $0x1;
	_ =	strace $0x80000049;
	[dreg:$0x1] =	wrdreg $0xFFFFFFFF  }
0xa7: {  	s28 =	simm.s32 $_size_execute0_lowered;
	s2 =	sadd.s32 s2, s4;
	[dreg:$0x0] =	wrdreg $0x0  }
0xa8: {  	s4 =	sshll.u32 s28, $0x1;
	[dreg:$0x2] =	wrdreg s2  }
0xa9: {  	[dreg:$0x3] =	wrdreg s4  }
0xaa: {  	[dreg:$0x4] =	wrdreg $0xC0  }
0xab: {  	_ =	task [dreg:s6], $0x5FFFF  }
0xac: {  	[dreg:$0x1] =	wrdreg $0xFFFFFFFF  }
0xad: {  	[dreg:$0x0] =	wrdreg $0x60  }
0xae: {  	[dreg:$0x2] =	wrdreg s24  }
0xaf: {  	[dreg:$0x3] =	wrdreg $0x44000  }
0xb0: {  	[dreg:$0x4] =	wrdreg $0x9  }
0xb1: {  	_ =	task.clear_ibuf [dreg:s6], $0x5FFFF;
	_ =	strace $0x90000049  }
0xb2: {  	s29 =	simm.s32 $0x9;
	_ =	strace $0x8000004B  }
0xb3: {  	_ =	swait.ge [sflag:s29], $0x1  }
0xb4: {  	[sflag:s29] =	ssyncadd.s32 $0xFFFFFFFF  }
0xb5: {  	_ =	strace $0x9000004B  }
0xb6: {  	_ =	sfence  }
0xb7: {  	s30 =	sld [smem:$0x0];
	_ =	sdelay $0x2  }
0xb8: {  	s31 =	sshll.u32 s1, $0xD;
	s1 =	sshrl.u32 s1, $0x2  }
0xb9: {  	s3 =	sand.u32 $0x4000, s31;
	s1 =	sadd.s32 s1, s30  }
0xba: {  	s0 =	sor.u32 s3, s0;
	s1 =	sshll.u32 s1, $0x11  }
0xbb: {  	s0 =	sor.u32 s1, s0  }
0xbc: {  	s0 =	sadd.s32 $0x8F2B, s0  }
0xbd: {  	[sflag:s0] =	ssyncadd.remote.s32 $0x1  }
0xbe: {  	_ =	sfence.sel $0xFFFF  }
0xbf: {  	[dreg:$0x0] =	wrdreg $0xFFFFFFFF;
	(pc) =	sbr.abs _section_cstart, $3  }
0xc0: {  	[dreg:$0x1] =	wrdreg $0xFFFFFFFF  }
0xc1: {  	_ =	task.clear_ibuf [dreg:s6], $0x2FFFF;
	_ =	strace $0x9FFFFFFF  }
0xc2: {  	(tm) =	ssettm $0x7FFFFFFF  }
0xc3: {  	_ =	shalt  }
tec
execute0_lowered:
.L_overlay_start_1:
0x0: {  	(tag) =	ssettag $0x1  }
0x1: {  	s0 =	rddreg [dreg:$0x0];
	s1 =	srdreg.scid  }
0x2: {  	s2 =	rddreg [dreg:$0x1];
	s10 =	stileid.u32  }
0x3: {  	s3 =	simm.s32 $0x0;
	s28 =	simm.s32 $0x100;
	s29 =	simm.s32 $0x200  }
0x4: {  	s30 =	simm.s32 $0x300;
	s31 =	simm.s32 $0x1;
	s6 =	smul.u32 $0x14000, s10  }
0x5: {  	s1 =	sand.u32 $0x1, s1;
	[smem:$0x7FF] =	sst s3;
	s7 =	smul.u32 $0x50000, s10  }
0x6: {  	s8 =	sadd.s32 $0x2400, s0;
	s10 =	sshll.u32 s10, $0x1;
	s4 =	smul.u32 $0x140000, s1  }
0x7: {  	_ =	strace $0x8000004A;
	s25 =	ssub.s32 $0x2, s1;
	s10 =	sor.u32 s1, s10  }
0x8: {  	s1 =	smul.u32 $0xA000, s1;
	s9 =	sshrl.u32 s25, $0x1;
	s7 =	sshrl.u32 s7, $0x2  }
0x9: {  	s12 =	smul.u32 $0xA000, s10;
	s10 =	simm.s32 $0x180;
	s5 =	sadd.s32 s6, s4  }
0xa: {  	s4 =	sadd.s32 $0x2A400, s0;
	s9 =	ssub.s32 s25, s9;
	s26 =	sadd.s32 s7, s2  }
0xb: {  	s1 =	sadd.s32 s1, s6;
	s7 =	sadd.s32 $0x2000, s26;
	[dreg:$0x3] =	wrdreg s26  }
0xc: {  	s5 =	sshrl.u32 s5, $0x3;
	s11 =	sadd.s32 $0x4000, s26;
	[dreg:$0x4] =	wrdreg s7  }
0xd: {  	s13 =	sadd.s32 $0x6000, s26;
	s14 =	sadd.s32 $0x8000, s26;
	[dreg:$0x5] =	wrdreg s11  }
0xe: {  	s15 =	sadd.s32 $0xA000, s26;
	s16 =	sadd.s32 $0xC000, s26;
	[dreg:$0x6] =	wrdreg s13  }
0xf: {  	s17 =	sadd.s32 $0xE000, s26;
	s18 =	sadd.s32 $0x10000, s26;
	[dreg:$0x7] =	wrdreg s14  }
0x10: {  	s6 =	sor.u32 $0x600, s1;
	s22 =	smax.u32 s9, $0x1;
	[dreg:$0x8] =	wrdreg s15  }
0x11: {  	s24 =	sor.u32 $0x500, s1;
	s25 =	sor.u32 $0x400, s1;
	[dreg:$0x9] =	wrdreg s16  }
0x12: {  	s1 =	sor.u32 $0x300, s1;
	s9 =	simm.s32 $0x6;
	[dreg:$0xa] =	wrdreg s17  }
0x13: {  	s0 =	sadd.s32 s5, s0;
	s7 =	sshrl.u32 s12, $0x3;
	[dreg:$0xb] =	wrdreg s18  }
0x14: {  	s5 =	sadd.s32 $0x12000, s26;
	[dreg:$0x12] =	wrdreg s22;
	s23 =	sshrl.u32 s6, $0x3  }
0x15: {  	s6 =	sshrl.u32 s25, $0x3;
	s26 =	sshrl.u32 s1, $0x3;
	s25 =	simm.s32 $0x400  }
0x16: {  	s1 =	simm.s32 $0x5;
	s11 =	simm.s32 $0x7;
	s12 =	simm.s32 $0x3  }
0x17: {  	s13 =	simm.s32 $0x280;
	s15 =	simm.s32 $0x8;
	s16 =	simm.s32 $0x4  }
0x18: {  	s17 =	simm.s32 $0x380;
	s7 =	sadd.s32 s8, s7;
	[dreg:$0xd] =	wrdreg s5  }
0x19: {  	s18 =	simm.s32 $0x0;
	s0 =	sadd.s32 $0x52400, s0;
	[dreg:$0xc] =	wrdreg s7  }
0x1a: {  	s19 =	sadd.s32 $0x20, s7;
	s20 =	sadd.s32 $0x40, s7;
	[dreg:$0x11] =	wrdreg s0  }
.Ltmp0:
0x1b: {  	s21 =	sadd.s32 $0x60, s7;
	[dreg:$0xe] =	wrdreg s19;
	(pc) =	sbr.rel .LBB2_1-.Ltmp0, $4  }
0x1c: {  	s0 =	sshrl.u32 s24, $0x3;
	s24 =	sadd.s32 s26, s8;
	[dreg:$0xf] =	wrdreg s20  }
0x1d: {  	s26 =	simm.s32 $0x9;
	s7 =	simm.s32 $0x2;
	[dreg:$0x10] =	wrdreg s21  }
0x1e: {  	s21 =	sadd.s32 s23, s8;
	s22 =	sadd.s32 s0, s8;
	s23 =	sadd.s32 s6, s8  }
0x1f: {  	v0 =	vimm.f32 $0.0e+00;
	s0 =	simm.s32 $0x40;
	s6 =	simm.s32 $0x80;
	s8 =	simm.s32 $0x2400  }
.LBB2_6:
0x20: {  	_ =	swait.ge [sflag:s15], $0x2000  }
0x21: {  	[sflag:s15] =	ssyncset.done $0x0  }
0x22: {  	[sflag:s15] =	ssyncadd.s32 $0xFFFFE000  }
0x23: {  	s5 =	stileid.u32;
	[bflag:$0x0] =	sbarrier.arrive $0xFFFF  }
0x24: {  	s5 =	sshll.u32 s5, $0x6;
	s14 =	rddreg [dreg:$0x3]  }
0x25: {  	s5 =	sor.u32 $0x1C09, s5;
	s19 =	rddreg [dreg:$0x11];
	s14 =	sshrl.u32 s14, $0x3  }
0x26: {  	[hbm:s19], [sflag:s5] =	dma.local [spmem:s14], $0x2800  }
0x27: {  	_ =	swait.ge [sflag:s26], $0x2800  }
0x28: {  	s18 =	sadd.s32 $0x1, s18;
	s20 =	rddreg [dreg:$0x12]  }
0x29: {  	p0 =	sne.s32 s18, s20  }
.Ltmp1:
0x2a: {  	_ = 	snop;
	(pc) =	sbr.rel @!p0 .LBB2_7-.Ltmp1, $3  }
0x2b: {  	_ =	sdelay $0x1  }
0x2c: {  	[sflag:s26] =	ssyncset.done $0x0  }
0x2d: {  	[sflag:s26] =	ssyncadd.s32 $0xFFFFD800  }
.LBB2_1:
0x2e: {  	s19 =	simm.s32 $0x0;
	s20 =	simm.s32 $0x200  }
.LBB2_2:
0x2f: {  	p0 =	sne.s32 s20, $0x7E00;
	[tilespmem:s19+$0x470] =	vst v0  }
0x30: {  	[tilespmem:s19+$0x400] =	vst v0  }
0x31: {  	[tilespmem:s19+$0x410] =	vst v0  }
.Ltmp2:
0x32: {  	[tilespmem:s19+$0x420] =	vst v0;
	(pc) =	sbr.rel @p0 .LBB2_2-.Ltmp2, $4  }
0x33: {  	[tilespmem:s19+$0x430] =	vst v0  }
0x34: {  	[tilespmem:s19+$0x440] =	vst v0  }
0x35: {  	[tilespmem:s19+$0x450] =	vst v0  }
0x36: {  	[tilespmem:s19+$0x460] =	vst v0;
	s19 =	sshra.s32 s20, $0x2;
	s20 =	sadd.s32 $0x200, s20  }
0x37: {  	[tilespmem:s19+$0x470] =	vst v0  }
0x38: {  	[tilespmem:s19+$0x400] =	vst v0  }
0x39: {  	[tilespmem:s19+$0x410] =	vst v0  }
0x3a: {  	[tilespmem:s19+$0x420] =	vst v0  }
0x3b: {  	[tilespmem:s19+$0x430] =	vst v0  }
0x3c: {  	[tilespmem:s19+$0x440] =	vst v0  }
0x3d: {  	[tilespmem:s19+$0x450] =	vst v0  }
0x3e: {  	[tilespmem:s19+$0x460] =	vst v0;
	s5 =	rddreg [dreg:$0x3]  }
0x3f: {  	[spmem:s5] =	stream.linear.scatter [tilespmem:s25], [sflag:$0x9], $0x2000, $0x38;
	[tilespmem:$0x18400] =	vst v63  }
0x40: {  	_ =	swait.ge [sflag:s26], $0x2000  }
0x41: {  	[sflag:s26] =	ssyncset.done $0x0  }
0x42: {  	s14 =	rddreg [dreg:$0x4];
	[sflag:s26] =	ssyncadd.s32 $0xFFFFE000  }
0x43: {  	[spmem:s14] =	stream.linear.scatter [tilespmem:s25], [sflag:$0x9], $0x2000, $0x38;
	[tilespmem:$0x18400] =	vst v63  }
0x44: {  	_ =	swait.ge [sflag:s26], $0x2000  }
0x45: {  	[sflag:s26] =	ssyncset.done $0x0  }
0x46: {  	s19 =	rddreg [dreg:$0x5];
	[sflag:s26] =	ssyncadd.s32 $0xFFFFE000  }
0x47: {  	[spmem:s19] =	stream.linear.scatter [tilespmem:s25], [sflag:$0x9], $0x2000, $0x38;
	[tilespmem:$0x18400] =	vst v63  }
0x48: {  	_ =	swait.ge [sflag:s26], $0x2000  }
0x49: {  	[sflag:s26] =	ssyncset.done $0x0  }
0x4a: {  	s20 =	rddreg [dreg:$0x6];
	[sflag:s26] =	ssyncadd.s32 $0xFFFFE000  }
0x4b: {  	[spmem:s20] =	stream.linear.scatter [tilespmem:s25], [sflag:$0x9], $0x2000, $0x38;
	[tilespmem:$0x18400] =	vst v63  }
0x4c: {  	_ =	swait.ge [sflag:s26], $0x2000  }
0x4d: {  	[sflag:s26] =	ssyncset.done $0x0  }
0x4e: {  	s14 =	rddreg [dreg:$0x7];
	[sflag:s26] =	ssyncadd.s32 $0xFFFFE000  }
0x4f: {  	[spmem:s14] =	stream.linear.scatter [tilespmem:s25], [sflag:$0x9], $0x2000, $0x38;
	[tilespmem:$0x18400] =	vst v63  }
0x50: {  	_ =	swait.ge [sflag:s26], $0x2000  }
0x51: {  	[sflag:s26] =	ssyncset.done $0x0  }
0x52: {  	s19 =	rddreg [dreg:$0x8];
	[sflag:s26] =	ssyncadd.s32 $0xFFFFE000  }
0x53: {  	[spmem:s19] =	stream.linear.scatter [tilespmem:s25], [sflag:$0x9], $0x2000, $0x38;
	[tilespmem:$0x18400] =	vst v63  }
0x54: {  	_ =	swait.ge [sflag:s26], $0x2000  }
0x55: {  	[sflag:s26] =	ssyncset.done $0x0  }
0x56: {  	s20 =	rddreg [dreg:$0x9];
	[sflag:s26] =	ssyncadd.s32 $0xFFFFE000  }
0x57: {  	[spmem:s20] =	stream.linear.scatter [tilespmem:s25], [sflag:$0x9], $0x2000, $0x38;
	[tilespmem:$0x18400] =	vst v63  }
0x58: {  	_ =	swait.ge [sflag:s26], $0x2000  }
0x59: {  	[sflag:s26] =	ssyncset.done $0x0  }
0x5a: {  	s14 =	rddreg [dreg:$0xa];
	[sflag:s26] =	ssyncadd.s32 $0xFFFFE000  }
0x5b: {  	[spmem:s14] =	stream.linear.scatter [tilespmem:s25], [sflag:$0x9], $0x2000, $0x38;
	[tilespmem:$0x18400] =	vst v63  }
0x5c: {  	_ =	swait.ge [sflag:s26], $0x2000  }
0x5d: {  	[sflag:s26] =	ssyncset.done $0x0  }
0x5e: {  	s19 =	rddreg [dreg:$0xb];
	[sflag:s26] =	ssyncadd.s32 $0xFFFFE000  }
0x5f: {  	[spmem:s19] =	stream.linear.scatter [tilespmem:s25], [sflag:$0x9], $0x2000, $0x38;
	[tilespmem:$0x18400] =	vst v63  }
0x60: {  	_ =	swait.ge [sflag:s26], $0x2000  }
0x61: {  	[sflag:s26] =	ssyncset.done $0x0  }
0x62: {  	s20 =	rddreg [dreg:$0xd];
	[sflag:s26] =	ssyncadd.s32 $0xFFFFE000  }
0x63: {  	[spmem:s20] =	stream.linear.scatter [tilespmem:s25], [sflag:$0x9], $0x2000, $0x38;
	[tilespmem:$0x18400] =	vst v63  }
0x64: {  	_ =	swait.ge [sflag:s26], $0x2000  }
0x65: {  	[sflag:s26] =	ssyncset.done $0x0  }
0x66: {  	[sflag:s26] =	ssyncadd.s32 $0xFFFFE000  }
0x67: {  	[bflag:$0x0] =	sbarrier.arrive $0xFFFF  }
0x68: {  	s19 =	simm.s32 $0x0;
	s14 =	rddreg [dreg:$0xc]  }
0x69: {  	[tilespmem:s19], [sflag:$0x1] =	stream.linear.gather [hbm4b:s14+s19], $0x100, $0x38;
	[tilespmem:$0x18400] =	vst v63  }
0x6a: {  	s20 =	rddreg [dreg:$0xe]  }
0x6b: {  	[tilespmem:s28], [sflag:$0x2] =	stream.linear.gather [hbm4b:s20+s19], $0x100, $0x38;
	[tilespmem:$0x18400] =	vst v63  }
0x6c: {  	s14 =	rddreg [dreg:$0xf]  }
0x6d: {  	[tilespmem:s29], [sflag:$0x3] =	stream.linear.gather [hbm4b:s14+s19], $0x100, $0x38;
	[tilespmem:$0x18400] =	vst v63  }
0x6e: {  	s20 =	rddreg [dreg:$0x10]  }
0x6f: {  	[tilespmem:s30], [sflag:$0x4] =	stream.linear.gather [hbm4b:s20+s19], $0x100, $0x38;
	[tilespmem:$0x18400] =	vst v63  }
0x70: {  	_ =	swait.ge [sflag:s31], $0x100  }
0x71: {  	[sflag:s31] =	ssyncset.done $0x0  }
0x72: {  	[sflag:s31] =	ssyncadd.s32 $0xFFFFFF00  }
0x73: {  	[tilespmem:s25], [sflag:$0x5] =	stream.indirect.gather [hbm4b:s4+s0], $0x80, s19, s0, $0xb8;
	[tilespmem:$0x18400] =	vst v63  }
.LBB2_4:
0x74: {  	_ =	swait.ge [sflag:s1], $0x2000  }
0x75: {  	p0 =	seq.s32 s19, $0x0;
	[sflag:s1] =	ssyncset.done $0x0  }
0x76: {  	s20 =	simm.s32 @!p0 $0x8;
	[sflag:s1] =	ssyncadd.s32 $0xFFFFE000  }
0x77: {  	[spmem:s2] =	stream.indirect.scatter.add.f32 [tilespmem:s25], [sflag:$0x7], $0x80, s6, s0, $0xb8;
	[tilespmem:$0x18400] =	vst v63  }
0x78: {  	_ =	swait.ge @!p0 [sflag:s20], $0x2000  }
0x79: {  	s14 =	simm.s32 @!p0 $0x0;
	[sflag:s20] =	ssyncset.done @!p0 $0x0  }
0x7a: {  	s5 =	simm.s32 @!p0 $0x300;
	[sflag:s20] =	ssyncadd.s32 @!p0 $0xFFFFE000;
	s20 =	sadd.s32 @!p0 s19, s24  }
0x7b: {  	[tilespmem:s5], [sflag:$0x4] =	stream.linear.gather @!p0 [hbm4b:s20+s14], $0x100, $0x38;
	[tilespmem:$0x18400] =	vst v63  }
0x7c: {  	_ =	swait.ge [sflag:s7], $0x100  }
0x7d: {  	[sflag:s7] =	ssyncset.done $0x0  }
0x7e: {  	[sflag:s7] =	ssyncadd.s32 $0xFFFFFF00  }
0x7f: {  	[tilespmem:s8], [sflag:$0x6] =	stream.indirect.gather [hbm4b:s4+s0], $0x80, s28, s0, $0xb8;
	[tilespmem:$0x18400] =	vst v63  }
0x80: {  	_ =	swait.ge [sflag:s9], $0x2000  }
0x81: {  	[sflag:s9] =	ssyncset.done $0x0  }
0x82: {  	[sflag:s9] =	ssyncadd.s32 $0xFFFFE000  }
0x83: {  	[spmem:s2] =	stream.indirect.scatter.add.f32 [tilespmem:s8], [sflag:$0x8], $0x80, s10, s0, $0xb8;
	[tilespmem:$0x18400] =	vst v63  }
0x84: {  	_ =	swait.ge [sflag:s11], $0x2000  }
0x85: {  	p0 =	seq.s32 s19, $0x1380;
	[sflag:s11] =	ssyncset.done $0x0  }
0x86: {  	s5 =	sadd.s32 @!p0 s19, s23;
	s14 =	simm.s32 @!p0 $0x0;
	[sflag:s11] =	ssyncadd.s32 $0xFFFFE000  }
0x87: {  	[tilespmem:s14], [sflag:$0x1] =	stream.linear.gather @!p0 [hbm4b:s5+s14], $0x100, $0x38;
	[tilespmem:$0x18400] =	vst v63  }
0x88: {  	_ =	swait.ge [sflag:s12], $0x100  }
0x89: {  	[sflag:s12] =	ssyncset.done $0x0  }
0x8a: {  	[sflag:s12] =	ssyncadd.s32 $0xFFFFFF00  }
0x8b: {  	[tilespmem:s25], [sflag:$0x5] =	stream.indirect.gather [hbm4b:s4+s0], $0x80, s29, s0, $0xb8;
	[tilespmem:$0x18400] =	vst v63  }
0x8c: {  	_ =	swait.ge [sflag:s1], $0x2000  }
0x8d: {  	[sflag:s1] =	ssyncset.done $0x0  }
0x8e: {  	[sflag:s1] =	ssyncadd.s32 $0xFFFFE000  }
0x8f: {  	[spmem:s2] =	stream.indirect.scatter.add.f32 [tilespmem:s25], [sflag:$0x7], $0x80, s13, s0, $0xb8;
	[tilespmem:$0x18400] =	vst v63  }
0x90: {  	_ =	swait.ge [sflag:s15], $0x2000  }
0x91: {  	[sflag:s15] =	ssyncset.done $0x0  }
0x92: {  	s20 =	simm.s32 @!p0 $0x100;
	s5 =	sadd.s32 @!p0 s19, s22;
	[sflag:s15] =	ssyncadd.s32 $0xFFFFE000  }
0x93: {  	[tilespmem:s20], [sflag:$0x2] =	stream.linear.gather @!p0 [hbm4b:s5+s14], $0x100, $0x38;
	[tilespmem:$0x18400] =	vst v63  }
0x94: {  	_ =	swait.ge [sflag:s16], $0x100  }
0x95: {  	[sflag:s16] =	ssyncset.done $0x0  }
0x96: {  	[sflag:s16] =	ssyncadd.s32 $0xFFFFFF00  }
0x97: {  	[tilespmem:s8], [sflag:$0x6] =	stream.indirect.gather [hbm4b:s4+s0], $0x80, s30, s0, $0xb8;
	[tilespmem:$0x18400] =	vst v63  }
0x98: {  	_ =	swait.ge [sflag:s9], $0x2000  }
0x99: {  	[sflag:s9] =	ssyncset.done $0x0  }
.Ltmp3:
0x9a: {  	[sflag:s9] =	ssyncadd.s32 $0xFFFFE000;
	(pc) =	sbr.rel @p0 .LBB2_6-.Ltmp3, $4  }
0x9b: {  	[spmem:s2] =	stream.indirect.scatter.add.f32 [tilespmem:s8], [sflag:$0x8], $0x80, s17, s0, $0xb8;
	[tilespmem:$0x18400] =	vst v63  }
0x9c: {  	_ =	swait.ge [sflag:s11], $0x2000  }
0x9d: {  	[sflag:s11] =	ssyncset.done $0x0  }
0x9e: {  	[sflag:s11] =	ssyncadd.s32 $0xFFFFE000  }
0x9f: {  	s5 =	sadd.s32 s19, s21  }
0xa0: {  	[tilespmem:s29], [sflag:$0x3] =	stream.linear.gather [hbm4b:s5+s3], $0x100, $0x38;
	[tilespmem:$0x18400] =	vst v63  }
.Ltmp4:
0xa1: {  	_ = 	snop;
	(pc) =	sbr.rel .LBB2_4-.Ltmp4, $4  }
0xa2: {  	_ =	swait.ge [sflag:s31], $0x100  }
0xa3: {  	[sflag:s31] =	ssyncset.done $0x0  }
0xa4: {  	s19 =	sadd.s32 $0x80, s19;
	[sflag:s31] =	ssyncadd.s32 $0xFFFFFF00  }
0xa5: {  	[tilespmem:s25], [sflag:$0x5] =	stream.indirect.gather [hbm4b:s4+s0], $0x80, s3, s0, $0xb8;
	[tilespmem:$0x18400] =	vst v63  }
.LBB2_7:
0xa6: {  	_ =	sfence.sel $0x180000  }
0xa7: {  	[bflag:$0x0] =	sbarrier.arrive $0xFFFF  }
0xa8: {  	_ =	strace $0x9000004A  }
0xa9: {  	s0 =	stileid.u32;
	[bflag:$0x2] =	sbarrier.arrive $0xFFFF  }
0xaa: {  	p0 =	sne.s32 s0, $0x0;
	s0 =	rddreg [dreg:$0x2]  }
0xab: {  	s0 =	sadd.s32 @!p0 $0x100000, s0  }
0xac: {  	[sflag:s0] =	ssyncadd.tile.s32 @!p0 $0x1;
	_ =	shalt  }
.Lfunc_end2:
_tile_overlayer_lowered:
.L_overlay_start_2:
0xad: {  	(tag) =	ssettag $0x2  }
0xae: {  	s0 =	rddreg [dreg:$0x0];
	s2 =	stileid.u32  }
0xaf: {  	s1 =	rddreg [dreg:$0x1];
	p0 =	sne.s32 s2, $0x0  }
0xb0: {  	s3 =	rddreg [dreg:$0x2];
	[bflag:$0x3] =	sbarrier.arrive $0xFFFF;
	s2 =	simm.s32 @!p0 $0x1C09  }
0xb1: {  	[timem:s3], [sflag:s2] =	dma.local @!p0 [hbm:s0], s1  }
0xb2: {  	s0 =	simm.s32 @!p0 $0x9  }
0xb3: {  	_ =	swait.ge @!p0 [sflag:s0], s1  }
0xb4: {  	s1 =	ssub.s32 @!p0 $0x0, s1;
	[sflag:s0] =	ssyncset.done @!p0 $0x0  }
0xb5: {  	[sflag:s0] =	ssyncadd.s32 @!p0 s1  }
0xb6: {  	[bflag:$0x3] =	sbarrier.arrive $0xFFFF  }
0xb7: {  	_ =	shalt  }

// kernel: kernel.7.cloned.1.call-start
scs
__scs_entry_jumppad:
0x0: {  	(pc) =	sbr.rel $0x88, $3  }
0x1: {  	(tag) =	ssettag $0x0;
	lr =	simm.s32 $0x1  }
0x2: {  	[smem:$0x3F99] =	sst lr;
	_ =	strace $0xD0000000  }
0x3: {  	_ = 	snop  }
0x4: {  	_ = 	snop  }
0x5: {  	_ = 	snop  }
0x6: {  	_ = 	snop  }
0x7: {  	_ = 	snop  }
__scs_overlays_trampoline_lowered:
0x8: {  	[smem:$0x3FA8] =	sst s0  }
0x9: {  	[smem:$0x3FA9] =	sst s1  }
0xa: {  	[smem:$0x3FAA] =	sst s2  }
0xb: {  	[smem:$0x3FAB] =	sst s3  }
0xc: {  	[smem:$0x3FAC] =	sst s4  }
0xd: {  	[smem:$0x3FAD] =	sst s5  }
0xe: {  	[smem:$0x3FAE] =	sst s6  }
0xf: {  	[smem:$0x3FAF] =	sst s7  }
0x10: {  	[smem:$0x3FB0] =	sst s8  }
0x11: {  	[smem:$0x3FB1] =	sst s9;
	s0 =	simm.s32 @!p0 $0x0  }
0x12: {  	s1 =	sld [smem:$0x3F97];
	s0 =	simm.s32 @p0 $0x1  }
0x13: {  	[smem:$0x3FB2] =	sst s0;
	s0 =	simm.s32 @!p1 $0x0  }
0x14: {  	s2 =	sld [smem:$0x3F96];
	s0 =	simm.s32 @p1 $0x1  }
0x15: {  	[smem:$0x3FB3] =	sst s0;
	s0 =	simm.s32 @!p2 $0x0  }
0x16: {  	s3 =	sld [smem:$0x3FDB];
	s0 =	simm.s32 @p2 $0x1  }
0x17: {  	s4 =	simm.s32 $0x1BF5;
	[smem:$0x3FB5] =	sst s0  }
0x18: {  	s0 =	sld [smem:$0x3F98];
	_ =	swait.ge [sflag:s4], $0x0  }
0x19: {  	s7 =	sld [smem:$0x3F99]  }
0x1a: {  	s8 =	sadd.s32 $0xFFFFE003, lr  }
0x1b: {  	s9 =	sadd.s32 $0xFFFFFEF7, lr;
	s5 =	simm.s32 $0xFFFFFFFF;
	p2 =	slt.u32 s8, $0xFFFFF086  }
0x1c: {  	p1 =	slt.u32 s9, $0xF7A;
	s5 =	simm.s32 @!p2 $0x0  }
0x1d: {  	s5 =	simm.s32 @p1 $0x1;
	p0 =	seq.s32 s7, s2  }
0x1e: {  	s7 =	smul.u32 @!p0 $0xF7A, s2;
	p2 =	seq.s32 @!p0 s5, $0x0  }
0x1f: {  	s9 =	smul.u32 $0xF7A, s1;
	s8 =	simm.s32 @!p0 $0x1BF5;
	p2 =	por !p2, p0  }
0x20: {  	[sflag:s8] =	ssyncset.s32 @!p0 $0xFFFFF086;
	s6 =	sadd.s32 @!p0 s3, s7;
	s7 =	simm.s32 @!p0 $0x108  }
0x21: {  	s3 =	sadd.s32 s3, s9;
	s6 =	sadd.s32 @!p0 $0x88, s6;
	s7 =	simm.s32 @p2 $0x1082  }
0x22: {  	[simem:s7], [sflag:s8] =	dma.local @!p0 [hbm:s6], $0xF7A  }
0x23: {  	s9 =	sor.u32 $0xD0000000, s2;
	s6 =	simm.s32 $0x108;
	_ =	swait.ge @!p0 [sflag:s8], $0x0  }
0x24: {  	s3 =	sadd.s32 $0x88, s3;
	s6 =	simm.s32 @!p1 $0x1082;
	[sflag:s4] =	ssyncset.s32 $0xFFFFF086  }
0x25: {  	[simem:s6], [sflag:s4] =	dma.local [hbm:s3], $0xF7A  }
0x26: {  	[smem:$0x3F99] =	sst s1;
	(tag) =	ssettag s2;
	_ =	strace s9  }
0x27: {  	s1 =	sld [smem:$0x3FA9]  }
0x28: {  	s2 =	sld [smem:$0x3FAA]  }
0x29: {  	s4 =	sld [smem:$0x3FAC]  }
0x2a: {  	p0 =	seq.s32 s5, $0x0;
	s5 =	sld [smem:$0x3FAD]  }
0x2b: {  	s6 =	sld [smem:$0x3FAE]  }
0x2c: {  	s7 =	sld [smem:$0x3FAF]  }
0x2d: {  	s3 =	simm.s32 $0x108;
	s8 =	sld [smem:$0x3FB0]  }
0x2e: {  	s3 =	simm.s32 @!p0 $0x1082;
	s9 =	sld [smem:$0x3FB1]  }
0x2f: {  	lr =	sadd.s32 s0, s3;
	s0 =	sld [smem:$0x3FA8]  }
0x30: {  	s3 =	sld [smem:$0x3FAB]  }
0x31: {  	[smem:$0x3FB4] =	sst s10  }
0x32: {  	s10 =	sld [smem:$0x3FB2];
	_ =	sdelay $0x3  }
0x33: {  	p0 =	seq.s32 s10, $0x1;
	s10 =	sld [smem:$0x3FB4];
	_ =	sdelay $0x3  }
0x34: {  	[smem:$0x3FB4] =	sst s10  }
0x35: {  	s10 =	sld [smem:$0x3FB3];
	_ =	sdelay $0x3  }
0x36: {  	p1 =	seq.s32 s10, $0x1;
	s10 =	sld [smem:$0x3FB4];
	_ =	sdelay $0x3  }
0x37: {  	[smem:$0x3FB4] =	sst s10  }
0x38: {  	s10 =	sld [smem:$0x3FB5]  }
0x39: {  	_ = 	snop;
	(pc) =	sbr.ind lr, $3  }
0x3a: {  	_ = 	snop  }
0x3b: {  	_ = 	snop  }
0x3c: {  	p2 =	seq.s32 s10, $0x1;
	s10 =	sld [smem:$0x3FB4]  }
0x3d: {  	_ =	shalt  }
0x3e: {  	_ =	shalt  }
0x3f: {  	_ =	shalt  }
0x40: {  	_ =	shalt  }
0x41: {  	_ =	shalt  }
0x42: {  	_ =	shalt  }
0x43: {  	_ =	shalt  }
0x44: {  	_ =	shalt  }
0x45: {  	_ =	shalt  }
0x46: {  	_ =	shalt  }
0x47: {  	_ =	shalt  }
0x48: {  	_ =	shalt  }
0x49: {  	_ =	shalt  }
0x4a: {  	_ =	shalt  }
0x4b: {  	_ =	shalt  }
0x4c: {  	_ =	shalt  }
0x4d: {  	_ =	shalt  }
0x4e: {  	_ =	shalt  }
0x4f: {  	_ =	shalt  }
0x50: {  	_ =	shalt  }
0x51: {  	_ =	shalt  }
0x52: {  	_ =	shalt  }
0x53: {  	_ =	shalt  }
0x54: {  	_ =	shalt  }
0x55: {  	_ =	shalt  }
0x56: {  	_ =	shalt  }
0x57: {  	_ =	shalt  }
0x58: {  	_ =	shalt  }
0x59: {  	_ =	shalt  }
0x5a: {  	_ =	shalt  }
0x5b: {  	_ =	shalt  }
0x5c: {  	_ =	shalt  }
0x5d: {  	_ =	shalt  }
0x5e: {  	_ =	shalt  }
0x5f: {  	_ =	shalt  }
0x60: {  	_ =	shalt  }
0x61: {  	_ =	shalt  }
0x62: {  	_ =	shalt  }
0x63: {  	_ =	shalt  }
0x64: {  	_ =	shalt  }
0x65: {  	_ =	shalt  }
0x66: {  	_ =	shalt  }
0x67: {  	_ =	shalt  }
0x68: {  	_ =	shalt  }
0x69: {  	_ =	shalt  }
0x6a: {  	_ =	shalt  }
0x6b: {  	_ =	shalt  }
0x6c: {  	_ =	shalt  }
0x6d: {  	_ =	shalt  }
0x6e: {  	_ =	shalt  }
0x6f: {  	_ =	shalt  }
0x70: {  	_ =	shalt  }
0x71: {  	_ =	shalt  }
0x72: {  	_ =	shalt  }
0x73: {  	_ =	shalt  }
0x74: {  	_ =	shalt  }
0x75: {  	_ =	shalt  }
0x76: {  	_ =	shalt  }
0x77: {  	_ =	shalt  }
0x78: {  	_ =	shalt  }
0x79: {  	_ =	shalt  }
0x7a: {  	_ =	shalt  }
0x7b: {  	_ =	shalt  }
0x7c: {  	_ =	shalt  }
0x7d: {  	_ =	shalt  }
0x7e: {  	_ =	shalt  }
0x7f: {  	_ =	shalt  }
0x80: {  	_ =	shalt  }
0x81: {  	_ =	shalt  }
0x82: {  	_ =	shalt  }
0x83: {  	_ =	shalt  }
0x84: {  	_ =	shalt  }
0x85: {  	_ =	shalt  }
0x86: {  	_ =	shalt  }
0x87: {  	_ =	shalt  }
.Lfunc_end0:
.L_simem_size_0:
called_computation_lowered:
.L_overlay_start_0:
0x88: {  	s2 =	sld [smem:$0x3FD9]  }
0x89: {  	s3 =	sld [smem:$0x3FFE];
	_ =	sdelay $0x1  }
0x8a: {  	s1 =	srdreg.scid  }
0x8b: {  	s0 =	sand.u32 $0x1, s1  }
0x8c: {  	s16 =	sshll.u32 s0, $0xA;
	s2 =	sadd.s32 s3, s2  }
0x8d: {  	s2 =	sadd.s32 s2, s16  }
0x8e: {  	[smem:$0x3FC0] =	sst s2  }
0x8f: {  	_ = 	snop  }
0x90: {  	(tm) =	ssettm $0x1  }
0x91: {  	s17 =	sld [smem:$0x3FFB];
	_ =	sdelay $0x3  }
0x92: {  	_ =	strace s17  }
0x93: {  	s2 =	sld [smem:$0x3FFC];
	_ =	sdelay $0x3  }
0x94: {  	_ =	strace s2  }
0x95: {  	s2 =	sld [smem:$0x3FFD];
	_ =	sdelay $0x3  }
0x96: {  	_ =	strace s2  }
0x97: {  	_ =	strace $0x8FFFFFFF  }
0x98: {  	s18 =	sld [smem:$0x3FDB];
	_ =	sdelay $0x1  }
0x99: {  	s19 =	simm.s32 $_scs_section_size  }
0x9a: {  	s4 =	simm.s32 $_size__tile_overlayer_lowered;
	s5 =	simm.s32 $_tile_overlayer_lowered  }
0x9b: {  	s22 =	simm.s32 $0x1BFF;
	s21 =	sshll.u32 s5, $0x1;
	s2 =	sadd.s32 s19, s18  }
0x9c: {  	s6 =	simm.s32 $0x0;
	s20 =	sshll.u32 s4, $0x1;
	s4 =	sadd.s32 s21, s2  }
0x9d: {  	[timem:s6], [sflag:s22] =	dma.local [hbm:s4], s20  }
0x9e: {  	_ =	swait.ge [sflag:s22], s20  }
0x9f: {  	s3 =	ssub.s32 $0x0, s20;
	[sflag:s22] =	ssyncset.done $0x0  }
0xa0: {  	[sflag:s22] =	ssyncadd.s32 s3;
	_ =	sdelay $0x1  }
0xa1: {  	s23 =	simm.s32 $0x1B8B  }
0xa2: {  	_ =	swait.ge [sflag:s23], $0x1  }
0xa3: {  	[sflag:s23] =	ssyncset.done $0x0  }
0xa4: {  	s25 =	simm.s32 $0x1B8E;
	s24 =	sld [smem:$0x3FFE];
	[sflag:s23] =	ssyncadd.s32 $0xFFFFFFFF  }
0xa5: {  	s26 =	simm.s32 $execute0_lowered;
	[smem:$0x3FD2] =	sst s25  }
0xa6: {  	s4 =	sshll.u32 s26, $0x1;
	_ =	strace $0x80000046;
	[dreg:$0x1] =	wrdreg $0xFFFFFFFF  }
0xa7: {  	s28 =	simm.s32 $_size_execute0_lowered;
	s2 =	sadd.s32 s2, s4;
	[dreg:$0x0] =	wrdreg $0x0  }
0xa8: {  	s4 =	sshll.u32 s28, $0x1;
	[dreg:$0x2] =	wrdreg s2  }
0xa9: {  	[dreg:$0x3] =	wrdreg s4  }
0xaa: {  	[dreg:$0x4] =	wrdreg $0xC0  }
0xab: {  	_ =	task [dreg:s6], $0x5FFFF  }
0xac: {  	[dreg:$0x1] =	wrdreg $0xFFFFFFFF  }
0xad: {  	[dreg:$0x0] =	wrdreg $0x60  }
0xae: {  	[dreg:$0x2] =	wrdreg s24  }
0xaf: {  	[dreg:$0x3] =	wrdreg $0x44000  }
0xb0: {  	[dreg:$0x4] =	wrdreg $0x187000  }
0xb1: {  	[dreg:$0x5] =	wrdreg $0x9  }
0xb2: {  	_ =	task.clear_ibuf [dreg:s6], $0x6FFFF;
	_ =	strace $0x90000046  }
0xb3: {  	s29 =	simm.s32 $0x9;
	_ =	strace $0x80000048  }
0xb4: {  	_ =	swait.ge [sflag:s29], $0x1  }
0xb5: {  	[sflag:s29] =	ssyncadd.s32 $0xFFFFFFFF  }
0xb6: {  	_ =	strace $0x90000048  }
0xb7: {  	_ =	sfence  }
0xb8: {  	s30 =	sld [smem:$0x0];
	_ =	sdelay $0x2  }
0xb9: {  	s31 =	sshll.u32 s1, $0xD;
	s1 =	sshrl.u32 s1, $0x2  }
0xba: {  	s3 =	sand.u32 $0x4000, s31;
	s1 =	sadd.s32 s1, s30  }
0xbb: {  	s0 =	sor.u32 s3, s0;
	s1 =	sshll.u32 s1, $0x11  }
0xbc: {  	s0 =	sor.u32 s1, s0  }
0xbd: {  	s0 =	sadd.s32 $0x8F2B, s0  }
0xbe: {  	[sflag:s0] =	ssyncadd.remote.s32 $0x1  }
0xbf: {  	_ =	sfence.sel $0xFFFF  }
0xc0: {  	[dreg:$0x0] =	wrdreg $0xFFFFFFFF;
	(pc) =	sbr.abs _section_cstart, $3  }
0xc1: {  	[dreg:$0x1] =	wrdreg $0xFFFFFFFF  }
0xc2: {  	_ =	task.clear_ibuf [dreg:s6], $0x2FFFF;
	_ =	strace $0x9FFFFFFF  }
0xc3: {  	(tm) =	ssettm $0x7FFFFFFF  }
tec
execute0_lowered:
.L_overlay_start_1:
0x0: {  	(tag) =	ssettag $0x1  }
0x1: {  	s0 =	rddreg [dreg:$0x0]  }
0x2: {  	s1 =	rddreg [dreg:$0x1]  }
0x3: {  	s2 =	rddreg [dreg:$0x2]  }
0x4: {  	s3 =	srdreg.scid;
	s13 =	stileid.u32  }
0x5: {  	s4 =	simm.s32 $0x0;
	s29 =	simm.s32 $0x400;
	s7 =	smul.u32 $0x14000, s13  }
0x6: {  	s28 =	simm.s32 $0xA;
	s3 =	sand.u32 $0x1, s3;
	s8 =	smul.u32 $0x500, s13  }
0x7: {  	[smem:$0x7FF] =	sst s4;
	s5 =	sadd.s32 $0x2A400, s0;
	s18 =	smul.u32 $0x50000, s13  }
0x8: {  	s10 =	sadd.s32 $0x2400, s0;
	s12 =	sshll.u32 s13, $0x1;
	s24 =	smul.u32 $0xA00, s13  }
0x9: {  	s6 =	smul.u32 $0x140000, s3;
	_ =	strace $0x80000047;
	s9 =	sshll.u32 s3, $0x7  }
0xa: {  	s19 =	ssub.s32 $0x2, s3;
	s20 =	sor.u32 s3, s12;
	s3 =	smul.u32 $0xA000, s3  }
0xb: {  	s12 =	simm.s32 $0x2;
	s8 =	sor.u32 s9, s8;
	s9 =	sshrl.u32 s18, $0x2  }
0xc: {  	s15 =	sshrl.u32 s24, $0x2;
	s6 =	sadd.s32 s7, s6;
	s14 =	sadd.s32 s9, s1  }
0xd: {  	s3 =	sadd.s32 s3, s7;
	s7 =	sadd.s32 s15, s2;
	[dreg:$0x4] =	wrdreg s14  }
0xe: {  	s11 =	sshrl.u32 s19, $0x1;
	s21 =	sadd.s32 $0x2000, s14;
	[dreg:$0xe] =	wrdreg s7  }
0xf: {  	s8 =	sshrl.u32 s8, $0x3;
	s22 =	sadd.s32 $0x4000, s14;
	[dreg:$0x5] =	wrdreg s21  }
0x10: {  	s9 =	smul.u32 $0xA000, s20;
	s23 =	sadd.s32 $0x6000, s14;
	[dreg:$0x6] =	wrdreg s22  }
0x11: {  	s15 =	simm.s32 $0x180;
	s25 =	sadd.s32 $0x8000, s14;
	[dreg:$0x7] =	wrdreg s23  }
0x12: {  	s6 =	sshrl.u32 s6, $0x3;
	s26 =	sadd.s32 $0xA000, s14;
	[dreg:$0x8] =	wrdreg s25  }
0x13: {  	s30 =	sadd.s32 $0xC000, s14;
	s31 =	sadd.s32 $0xE000, s14;
	[dreg:$0x9] =	wrdreg s26  }
0x14: {  	s13 =	sadd.s32 $0x10000, s14;
	s14 =	sadd.s32 $0x12000, s14;
	[dreg:$0xa] =	wrdreg s30  }
0x15: {  	s16 =	sor.u32 $0x600, s3;
	s6 =	sadd.s32 s6, s0;
	[dreg:$0xb] =	wrdreg s31  }
0x16: {  	s0 =	sadd.s32 s8, s0;
	s8 =	ssub.s32 s19, s11;
	[dreg:$0xc] =	wrdreg s13  }
0x17: {  	[dreg:$0xd] =	wrdreg s14;
	s9 =	sshrl.u32 s9, $0x3;
	s21 =	sshrl.u32 s16, $0x3  }
0x18: {  	s22 =	sor.u32 $0x500, s3;
	s23 =	sor.u32 $0x400, s3;
	s3 =	sor.u32 $0x300, s3  }
0x19: {  	s11 =	simm.s32 $0x18400;
	s13 =	simm.s32 $0x2400;
	s14 =	simm.s32 $0x6  }
0x1a: {  	s16 =	simm.s32 $0x380;
	s17 =	sadd.s32 s10, s9;
	s18 =	sadd.s32 s21, s10  }
0x1b: {  	s7 =	sshrl.u32 s22, $0x3;
	s9 =	sshrl.u32 s23, $0x3;
	s3 =	sshrl.u32 s3, $0x3  }
0x1c: {  	s25 =	sadd.s32 $0x52E00, s6;
	s0 =	sadd.s32 $0x52400, s0;
	s26 =	smax.u32 s8, $0x1  }
0x1d: {  	s8 =	simm.s32 $0x40;
	s22 =	simm.s32 $0x7;
	s23 =	simm.s32 $0x9  }
0x1e: {  	s6 =	simm.s32 $0x0;
	s19 =	sadd.s32 s7, s10;
	[dreg:$0x11] =	wrdreg s25  }
0x1f: {  	s20 =	sadd.s32 s9, s10;
	s21 =	sadd.s32 s3, s10;
	[dreg:$0x12] =	wrdreg s0  }
0x20: {  	s24 =	sadd.s32 $0x20, s17;
	[dreg:$0x13] =	wrdreg s26;
	s30 =	sadd.s32 $0x40, s17  }
.Ltmp0:
0x21: {  	[dreg:$0xf] =	wrdreg s17;
	s31 =	sadd.s32 $0x60, s17;
	(pc) =	sbr.rel .LBB2_1-.Ltmp0, $4  }
0x22: {  	s3 =	simm.s32 $0x200;
	s7 =	simm.s32 $0x1;
	[dreg:$0x18] =	wrdreg s18  }
0x23: {  	s9 =	simm.s32 $0x5;
	s10 =	simm.s32 $0x80;
	[dreg:$0x10] =	wrdreg s24  }
0x24: {  	s25 =	simm.s32 $0x280;
	s26 =	simm.s32 $0x8;
	[dreg:$0x14] =	wrdreg s30  }
0x25: {  	v0 =	vimm.f32 $0.0e+00;
	v1 =	vimm.f32 $1.000000000e+00;
	s17 =	simm.s32 $0x4;
	[dreg:$0x15] =	wrdreg s31;
	s24 =	simm.s32 $0x3  }
.LBB2_6:
0x26: {  	_ =	swait.ge [sflag:s26], $0x2000  }
0x27: {  	[sflag:s26] =	ssyncset.done $0x0  }
0x28: {  	[sflag:s26] =	ssyncadd.s32 $0xFFFFE000  }
0x29: {  	_ =	swait.ge [sflag:s28], $0x40  }
0x2a: {  	s0 =	stileid.u32;
	[sflag:s28] =	ssyncset.done $0x0  }
0x2b: {  	s0 =	sshll.u32 s0, $0x6;
	[sflag:s28] =	ssyncadd.s32 $0xFFFFFFC0  }
0x2c: {  	s4 =	sor.u32 $0x1C0B, s0;
	[bflag:$0x0] =	sbarrier.arrive $0xFFFF  }
0x2d: {  	[dreg:$0x17] =	wrdreg s4  }
0x2e: {  	s30 =	rddreg [dreg:$0x4]  }
0x2f: {  	s31 =	rddreg [dreg:$0x11];
	s6 =	sshrl.u32 s30, $0x3;
	s30 =	simm.s32 $0xB  }
0x30: {  	[hbm:s31], [sflag:s4] =	dma.local [spmem:s6], $0x2800  }
0x31: {  	_ =	swait.ge [sflag:s30], $0x2800  }
0x32: {  	s0 =	simm.s32 $0x10;
	s31 =	rddreg [dreg:$0xe]  }
0x33: {  	s4 =	simm.s32 $0x20;
	[sflag:s30] =	ssyncset.done $0x0;
	s18 =	rddreg [dreg:$0x17]  }
0x34: {  	[sflag:s30] =	ssyncadd.s32 $0xFFFFD800;
	s6 =	sshrl.u32 s31, $0x3;
	s31 =	rddreg [dreg:$0x12]  }
0x35: {  	[hbm:s31@s4], [sflag:s18] =	dma.strided [spmem:s6@s0], $0x50, s7, $0x10   }
0x36: {  	s18 =	rddreg [dreg:$0x18];
	_ =	swait.ge [sflag:s30], $0x50  }
0x37: {  	s0 =	rddreg [dreg:$0x16]  }
0x38: {  	s31 =	rddreg [dreg:$0x13];
	s6 =	sadd.s32 $0x1, s0  }
0x39: {  	p0 =	sne.s32 s6, s31  }
.Ltmp1:
0x3a: {  	_ = 	snop;
	(pc) =	sbr.rel @!p0 .LBB2_7-.Ltmp1, $3  }
0x3b: {  	_ =	sdelay $0x1  }
0x3c: {  	[sflag:s30] =	ssyncset.done $0x0  }
0x3d: {  	s4 =	simm.s32 $0x0;
	[sflag:s30] =	ssyncadd.s32 $0xFFFFFFB0  }
.LBB2_1:
0x3e: {  	[dreg:$0x16] =	wrdreg s6;
	s6 =	simm.s32 $0x0;
	s0 =	simm.s32 $0x200  }
.LBB2_2:
0x3f: {  	p0 =	sne.s32 s0, $0x7E00;
	[tilespmem:s6+$0x470] =	vst v0  }
0x40: {  	[tilespmem:s6+$0x400] =	vst v0  }
0x41: {  	[tilespmem:s6+$0x410] =	vst v0  }
.Ltmp2:
0x42: {  	[tilespmem:s6+$0x420] =	vst v0;
	(pc) =	sbr.rel @p0 .LBB2_2-.Ltmp2, $4  }
0x43: {  	[tilespmem:s6+$0x430] =	vst v0  }
0x44: {  	[tilespmem:s6+$0x440] =	vst v0  }
0x45: {  	[tilespmem:s6+$0x450] =	vst v0  }
0x46: {  	[tilespmem:s6+$0x460] =	vst v0;
	s6 =	sshra.s32 s0, $0x2;
	s0 =	sadd.s32 $0x200, s0  }
0x47: {  	[tilespmem:s6+$0x470] =	vst v0  }
0x48: {  	[tilespmem:s6+$0x400] =	vst v0  }
0x49: {  	[tilespmem:s6+$0x410] =	vst v0  }
0x4a: {  	[tilespmem:s6+$0x420] =	vst v0  }
0x4b: {  	[tilespmem:s6+$0x430] =	vst v0  }
0x4c: {  	[tilespmem:s6+$0x440] =	vst v0  }
0x4d: {  	[tilespmem:s6+$0x450] =	vst v0  }
0x4e: {  	[tilespmem:s6+$0x460] =	vst v0;
	s0 =	rddreg [dreg:$0x4];
	s6 =	simm.s32 $0xB  }
0x4f: {  	[spmem:s0] =	stream.linear.scatter [tilespmem:s29], [sflag:$0xB], $0x2000, $0x38;
	[tilespmem:$0x18980] =	vst v63  }
0x50: {  	_ =	swait.ge [sflag:s6], $0x2000  }
0x51: {  	[sflag:s6] =	ssyncset.done $0x0  }
0x52: {  	s30 =	rddreg [dreg:$0x5];
	[sflag:s6] =	ssyncadd.s32 $0xFFFFE000  }
0x53: {  	[spmem:s30] =	stream.linear.scatter [tilespmem:s29], [sflag:$0xB], $0x2000, $0x38;
	[tilespmem:$0x18980] =	vst v63  }
0x54: {  	_ =	swait.ge [sflag:s6], $0x2000  }
0x55: {  	[sflag:s6] =	ssyncset.done $0x0  }
0x56: {  	s31 =	rddreg [dreg:$0x6];
	[sflag:s6] =	ssyncadd.s32 $0xFFFFE000  }
0x57: {  	[spmem:s31] =	stream.linear.scatter [tilespmem:s29], [sflag:$0xB], $0x2000, $0x38;
	[tilespmem:$0x18980] =	vst v63  }
0x58: {  	_ =	swait.ge [sflag:s6], $0x2000  }
0x59: {  	[sflag:s6] =	ssyncset.done $0x0  }
0x5a: {  	s30 =	rddreg [dreg:$0x7];
	[sflag:s6] =	ssyncadd.s32 $0xFFFFE000  }
0x5b: {  	[spmem:s30] =	stream.linear.scatter [tilespmem:s29], [sflag:$0xB], $0x2000, $0x38;
	[tilespmem:$0x18980] =	vst v63  }
0x5c: {  	_ =	swait.ge [sflag:s6], $0x2000  }
0x5d: {  	[sflag:s6] =	ssyncset.done $0x0  }
0x5e: {  	s31 =	rddreg [dreg:$0x8];
	[sflag:s6] =	ssyncadd.s32 $0xFFFFE000  }
0x5f: {  	[spmem:s31] =	stream.linear.scatter [tilespmem:s29], [sflag:$0xB], $0x2000, $0x38;
	[tilespmem:$0x18980] =	vst v63  }
0x60: {  	_ =	swait.ge [sflag:s6], $0x2000  }
0x61: {  	[sflag:s6] =	ssyncset.done $0x0  }
0x62: {  	s30 =	rddreg [dreg:$0x9];
	[sflag:s6] =	ssyncadd.s32 $0xFFFFE000  }
0x63: {  	[spmem:s30] =	stream.linear.scatter [tilespmem:s29], [sflag:$0xB], $0x2000, $0x38;
	[tilespmem:$0x18980] =	vst v63  }
0x64: {  	_ =	swait.ge [sflag:s6], $0x2000  }
0x65: {  	[sflag:s6] =	ssyncset.done $0x0  }
0x66: {  	s31 =	rddreg [dreg:$0xa];
	[sflag:s6] =	ssyncadd.s32 $0xFFFFE000  }
0x67: {  	[spmem:s31] =	stream.linear.scatter [tilespmem:s29], [sflag:$0xB], $0x2000, $0x38;
	[tilespmem:$0x18980] =	vst v63  }
0x68: {  	_ =	swait.ge [sflag:s6], $0x2000  }
0x69: {  	[sflag:s6] =	ssyncset.done $0x0  }
0x6a: {  	s30 =	rddreg [dreg:$0xb];
	[sflag:s6] =	ssyncadd.s32 $0xFFFFE000  }
0x6b: {  	[spmem:s30] =	stream.linear.scatter [tilespmem:s29], [sflag:$0xB], $0x2000, $0x38;
	[tilespmem:$0x18980] =	vst v63  }
0x6c: {  	_ =	swait.ge [sflag:s6], $0x2000  }
0x6d: {  	[sflag:s6] =	ssyncset.done $0x0  }
0x6e: {  	s31 =	rddreg [dreg:$0xc];
	[sflag:s6] =	ssyncadd.s32 $0xFFFFE000  }
0x6f: {  	[spmem:s31] =	stream.linear.scatter [tilespmem:s29], [sflag:$0xB], $0x2000, $0x38;
	[tilespmem:$0x18980] =	vst v63  }
0x70: {  	_ =	swait.ge [sflag:s6], $0x2000  }
0x71: {  	[sflag:s6] =	ssyncset.done $0x0  }
0x72: {  	s30 =	rddreg [dreg:$0xd];
	[sflag:s6] =	ssyncadd.s32 $0xFFFFE000  }
0x73: {  	[spmem:s30] =	stream.linear.scatter [tilespmem:s29], [sflag:$0xB], $0x2000, $0x38;
	[tilespmem:$0x18980] =	vst v63  }
0x74: {  	_ =	swait.ge [sflag:s6], $0x2000  }
0x75: {  	[sflag:s6] =	ssyncset.done $0x0  }
0x76: {  	[sflag:s6] =	ssyncadd.s32 $0xFFFFE000  }
0x77: {  	[tilespmem:$0x18400] =	vst v1  }
0x78: {  	[tilespmem:$0x18410] =	vst v1  }
0x79: {  	[tilespmem:$0x18420] =	vst v1  }
0x7a: {  	[tilespmem:$0x18430] =	vst v1  }
0x7b: {  	[tilespmem:$0x18480] =	vst v0  }
0x7c: {  	[tilespmem:$0x18490] =	vst v0  }
0x7d: {  	[tilespmem:$0x184A0] =	vst v0  }
0x7e: {  	[tilespmem:$0x184B0] =	vst v0  }
0x7f: {  	[tilespmem:$0x184C0] =	vst v0  }
0x80: {  	[tilespmem:$0x184D0] =	vst v0  }
0x81: {  	[tilespmem:$0x184E0] =	vst v0  }
0x82: {  	[tilespmem:$0x184F0] =	vst v0  }
0x83: {  	[tilespmem:$0x18500] =	vst v0  }
0x84: {  	[tilespmem:$0x18510] =	vst v0  }
0x85: {  	[tilespmem:$0x18520] =	vst v0  }
0x86: {  	[tilespmem:$0x18530] =	vst v0  }
0x87: {  	[tilespmem:$0x18540] =	vst v0  }
0x88: {  	[tilespmem:$0x18550] =	vst v0  }
0x89: {  	[tilespmem:$0x18560] =	vst v0  }
0x8a: {  	[tilespmem:$0x18570] =	vst v0  }
0x8b: {  	[tilespmem:$0x18580] =	vst v0  }
0x8c: {  	[tilespmem:$0x18590] =	vst v0  }
0x8d: {  	[tilespmem:$0x185A0] =	vst v0  }
0x8e: {  	[tilespmem:$0x185B0] =	vst v0  }
0x8f: {  	[tilespmem:$0x185C0] =	vst v0  }
0x90: {  	[tilespmem:$0x185D0] =	vst v0  }
0x91: {  	[tilespmem:$0x185E0] =	vst v0  }
0x92: {  	[tilespmem:$0x185F0] =	vst v0  }
0x93: {  	[tilespmem:$0x18600] =	vst v0  }
0x94: {  	[tilespmem:$0x18610] =	vst v0  }
0x95: {  	[tilespmem:$0x18620] =	vst v0  }
0x96: {  	[tilespmem:$0x18630] =	vst v0  }
0x97: {  	[tilespmem:$0x18640] =	vst v0  }
0x98: {  	[tilespmem:$0x18650] =	vst v0  }
0x99: {  	[tilespmem:$0x18660] =	vst v0  }
0x9a: {  	[tilespmem:$0x18670] =	vst v0  }
0x9b: {  	[tilespmem:$0x18680] =	vst v0  }
0x9c: {  	[tilespmem:$0x18690] =	vst v0  }
0x9d: {  	[tilespmem:$0x186A0] =	vst v0  }
0x9e: {  	[tilespmem:$0x186B0] =	vst v0  }
0x9f: {  	[tilespmem:$0x186C0] =	vst v0  }
0xa0: {  	[tilespmem:$0x186D0] =	vst v0  }
0xa1: {  	[tilespmem:$0x186E0] =	vst v0  }
0xa2: {  	s31 =	simm.s32 $0x18480;
	s30 =	rddreg [dreg:$0xe];
	[tilespmem:$0x186F0] =	vst v0  }
0xa3: {  	[spmem:s30] =	stream.linear.scatter [tilespmem:s31], [sflag:$0xB], $0x280, $0x38;
	[tilespmem:$0x18980] =	vst v63  }
0xa4: {  	_ =	swait.ge [sflag:s6], $0x280  }
0xa5: {  	[sflag:s6] =	ssyncset.done $0x0  }
0xa6: {  	[sflag:s6] =	ssyncadd.s32 $0xFFFFFD80  }
0xa7: {  	[bflag:$0x0] =	sbarrier.arrive $0xFFFF  }
0xa8: {  	s6 =	simm.s32 $0x0;
	s30 =	rddreg [dreg:$0xf]  }
0xa9: {  	[tilespmem:s6], [sflag:$0x1] =	stream.linear.gather [hbm4b:s30+s6], $0x100, $0x38;
	[tilespmem:$0x18980] =	vst v63  }
0xaa: {  	s31 =	simm.s32 $0x100;
	s0 =	rddreg [dreg:$0x10]  }
0xab: {  	[tilespmem:s31], [sflag:$0x2] =	stream.linear.gather [hbm4b:s0+s6], $0x100, $0x38;
	[tilespmem:$0x18980] =	vst v63  }
0xac: {  	s30 =	rddreg [dreg:$0x14]  }
0xad: {  	[tilespmem:s3], [sflag:$0x3] =	stream.linear.gather [hbm4b:s30+s6], $0x100, $0x38;
	[tilespmem:$0x18980] =	vst v63  }
0xae: {  	s0 =	rddreg [dreg:$0x15];
	s31 =	simm.s32 $0x300  }
0xaf: {  	[tilespmem:s31], [sflag:$0x4] =	stream.linear.gather [hbm4b:s0+s6], $0x100, $0x38;
	[tilespmem:$0x18980] =	vst v63  }
0xb0: {  	_ =	swait.ge [sflag:s7], $0x100  }
0xb1: {  	[sflag:s7] =	ssyncset.done $0x0  }
0xb2: {  	[sflag:s7] =	ssyncadd.s32 $0xFFFFFF00  }
0xb3: {  	[tilespmem:s29], [sflag:$0x5] =	stream.indirect.gather [hbm4b:s5+s8], $0x80, s6, s8, $0xb8;
	[tilespmem:$0x18980] =	vst v63  }
.LBB2_4:
0xb4: {  	_ =	swait.ge [sflag:s9], $0x2000  }
0xb5: {  	[sflag:s9] =	ssyncset.done $0x0  }
0xb6: {  	p0 =	seq.s32 s6, $0x0;
	[sflag:s9] =	ssyncadd.s32 $0xFFFFE000  }
0xb7: {  	[spmem:s1] =	stream.indirect.scatter.add.f32 [tilespmem:s29], [sflag:$0x7], $0x80, s10, s8, $0xb8;
	[tilespmem:$0x18980] =	vst v63  }
0xb8: {  	s0 =	simm.s32 @!p0 $0x8  }
0xb9: {  	[spmem:s2] =	stream.indirect.scatter.add.f32 [tilespmem:s11], [sflag:$0x9], $0x1, s10, s8, $0xb8;
	[tilespmem:$0x18980] =	vst v63  }
0xba: {  	_ =	swait.ge @!p0 [sflag:s0], $0x2000  }
0xbb: {  	[sflag:s0] =	ssyncset.done @!p0 $0x0  }
0xbc: {  	[sflag:s0] =	ssyncadd.s32 @!p0 $0xFFFFE000;
	s0 =	simm.s32 @!p0 $0xA  }
0xbd: {  	_ =	swait.ge @!p0 [sflag:s0], $0x40  }
0xbe: {  	s31 =	simm.s32 @!p0 $0x0;
	[sflag:s0] =	ssyncset.done @!p0 $0x0  }
0xbf: {  	s30 =	simm.s32 @!p0 $0x300;
	[sflag:s0] =	ssyncadd.s32 @!p0 $0xFFFFFFC0;
	s0 =	sadd.s32 @!p0 s6, s21  }
0xc0: {  	[tilespmem:s30], [sflag:$0x4] =	stream.linear.gather @!p0 [hbm4b:s0+s31], $0x100, $0x38;
	[tilespmem:$0x18980] =	vst v63  }
0xc1: {  	_ =	swait.ge [sflag:s12], $0x100  }
0xc2: {  	[sflag:s12] =	ssyncset.done $0x0  }
0xc3: {  	s30 =	simm.s32 $0x100;
	[sflag:s12] =	ssyncadd.s32 $0xFFFFFF00  }
0xc4: {  	[tilespmem:s13], [sflag:$0x6] =	stream.indirect.gather [hbm4b:s5+s8], $0x80, s30, s8, $0xb8;
	[tilespmem:$0x18980] =	vst v63  }
0xc5: {  	_ =	swait.ge [sflag:s14], $0x2000  }
0xc6: {  	[sflag:s14] =	ssyncset.done $0x0  }
0xc7: {  	[sflag:s14] =	ssyncadd.s32 $0xFFFFE000  }
0xc8: {  	[spmem:s1] =	stream.indirect.scatter.add.f32 [tilespmem:s13], [sflag:$0x8], $0x80, s15, s8, $0xb8;
	[tilespmem:$0x18980] =	vst v63  }
0xc9: {  	_ = 	snop  }
0xca: {  	[spmem:s2] =	stream.indirect.scatter.add.f32 [tilespmem:s11], [sflag:$0xA], $0x1, s15, s8, $0xb8;
	[tilespmem:$0x18980] =	vst v63  }
0xcb: {  	_ =	swait.ge [sflag:s22], $0x2000  }
0xcc: {  	[sflag:s22] =	ssyncset.done $0x0  }
0xcd: {  	[sflag:s22] =	ssyncadd.s32 $0xFFFFE000  }
0xce: {  	_ =	swait.ge [sflag:s23], $0x40  }
0xcf: {  	p0 =	seq.s32 s6, $0x1380;
	[sflag:s23] =	ssyncset.done $0x0  }
0xd0: {  	s0 =	sadd.s32 @!p0 s6, s20;
	s30 =	simm.s32 @!p0 $0x0;
	[sflag:s23] =	ssyncadd.s32 $0xFFFFFFC0  }
0xd1: {  	[tilespmem:s30], [sflag:$0x1] =	stream.linear.gather @!p0 [hbm4b:s0+s30], $0x100, $0x38;
	[tilespmem:$0x18980] =	vst v63  }
0xd2: {  	_ =	swait.ge [sflag:s24], $0x100  }
0xd3: {  	[sflag:s24] =	ssyncset.done $0x0  }
0xd4: {  	[sflag:s24] =	ssyncadd.s32 $0xFFFFFF00  }
0xd5: {  	[tilespmem:s29], [sflag:$0x5] =	stream.indirect.gather [hbm4b:s5+s8], $0x80, s3, s8, $0xb8;
	[tilespmem:$0x18980] =	vst v63  }
0xd6: {  	_ =	swait.ge [sflag:s9], $0x2000  }
0xd7: {  	[sflag:s9] =	ssyncset.done $0x0  }
0xd8: {  	[sflag:s9] =	ssyncadd.s32 $0xFFFFE000  }
0xd9: {  	[spmem:s1] =	stream.indirect.scatter.add.f32 [tilespmem:s29], [sflag:$0x7], $0x80, s25, s8, $0xb8;
	[tilespmem:$0x18980] =	vst v63  }
0xda: {  	_ = 	snop  }
0xdb: {  	[spmem:s2] =	stream.indirect.scatter.add.f32 [tilespmem:s11], [sflag:$0x9], $0x1, s25, s8, $0xb8;
	[tilespmem:$0x18980] =	vst v63  }
0xdc: {  	_ =	swait.ge [sflag:s26], $0x2000  }
0xdd: {  	[sflag:s26] =	ssyncset.done $0x0  }
0xde: {  	[sflag:s26] =	ssyncadd.s32 $0xFFFFE000  }
0xdf: {  	_ =	swait.ge [sflag:s28], $0x40  }
0xe0: {  	[sflag:s28] =	ssyncset.done $0x0  }
0xe1: {  	s31 =	simm.s32 @!p0 $0x100;
	s0 =	sadd.s32 @!p0 s6, s19;
	[sflag:s28] =	ssyncadd.s32 $0xFFFFFFC0  }
0xe2: {  	[tilespmem:s31], [sflag:$0x2] =	stream.linear.gather @!p0 [hbm4b:s0+s30], $0x100, $0x38;
	[tilespmem:$0x18980] =	vst v63  }
0xe3: {  	_ =	swait.ge [sflag:s17], $0x100  }
0xe4: {  	[sflag:s17] =	ssyncset.done $0x0  }
0xe5: {  	s31 =	simm.s32 $0x300;
	[sflag:s17] =	ssyncadd.s32 $0xFFFFFF00  }
0xe6: {  	[tilespmem:s13], [sflag:$0x6] =	stream.indirect.gather [hbm4b:s5+s8], $0x80, s31, s8, $0xb8;
	[tilespmem:$0x18980] =	vst v63  }
0xe7: {  	_ =	swait.ge [sflag:s14], $0x2000  }
0xe8: {  	[sflag:s14] =	ssyncset.done $0x0  }
0xe9: {  	[sflag:s14] =	ssyncadd.s32 $0xFFFFE000  }
0xea: {  	[spmem:s1] =	stream.indirect.scatter.add.f32 [tilespmem:s13], [sflag:$0x8], $0x80, s16, s8, $0xb8;
	[tilespmem:$0x18980] =	vst v63  }
0xeb: {  	_ = 	snop  }
0xec: {  	[spmem:s2] =	stream.indirect.scatter.add.f32 [tilespmem:s11], [sflag:$0xA], $0x1, s16, s8, $0xb8;
	[tilespmem:$0x18980] =	vst v63  }
0xed: {  	_ =	swait.ge [sflag:s22], $0x2000  }
.Ltmp3:
0xee: {  	[sflag:s22] =	ssyncset.done $0x0;
	(pc) =	sbr.rel @p0 .LBB2_6-.Ltmp3, $4  }
0xef: {  	[sflag:s22] =	ssyncadd.s32 $0xFFFFE000  }
0xf0: {  	_ =	swait.ge [sflag:s23], $0x40  }
0xf1: {  	[sflag:s23] =	ssyncset.done $0x0  }
0xf2: {  	[sflag:s23] =	ssyncadd.s32 $0xFFFFFFC0  }
0xf3: {  	s0 =	sadd.s32 s6, s18  }
0xf4: {  	[tilespmem:s3], [sflag:$0x3] =	stream.linear.gather [hbm4b:s0+s4], $0x100, $0x38;
	[tilespmem:$0x18980] =	vst v63  }
.Ltmp4:
0xf5: {  	_ = 	snop;
	(pc) =	sbr.rel .LBB2_4-.Ltmp4, $4  }
0xf6: {  	_ =	swait.ge [sflag:s7], $0x100  }
0xf7: {  	[sflag:s7] =	ssyncset.done $0x0  }
0xf8: {  	s6 =	sadd.s32 $0x80, s6;
	[sflag:s7] =	ssyncadd.s32 $0xFFFFFF00  }
0xf9: {  	[tilespmem:s29], [sflag:$0x5] =	stream.indirect.gather [hbm4b:s5+s8], $0x80, s4, s8, $0xb8;
	[tilespmem:$0x18980] =	vst v63  }
.LBB2_7:
0xfa: {  	_ =	sfence.sel $0x180000  }
0xfb: {  	[bflag:$0x0] =	sbarrier.arrive $0xFFFF  }
0xfc: {  	_ =	strace $0x90000047  }
0xfd: {  	s0 =	stileid.u32;
	[bflag:$0x2] =	sbarrier.arrive $0xFFFF  }
0xfe: {  	p0 =	sne.s32 s0, $0x0;
	s0 =	rddreg [dreg:$0x3]  }
0xff: {  	s0 =	sadd.s32 @!p0 $0x100000, s0  }
0x100: {  	[sflag:s0] =	ssyncadd.tile.s32 @!p0 $0x1;
	_ =	shalt  }
.Lfunc_end2:
_tile_overlayer_lowered:
.L_overlay_start_2:
0x101: {  	(tag) =	ssettag $0x2  }
0x102: {  	s0 =	rddreg [dreg:$0x0];
	s2 =	stileid.u32  }
0x103: {  	s1 =	rddreg [dreg:$0x1];
	p0 =	sne.s32 s2, $0x0  }
0x104: {  	s3 =	rddreg [dreg:$0x2];
	[bflag:$0x3] =	sbarrier.arrive $0xFFFF;
	s2 =	simm.s32 @!p0 $0x1C0B  }
0x105: {  	[timem:s3], [sflag:s2] =	dma.local @!p0 [hbm:s0], s1  }
0x106: {  	s0 =	simm.s32 @!p0 $0xB  }
0x107: {  	_ =	swait.ge @!p0 [sflag:s0], s1  }
0x108: {  	s1 =	ssub.s32 @!p0 $0x0, s1;
	[sflag:s0] =	ssyncset.done @!p0 $0x0  }
0x109: {  	[sflag:s0] =	ssyncadd.s32 @!p0 s1  }
0x10a: {  	[bflag:$0x3] =	sbarrier.arrive $0xFFFF  }
0x10b: {  	_ =	shalt  }

</sc_bundles>
